<compile_context>
chip_gen: v7x
topology: tpu7x:2x2x1
jax: 0.10.2.dev20260603
libtpu: 0.0.44.dev20260713+nightly
codegen_flags: <defaults>
</compile_context>

<pallas_src>
import functools

import jax
import jax.numpy as jnp
from jax import lax
from jax.experimental import pallas as pl
from jax.experimental.pallas import tpu as pltpu
from jax.experimental.pallas import tpu_sc as plsc

N = 10000
E = 320000
HID = 128
SW = 160
NC = 2
NS = 16
CHUNK = 128
EPW = E // NS
CH = (EPW + CHUNK - 1) // CHUNK
EPWP = CH * CHUNK
NP = 10240
RPW = NP // NS


def _dotT(a, w):
    return lax.dot_general(a, w, (((1,), (1,)), ((), ())),
                           preferred_element_type=jnp.float32)


def _pre_body(xf_ref, xl_ref, Wf_ref, Wl_ref, Gw1_ref, Ow_ref,
              S_ref, D0_ref, O0_ref):
    h0f = _dotT(xf_ref[...], Wf_ref[...])
    h0l = _dotT(xl_ref[...], Wl_ref[...])
    G = Gw1_ref[...]
    O = Ow_ref[...]
    s1 = jnp.concatenate(
        [_dotT(h0f, G[:, 128:256]) + _dotT(h0l, G[:, 512:640]),
         _dotT(h0f, O[:, 128:256]),
         _dotT(h0l, O[:, 128:256])], axis=1)
    s2 = jnp.concatenate(
        [_dotT(h0f, G[:, 256:384]) + _dotT(h0l, G[:, 640:768]),
         _dotT(h0f, O[:, 256:384]),
         _dotT(h0l, O[:, 256:384])], axis=1)
    S_ref[0] = s1
    S_ref[1] = s2
    D0_ref[...] = _dotT(h0f, G[:, 0:128]) + _dotT(h0l, G[:, 384:512])
    O0_ref[...] = jnp.concatenate(
        [_dotT(h0f, O[:, 0:128]), _dotT(h0l, O[:, 0:128])], axis=1)


def _pre_call(xf, xl, Wf, Wl, Gw1, Ow, block=2000):
    grid = (N // block,)
    full = lambda i: (0, 0)
    return pl.pallas_call(
        _pre_body,
        grid=grid,
        in_specs=[
            pl.BlockSpec((block, 128), lambda i: (i, 0)),
            pl.BlockSpec((block, 16), lambda i: (i, 0)),
            pl.BlockSpec((128, 128), full),
            pl.BlockSpec((128, 16), full),
            pl.BlockSpec((128, 768), full),
            pl.BlockSpec((16, 384), full),
        ],
        out_specs=[
            pl.BlockSpec((2, block, SW), lambda i: (0, i, 0)),
            pl.BlockSpec((block, 128), lambda i: (i, 0)),
            pl.BlockSpec((block, 32), lambda i: (i, 0)),
        ],
        out_shape=[
            jax.ShapeDtypeStruct((2, N, SW), jnp.float32),
            jax.ShapeDtypeStruct((N, 128), jnp.float32),
            jax.ShapeDtypeStruct((N, 32), jnp.float32),
        ],
    )(xf, xl, Wf, Wl, Gw1, Ow)


def _sc_body(S_hbm, src_hbm, dst_hbm, val_hbm, T_hbm,
             srcb, dstb, valb, rows, accum, semf, semg):
    c = lax.axis_index("c")
    s = lax.axis_index("s")

    def _fetch(g, b, start):
        op = pltpu.async_copy if start else pltpu.make_async_copy
        return (op(src_hbm.at[c, s, g], srcb.at[b], semf),
                op(dst_hbm.at[c, s, g], dstb.at[b], semf),
                op(val_hbm.at[c, s, g], valb.at[b], semf))

    _fetch(0, 0, True)

    def _zrow(r, _):
        for cc in range(SW // 16):
            rows[r, pl.ds(cc * 16, 16)] = jnp.zeros((16,), jnp.float32)
        return 0
    lax.fori_loop(0, CHUNK, _zrow, 0)
    base = s * RPW
    for k in range(RPW // CHUNK):
        pltpu.sync_copy(rows, accum.at[pl.ds(base + k * CHUNK, CHUNK)])
    plsc.subcore_barrier()

    def _chunk(g, _):
        b = lax.rem(g, 2)
        for d in _fetch(g, b, False):
            d.wait()
        @pl.when(g + 1 < CH)
        def _():
            _fetch(g + 1, 1 - b, True)

        pltpu.async_copy(S_hbm.at[srcb.at[b]], rows, semg).wait()

        def _rowgrp(jj, _):
            vv = valb[b, pl.ds(jj * 16, 16)]
            for k in range(16):
                sv = jnp.full((16,), vv[k], dtype=jnp.float32)
                r = jj * 16 + k
                for cc in range(SW // 16):
                    sl = pl.ds(cc * 16, 16)
                    rows[r, sl] = rows[r, sl] * sv
            return 0
        lax.fori_loop(0, CHUNK // 16, _rowgrp, 0)
        pltpu.sync_copy(rows, accum.at[dstb.at[b]], add=True)
        return 0
    lax.fori_loop(0, CH, _chunk, 0)
    plsc.subcore_barrier()

    pltpu.sync_copy(accum.at[pl.ds(base, RPW)], T_hbm.at[c, pl.ds(base, RPW)])


def _sc_call(S, src, dst, val):
    mesh = plsc.VectorSubcoreMesh(core_axis_name="c", subcore_axis_name="s")
    return pl.kernel(
        _sc_body,
        out_type=jax.ShapeDtypeStruct((2, NP, SW), jnp.float32),
        mesh=mesh,
        scratch_types=[
            pltpu.VMEM((2, CHUNK), jnp.int32),
            pltpu.VMEM((2, CHUNK), jnp.int32),
            pltpu.VMEM((2, CHUNK), jnp.float32),
            pltpu.VMEM((CHUNK, SW), jnp.float32),
            pltpu.VMEM_SHARED((NP, SW), jnp.float32),
            pltpu.SemaphoreType.DMA,
            pltpu.SemaphoreType.DMA,
        ],
        compiler_params=pltpu.CompilerParams(use_tc_tiling_on_sc=False),
    )(S, src, dst, val)


def _post_body(T_ref, D0_ref, O0_ref, Gb1_ref, Gw2_ref, Gb2_ref, Ob_ref,
               out_ref, gate_ref):
    t1 = T_ref[0]
    t2 = T_ref[1]
    relu_in = D0_ref[...] + t1[:, :128] + t2[:, :128] + Gb1_ref[...]
    r = jnp.maximum(relu_in, 0.0)
    z8 = _dotT(r, Gw2_ref[...]) + Gb2_ref[0, 0]
    g8 = jax.nn.sigmoid(z8)
    col = lax.broadcasted_iota(jnp.int32, (384, 8), 1)
    gb = _dotT(g8, (col == 0).astype(jnp.float32))
    g16 = gb[:, 0:16]
    outf = O0_ref[:, 0:16] + t1[:, 128:144] + t2[:, 128:144]
    outl = O0_ref[:, 16:32] + t1[:, 144:160] + t2[:, 144:160]
    out_ref[...] = g16 * outf + (1.0 - g16) * outl + Ob_ref[...]
    gate_ref[...] = gb


def _post_call(T, D0, O0, Gb1, Gw2, Gb2, Ob, block=2000):
    grid = (N // block,)
    full = lambda i: (0, 0)
    return pl.pallas_call(
        _post_body,
        grid=grid,
        in_specs=[
            pl.BlockSpec((2, block, SW), lambda i: (0, i, 0)),
            pl.BlockSpec((block, 128), lambda i: (i, 0)),
            pl.BlockSpec((block, 32), lambda i: (i, 0)),
            pl.BlockSpec((1, 128), full),
            pl.BlockSpec((8, 128), full),
            pl.BlockSpec(memory_space=pltpu.SMEM),
            pl.BlockSpec((1, 16), full),
        ],
        out_specs=[
            pl.BlockSpec((block, 16), lambda i: (i, 0)),
            pl.BlockSpec((block, 384), lambda i: (i, 0)),
        ],
        out_shape=[
            jax.ShapeDtypeStruct((N, 16), jnp.float32),
            jax.ShapeDtypeStruct((N, 384), jnp.float32),
        ],
    )(T, D0, O0, Gb1, Gw2, Gb2, Ob)


_ER = E // CHUNK
_PR = NS * CH

def _prep_body(a1i_ref, a1v_ref, a2i_ref, a2v_ref,
               srcp_ref, dstp_ref, valp_ref):
    zi = jnp.zeros((_PR - _ER, CHUNK), jnp.int32)
    zf = jnp.zeros((_PR - _ER, CHUNK), jnp.float32)
    srcp_ref[0] = jnp.concatenate([a1i_ref[1], zi], axis=0)
    srcp_ref[1] = jnp.concatenate([a2i_ref[1] + N, zi], axis=0)
    dstp_ref[0] = jnp.concatenate([a1i_ref[0], zi], axis=0)
    dstp_ref[1] = jnp.concatenate([a2i_ref[0], zi], axis=0)
    valp_ref[0] = jnp.concatenate([a1v_ref[...], zf], axis=0)
    valp_ref[1] = jnp.concatenate([a2v_ref[...], zf], axis=0)


def _prep_call(a1i, a1v, a2i, a2v):
    full2 = lambda: (0, 0)
    full3 = lambda: (0, 0, 0)
    return pl.pallas_call(
        _prep_body,
        in_specs=[
            pl.BlockSpec((2, _ER, CHUNK), full3),
            pl.BlockSpec((_ER, CHUNK), full2),
            pl.BlockSpec((2, _ER, CHUNK), full3),
            pl.BlockSpec((_ER, CHUNK), full2),
        ],
        out_specs=[
            pl.BlockSpec((2, _PR, CHUNK), full3),
            pl.BlockSpec((2, _PR, CHUNK), full3),
            pl.BlockSpec((2, _PR, CHUNK), full3),
        ],
        out_shape=[
            jax.ShapeDtypeStruct((2, _PR, CHUNK), jnp.int32),
            jax.ShapeDtypeStruct((2, _PR, CHUNK), jnp.int32),
            jax.ShapeDtypeStruct((2, _PR, CHUNK), jnp.float32),
        ],
    )(a1i, a1v, a2i, a2v)


def kernel(x_feat, x_label, adj1_idx, adj1_val, adj2_idx, adj2_val,
           Wf, Wl, Gw1, Gb1, Gw2, Gb2, Ow, Ob):
    S, D0, O0 = _pre_call(x_feat, x_label, Wf, Wl, Gw1, Ow)

    srcp, dstp, valp = _prep_call(
        adj1_idx.reshape(2, _ER, CHUNK), adj1_val.reshape(_ER, CHUNK),
        adj2_idx.reshape(2, _ER, CHUNK), adj2_val.reshape(_ER, CHUNK))
    shp = (2, NS, CH, CHUNK)
    T = _sc_call(S.reshape(2 * N, SW), srcp.reshape(shp),
                 dstp.reshape(shp), valp.reshape(shp))

    Gw2p = jnp.concatenate([Gw2, jnp.zeros((7, 128), jnp.float32)], axis=0)
    out, gate = _post_call(T, D0, O0,
                           Gb1.reshape(1, 128), Gw2p,
                           Gb2.reshape(1, 1), Ob.reshape(1, 16))
    return out, gate

# --- scband reference (transcript-rebuilt; emitter-appended) ---
"""Pipeline reference for scband-robust-h2-gcn-58145267253792 (READ-ONLY COPY).

The authoritative reference and input builder live on the scoring server;
editing this copy changes nothing except your own understanding.
"""

import jax, jax.numpy as jnp
import numpy as np

N = 10000
E = 320000
D_FEAT = 128
D_LABEL = 16
HID = 128
OUT = 16


def spmm(idx, val, h, n):
    # sparse COO matmul: out[row] += val * h[col]
    msgs = h[idx[1]] * val[:, None]
    return jax.ops.segment_sum(msgs, idx[0], num_segments=n)


def setup_inputs(seed: int = 0) -> dict:
    key = jax.random.key(seed)
    ks = jax.random.split(key, 14)
    x_feat = jax.random.normal(ks[0], (N, D_FEAT), dtype=jnp.float32)
    x_label = jax.random.uniform(ks[1], (N, D_LABEL), dtype=jnp.float32)
    adj1_idx = jax.random.randint(ks[2], (2, E), 0, N, dtype=jnp.int32)
    adj1_val = jax.random.uniform(ks[3], (E,), dtype=jnp.float32) * (1.0 / 32.0)
    adj2_idx = jax.random.randint(ks[4], (2, E), 0, N, dtype=jnp.int32)
    adj2_val = jax.random.uniform(ks[5], (E,), dtype=jnp.float32) * (1.0 / 32.0)
    # parameters (PyTorch Linear convention: W [out, in], y = x @ W.T + b)
    Wf = jax.random.normal(ks[6], (HID, D_FEAT), dtype=jnp.float32) * (1.0 / np.sqrt(D_FEAT))
    Wl = jax.random.normal(ks[7], (HID, D_LABEL), dtype=jnp.float32) * (1.0 / np.sqrt(D_LABEL))
    branch_dim = 3 * HID  # (2*num_layers+1)*hidden, num_layers=1
    gate_in_dim = 2 * branch_dim
    Gw1 = jax.random.normal(ks[8], (HID, gate_in_dim), dtype=jnp.float32) * (1.0 / np.sqrt(gate_in_dim))
    Gb1 = jnp.zeros((HID,), dtype=jnp.float32)
    Gw2 = jax.random.normal(ks[9], (1, HID), dtype=jnp.float32) * (1.0 / np.sqrt(HID))
    Gb2 = jnp.zeros((1,), dtype=jnp.float32)
    Ow = jax.random.normal(ks[10], (OUT, branch_dim), dtype=jnp.float32) * (1.0 / np.sqrt(branch_dim))
    Ob = jnp.zeros((OUT,), dtype=jnp.float32)
    return {
        "x_feat": x_feat, "x_label": x_label,
        "adj1_idx": adj1_idx, "adj1_val": adj1_val,
        "adj2_idx": adj2_idx, "adj2_val": adj2_val,
        "Wf": Wf, "Wl": Wl,
        "Gw1": Gw1, "Gb1": Gb1, "Gw2": Gw2, "Gb2": Gb2,
        "Ow": Ow, "Ob": Ob,
    }


def reference(x_feat, x_label, adj1_idx, adj1_val, adj2_idx, adj2_val,
              Wf, Wl, Gw1, Gb1, Gw2, Gb2, Ow, Ob):
    def branch(x, W):
        h0 = x @ W.T
        h1 = spmm(adj1_idx, adj1_val, h0, N)
        h2 = spmm(adj2_idx, adj2_val, h0, N)
        return jnp.concatenate([h0, h1, h2], axis=1)

    h_feat = branch(x_feat, Wf)   # dropout is identity in eval / p=0
    h_label = branch(x_label, Wl)
    gate_input = jnp.concatenate([h_feat, h_label], axis=1)
    g = jax.nn.sigmoid(jax.nn.relu(gate_input @ Gw1.T + Gb1) @ Gw2.T + Gb2)  # [N, 1]
    gate = jnp.broadcast_to(g, h_feat.shape)
    h_fused = gate * h_feat + (1.0 - gate) * h_label
    out = h_fused @ Ow.T + Ob
    return (out, gate)

if __name__ == "__main__":
    import jax
    _d = setup_inputs()
    print(jax.jit(kernel)(*tuple(_d.values())))

</pallas_src>

<mosaic_0001>
#map = affine_map<(d0, d1) -> (0, 0)>
#map1 = affine_map<(d0, d1) -> (0, 0, 0, 0)>
#map2 = affine_map<(d0, d1) -> (0, 0, 0)>
module attributes {stable_mosaic.version = 14 : i64} {
  func.func @_sc_body(%arg0: i32, %arg1: i32, %arg2: memref<20000x160xf32, #tpu.memory_space<hbm>>, %arg3: memref<2x16x157x128xi32, #tpu.memory_space<hbm>>, %arg4: memref<2x16x157x128xi32, #tpu.memory_space<hbm>>, %arg5: memref<2x16x157x128xf32, #tpu.memory_space<hbm>>, %arg6: memref<2x10240x160xf32, #tpu.memory_space<hbm>>, %arg7: memref<2x128xi32, #tpu.memory_space<vmem>>, %arg8: memref<2x128xi32, #tpu.memory_space<vmem>>, %arg9: memref<2x128xf32, #tpu.memory_space<vmem>>, %arg10: memref<128x160xf32, #tpu.memory_space<vmem>>, %arg11: memref<10240x160xf32, #tpu.memory_space<vmem_shared>>, %arg12: memref<!tpu.dma_semaphore, #tpu.memory_space<semaphore_mem>>, %arg13: memref<!tpu.dma_semaphore, #tpu.memory_space<semaphore_mem>>) attributes {dimension_semantics = [#tpu.dimension_semantics<core_parallel>, #tpu.dimension_semantics<subcore_parallel>], iteration_bounds = array<i64: 2, 16>, scalar_prefetch = 0 : i64, scratch_operands = 7 : i64, tpu.core_type = #tpu.core_type<sc_vector_subcore>, window_params = [{transform_indices = #map}, {transform_indices = #map1}, {transform_indices = #map1}, {transform_indices = #map1}, {transform_indices = #map2}]} {
    %dma_start3A = arith.constant 0 : i32
    %dma_start3A_0 = arith.constant 0 : i32
    %dma_start3A_1 = arith.constant 0 : i32
    %dma_start3A_2 = tpu.memref_slice %arg7[%dma_start3A_0, %dma_start3A_1] : memref<2x128xi32, #tpu.memory_space<vmem>> -> memref<1x128xi32, #tpu.memory_space<vmem>>
    %dma_start3A_3 = tpu.memref_squeeze %dma_start3A_2 : memref<1x128xi32, #tpu.memory_space<vmem>> -> memref<128xi32, #tpu.memory_space<vmem>>
    %dma_start3A_4 = arith.constant 0 : i32
    %dma_start3A_5 = tpu.memref_slice %arg3[%arg0, %arg1, %dma_start3A, %dma_start3A_4] : memref<2x16x157x128xi32, #tpu.memory_space<hbm>> -> memref<1x1x1x128xi32, #tpu.memory_space<hbm>>
    %dma_start3A_6 = tpu.memref_squeeze %dma_start3A_5 : memref<1x1x1x128xi32, #tpu.memory_space<hbm>> -> memref<128xi32, #tpu.memory_space<hbm>>
    %dma_start3A_7 = arith.constant 0 : i32
    %dma_start3A_8 = tpu.memref_slice %arg7[%dma_start3A_0, %dma_start3A_7] : memref<2x128xi32, #tpu.memory_space<vmem>> -> memref<1x128xi32, #tpu.memory_space<vmem>>
    %dma_start3A_9 = tpu.memref_squeeze %dma_start3A_8 : memref<1x128xi32, #tpu.memory_space<vmem>> -> memref<128xi32, #tpu.memory_space<vmem>>
    %dma_start3A_10 = arith.constant 0 : i32
    %dma_start3A_11 = tpu.memref_slice %arg3[%arg0, %arg1, %dma_start3A, %dma_start3A_10] : memref<2x16x157x128xi32, #tpu.memory_space<hbm>> -> memref<1x1x1x128xi32, #tpu.memory_space<hbm>>
    %dma_start3A_12 = tpu.memref_squeeze %dma_start3A_11 : memref<1x1x1x128xi32, #tpu.memory_space<hbm>> -> memref<128xi32, #tpu.memory_space<hbm>>
    tpu.enqueue_dma source(%dma_start3A_12 : memref<128xi32, #tpu.memory_space<hbm>>) target(%dma_start3A_9 : memref<128xi32, #tpu.memory_space<vmem>>) target_semaphore(%arg12 : memref<!tpu.dma_semaphore, #tpu.memory_space<semaphore_mem>>)
    %dma_start3A_13 = arith.constant 0 : i32
    %dma_start3A_14 = arith.constant 0 : i32
    %dma_start3A_15 = arith.constant 0 : i32
    %dma_start3A_16 = tpu.memref_slice %arg8[%dma_start3A_14, %dma_start3A_15] : memref<2x128xi32, #tpu.memory_space<vmem>> -> memref<1x128xi32, #tpu.memory_space<vmem>>
    %dma_start3A_17 = tpu.memref_squeeze %dma_start3A_16 : memref<1x128xi32, #tpu.memory_space<vmem>> -> memref<128xi32, #tpu.memory_space<vmem>>
    %dma_start3A_18 = arith.constant 0 : i32
    %dma_start3A_19 = tpu.memref_slice %arg4[%arg0, %arg1, %dma_start3A_13, %dma_start3A_18] : memref<2x16x157x128xi32, #tpu.memory_space<hbm>> -> memref<1x1x1x128xi32, #tpu.memory_space<hbm>>
    %dma_start3A_20 = tpu.memref_squeeze %dma_start3A_19 : memref<1x1x1x128xi32, #tpu.memory_space<hbm>> -> memref<128xi32, #tpu.memory_space<hbm>>
    %dma_start3A_21 = arith.constant 0 : i32
    %dma_start3A_22 = tpu.memref_slice %arg8[%dma_start3A_14, %dma_start3A_21] : memref<2x128xi32, #tpu.memory_space<vmem>> -> memref<1x128xi32, #tpu.memory_space<vmem>>
    %dma_start3A_23 = tpu.memref_squeeze %dma_start3A_22 : memref<1x128xi32, #tpu.memory_space<vmem>> -> memref<128xi32, #tpu.memory_space<vmem>>
    %dma_start3A_24 = arith.constant 0 : i32
    %dma_start3A_25 = tpu.memref_slice %arg4[%arg0, %arg1, %dma_start3A_13, %dma_start3A_24] : memref<2x16x157x128xi32, #tpu.memory_space<hbm>> -> memref<1x1x1x128xi32, #tpu.memory_space<hbm>>
    %dma_start3A_26 = tpu.memref_squeeze %dma_start3A_25 : memref<1x1x1x128xi32, #tpu.memory_space<hbm>> -> memref<128xi32, #tpu.memory_space<hbm>>
    tpu.enqueue_dma source(%dma_start3A_26 : memref<128xi32, #tpu.memory_space<hbm>>) target(%dma_start3A_23 : memref<128xi32, #tpu.memory_space<vmem>>) target_semaphore(%arg12 : memref<!tpu.dma_semaphore, #tpu.memory_space<semaphore_mem>>)
    %dma_start3A_27 = arith.constant 0 : i32
    %dma_start3A_28 = arith.constant 0 : i32
    %dma_start3A_29 = arith.constant 0 : i32
    %dma_start3A_30 = tpu.memref_slice %arg9[%dma_start3A_28, %dma_start3A_29] : memref<2x128xf32, #tpu.memory_space<vmem>> -> memref<1x128xf32, #tpu.memory_space<vmem>>
    %dma_start3A_31 = tpu.memref_squeeze %dma_start3A_30 : memref<1x128xf32, #tpu.memory_space<vmem>> -> memref<128xf32, #tpu.memory_space<vmem>>
    %dma_start3A_32 = arith.constant 0 : i32
    %dma_start3A_33 = tpu.memref_slice %arg5[%arg0, %arg1, %dma_start3A_27, %dma_start3A_32] : memref<2x16x157x128xf32, #tpu.memory_space<hbm>> -> memref<1x1x1x128xf32, #tpu.memory_space<hbm>>
    %dma_start3A_34 = tpu.memref_squeeze %dma_start3A_33 : memref<1x1x1x128xf32, #tpu.memory_space<hbm>> -> memref<128xf32, #tpu.memory_space<hbm>>
    %dma_start3A_35 = arith.constant 0 : i32
    %dma_start3A_36 = tpu.memref_slice %arg9[%dma_start3A_28, %dma_start3A_35] : memref<2x128xf32, #tpu.memory_space<vmem>> -> memref<1x128xf32, #tpu.memory_space<vmem>>
    %dma_start3A_37 = tpu.memref_squeeze %dma_start3A_36 : memref<1x128xf32, #tpu.memory_space<vmem>> -> memref<128xf32, #tpu.memory_space<vmem>>
    %dma_start3A_38 = arith.constant 0 : i32
    %dma_start3A_39 = tpu.memref_slice %arg5[%arg0, %arg1, %dma_start3A_27, %dma_start3A_38] : memref<2x16x157x128xf32, #tpu.memory_space<hbm>> -> memref<1x1x1x128xf32, #tpu.memory_space<hbm>>
    %dma_start3A_40 = tpu.memref_squeeze %dma_start3A_39 : memref<1x1x1x128xf32, #tpu.memory_space<hbm>> -> memref<128xf32, #tpu.memory_space<hbm>>
    tpu.enqueue_dma source(%dma_start3A_40 : memref<128xf32, #tpu.memory_space<hbm>>) target(%dma_start3A_37 : memref<128xf32, #tpu.memory_space<vmem>>) target_semaphore(%arg12 : memref<!tpu.dma_semaphore, #tpu.memory_space<semaphore_mem>>)
    %scan3A = arith.constant 0 : i32
    %scan3A_41 = arith.constant 0 : i32
    %scan3A_42 = arith.constant 128 : i32
    %scan3A_43 = arith.addi %scan3A_41, %scan3A_42 : i32
    %scan3A_44 = arith.constant 1 : i32
    %scan3A_45 = scf.for %scan3A_65 = %scan3A_41 to %scan3A_43 step %scan3A_44 iter_args(%scan3A_66 = %scan3A) -> (i32)  : i32 {
      %broadcast_in_dim3A = arith.constant 0.000000e+00 : f32
      %broadcast_in_dim3A_67 = vector.broadcast %broadcast_in_dim3A : f32 to vector<16xf32>
      %swap3A = arith.index_cast %scan3A_65 : i32 to index
      %swap3A_68 = arith.constant 0 : index
      %swap3A_69 = tpu.vector_load %arg10[%swap3A, %swap3A_68] {strides = array<i32>} : memref<128x160xf32, #tpu.memory_space<vmem>>, vector<1x16xf32>,
      %swap3A_70 = vector.shape_cast %swap3A_69 : vector<1x16xf32> to vector<16xf32>
      %swap3A_71 = vector.shape_cast %broadcast_in_dim3A_67 : vector<16xf32> to vector<1x16xf32>
      tpu.vector_store %arg10[%swap3A, %swap3A_68], %swap3A_71 {strides = array<i32>} : memref<128x160xf32, #tpu.memory_space<vmem>>, vector<1x16xf32>,
      %broadcast_in_dim3A_72 = arith.constant 0.000000e+00 : f32
      %broadcast_in_dim3A_73 = vector.broadcast %broadcast_in_dim3A_72 : f32 to vector<16xf32>
      %swap3A_74 = arith.index_cast %scan3A_65 : i32 to index
      %swap3A_75 = arith.constant 16 : index
      %swap3A_76 = tpu.vector_load %arg10[%swap3A_74, %swap3A_75] {strides = array<i32>} : memref<128x160xf32, #tpu.memory_space<vmem>>, vector<1x16xf32>,
      %swap3A_77 = vector.shape_cast %swap3A_76 : vector<1x16xf32> to vector<16xf32>
      %swap3A_78 = vector.shape_cast %broadcast_in_dim3A_73 : vector<16xf32> to vector<1x16xf32>
      tpu.vector_store %arg10[%swap3A_74, %swap3A_75], %swap3A_78 {strides = array<i32>} : memref<128x160xf32, #tpu.memory_space<vmem>>, vector<1x16xf32>,
      %broadcast_in_dim3A_79 = arith.constant 0.000000e+00 : f32
      %broadcast_in_dim3A_80 = vector.broadcast %broadcast_in_dim3A_79 : f32 to vector<16xf32>
      %swap3A_81 = arith.index_cast %scan3A_65 : i32 to index
      %swap3A_82 = arith.constant 32 : index
      %swap3A_83 = tpu.vector_load %arg10[%swap3A_81, %swap3A_82] {strides = array<i32>} : memref<128x160xf32, #tpu.memory_space<vmem>>, vector<1x16xf32>,
      %swap3A_84 = vector.shape_cast %swap3A_83 : vector<1x16xf32> to vector<16xf32>
      %swap3A_85 = vector.shape_cast %broadcast_in_dim3A_80 : vector<16xf32> to vector<1x16xf32>
      tpu.vector_store %arg10[%swap3A_81, %swap3A_82], %swap3A_85 {strides = array<i32>} : memref<128x160xf32, #tpu.memory_space<vmem>>, vector<1x16xf32>,
      %broadcast_in_dim3A_86 = arith.constant 0.000000e+00 : f32
      %broadcast_in_dim3A_87 = vector.broadcast %broadcast_in_dim3A_86 : f32 to vector<16xf32>
      %swap3A_88 = arith.index_cast %scan3A_65 : i32 to index
      %swap3A_89 = arith.constant 48 : index
      %swap3A_90 = tpu.vector_load %arg10[%swap3A_88, %swap3A_89] {strides = array<i32>} : memref<128x160xf32, #tpu.memory_space<vmem>>, vector<1x16xf32>,
      %swap3A_91 = vector.shape_cast %swap3A_90 : vector<1x16xf32> to vector<16xf32>
      %swap3A_92 = vector.shape_cast %broadcast_in_dim3A_87 : vector<16xf32> to vector<1x16xf32>
      tpu.vector_store %arg10[%swap3A_88, %swap3A_89], %swap3A_92 {strides = array<i32>} : memref<128x160xf32, #tpu.memory_space<vmem>>, vector<1x16xf32>,
      %broadcast_in_dim3A_93 = arith.constant 0.000000e+00 : f32
      %broadcast_in_dim3A_94 = vector.broadcast %broadcast_in_dim3A_93 : f32 to vector<16xf32>
      %swap3A_95 = arith.index_cast %scan3A_65 : i32 to index
      %swap3A_96 = arith.constant 64 : index
      %swap3A_97 = tpu.vector_load %arg10[%swap3A_95, %swap3A_96] {strides = array<i32>} : memref<128x160xf32, #tpu.memory_space<vmem>>, vector<1x16xf32>,
      %swap3A_98 = vector.shape_cast %swap3A_97 : vector<1x16xf32> to vector<16xf32>
      %swap3A_99 = vector.shape_cast %broadcast_in_dim3A_94 : vector<16xf32> to vector<1x16xf32>
      tpu.vector_store %arg10[%swap3A_95, %swap3A_96], %swap3A_99 {strides = array<i32>} : memref<128x160xf32, #tpu.memory_space<vmem>>, vector<1x16xf32>,
      %broadcast_in_dim3A_100 = arith.constant 0.000000e+00 : f32
      %broadcast_in_dim3A_101 = vector.broadcast %broadcast_in_dim3A_100 : f32 to vector<16xf32>
      %swap3A_102 = arith.index_cast %scan3A_65 : i32 to index
      %swap3A_103 = arith.constant 80 : index
      %swap3A_104 = tpu.vector_load %arg10[%swap3A_102, %swap3A_103] {strides = array<i32>} : memref<128x160xf32, #tpu.memory_space<vmem>>, vector<1x16xf32>,
      %swap3A_105 = vector.shape_cast %swap3A_104 : vector<1x16xf32> to vector<16xf32>
      %swap3A_106 = vector.shape_cast %broadcast_in_dim3A_101 : vector<16xf32> to vector<1x16xf32>
      tpu.vector_store %arg10[%swap3A_102, %swap3A_103], %swap3A_106 {strides = array<i32>} : memref<128x160xf32, #tpu.memory_space<vmem>>, vector<1x16xf32>,
      %broadcast_in_dim3A_107 = arith.constant 0.000000e+00 : f32
      %broadcast_in_dim3A_108 = vector.broadcast %broadcast_in_dim3A_107 : f32 to vector<16xf32>
      %swap3A_109 = arith.index_cast %scan3A_65 : i32 to index
      %swap3A_110 = arith.constant 96 : index
      %swap3A_111 = tpu.vector_load %arg10[%swap3A_109, %swap3A_110] {strides = array<i32>} : memref<128x160xf32, #tpu.memory_space<vmem>>, vector<1x16xf32>,
      %swap3A_112 = vector.shape_cast %swap3A_111 : vector<1x16xf32> to vector<16xf32>
      %swap3A_113 = vector.shape_cast %broadcast_in_dim3A_108 : vector<16xf32> to vector<1x16xf32>
      tpu.vector_store %arg10[%swap3A_109, %swap3A_110], %swap3A_113 {strides = array<i32>} : memref<128x160xf32, #tpu.memory_space<vmem>>, vector<1x16xf32>,
      %broadcast_in_dim3A_114 = arith.constant 0.000000e+00 : f32
      %broadcast_in_dim3A_115 = vector.broadcast %broadcast_in_dim3A_114 : f32 to vector<16xf32>
      %swap3A_116 = arith.index_cast %scan3A_65 : i32 to index
      %swap3A_117 = arith.constant 112 : index
      %swap3A_118 = tpu.vector_load %arg10[%swap3A_116, %swap3A_117] {strides = array<i32>} : memref<128x160xf32, #tpu.memory_space<vmem>>, vector<1x16xf32>,
      %swap3A_119 = vector.shape_cast %swap3A_118 : vector<1x16xf32> to vector<16xf32>
      %swap3A_120 = vector.shape_cast %broadcast_in_dim3A_115 : vector<16xf32> to vector<1x16xf32>
      tpu.vector_store %arg10[%swap3A_116, %swap3A_117], %swap3A_120 {strides = array<i32>} : memref<128x160xf32, #tpu.memory_space<vmem>>, vector<1x16xf32>,
      %broadcast_in_dim3A_121 = arith.constant 0.000000e+00 : f32
      %broadcast_in_dim3A_122 = vector.broadcast %broadcast_in_dim3A_121 : f32 to vector<16xf32>
      %swap3A_123 = arith.index_cast %scan3A_65 : i32 to index
      %swap3A_124 = arith.constant 128 : index
      %swap3A_125 = tpu.vector_load %arg10[%swap3A_123, %swap3A_124] {strides = array<i32>} : memref<128x160xf32, #tpu.memory_space<vmem>>, vector<1x16xf32>,
      %swap3A_126 = vector.shape_cast %swap3A_125 : vector<1x16xf32> to vector<16xf32>
      %swap3A_127 = vector.shape_cast %broadcast_in_dim3A_122 : vector<16xf32> to vector<1x16xf32>
      tpu.vector_store %arg10[%swap3A_123, %swap3A_124], %swap3A_127 {strides = array<i32>} : memref<128x160xf32, #tpu.memory_space<vmem>>, vector<1x16xf32>,
      %broadcast_in_dim3A_128 = arith.constant 0.000000e+00 : f32
      %broadcast_in_dim3A_129 = vector.broadcast %broadcast_in_dim3A_128 : f32 to vector<16xf32>
      %swap3A_130 = arith.index_cast %scan3A_65 : i32 to index
      %swap3A_131 = arith.constant 144 : index
      %swap3A_132 = tpu.vector_load %arg10[%swap3A_130, %swap3A_131] {strides = array<i32>} : memref<128x160xf32, #tpu.memory_space<vmem>>, vector<1x16xf32>,
      %swap3A_133 = vector.shape_cast %swap3A_132 : vector<1x16xf32> to vector<16xf32>
      %swap3A_134 = vector.shape_cast %broadcast_in_dim3A_129 : vector<16xf32> to vector<1x16xf32>
      tpu.vector_store %arg10[%swap3A_130, %swap3A_131], %swap3A_134 {strides = array<i32>} : memref<128x160xf32, #tpu.memory_space<vmem>>, vector<1x16xf32>,
      %scan3A_135 = arith.constant 0 : i32
      scf.yield %scan3A_135 : i32
    }
    %scan3A_46 = arith.constant 128 : i32
    %mul3A = arith.constant 640 : i32
    %mul3A_47 = arith.muli %arg1, %mul3A : i32
    %add3A = arith.constant 0 : i32
    %add3A_48 = arith.addi %mul3A_47, %add3A : i32
    "tpu.region"() ({
      %run_scoped3A = tpu.sem_alloc : memref<!tpu.dma_semaphore, #tpu.memory_space<semaphore_mem>>
      %dma_start3A_65 = arith.constant 0 : i32
      %dma_start3A_66 = tpu.memref_slice %arg11[%add3A_48, %dma_start3A_65] : memref<10240x160xf32, #tpu.memory_space<vmem_shared>> -> memref<128x160xf32, #tpu.memory_space<vmem_shared>>
      %dma_start3A_67 = arith.constant 0 : i32
      %dma_start3A_68 = tpu.memref_slice %arg11[%add3A_48, %dma_start3A_67] : memref<10240x160xf32, #tpu.memory_space<vmem_shared>> -> memref<128x160xf32, #tpu.memory_space<vmem_shared>>
      tpu.enqueue_dma source(%arg10 : memref<128x160xf32, #tpu.memory_space<vmem>>) target(%dma_start3A_68 : memref<128x160xf32, #tpu.memory_space<vmem_shared>>) target_semaphore(%run_scoped3A : memref<!tpu.dma_semaphore, #tpu.memory_space<semaphore_mem>>)
      %dma_wait3A = arith.constant 0 : i32
      %dma_wait3A_69 = tpu.memref_slice %arg11[%add3A_48, %dma_wait3A] : memref<10240x160xf32, #tpu.memory_space<vmem_shared>> -> memref<128x160xf32, #tpu.memory_space<vmem_shared>>
      %dma_wait3A_70 = arith.constant 0 : i32
      %dma_wait3A_71 = tpu.memref_slice %arg11[%add3A_48, %dma_wait3A_70] : memref<10240x160xf32, #tpu.memory_space<vmem_shared>> -> memref<128x160xf32, #tpu.memory_space<vmem_shared>>
      tpu.wait_dma2 semaphore(%run_scoped3A : memref<!tpu.dma_semaphore, #tpu.memory_space<semaphore_mem>>) src(%arg10 : memref<128x160xf32, #tpu.memory_space<vmem>>) dst(%dma_wait3A_71 : memref<128x160xf32, #tpu.memory_space<vmem_shared>>)
      tpu.yield
    }) : () -> ()
    %add3A_49 = arith.constant 128 : i32
    %add3A_50 = arith.addi %mul3A_47, %add3A_49 : i32
    "tpu.region"() ({
      %run_scoped3A = tpu.sem_alloc : memref<!tpu.dma_semaphore, #tpu.memory_space<semaphore_mem>>
      %dma_start3A_65 = arith.constant 0 : i32
      %dma_start3A_66 = tpu.memref_slice %arg11[%add3A_50, %dma_start3A_65] : memref<10240x160xf32, #tpu.memory_space<vmem_shared>> -> memref<128x160xf32, #tpu.memory_space<vmem_shared>>
      %dma_start3A_67 = arith.constant 0 : i32
      %dma_start3A_68 = tpu.memref_slice %arg11[%add3A_50, %dma_start3A_67] : memref<10240x160xf32, #tpu.memory_space<vmem_shared>> -> memref<128x160xf32, #tpu.memory_space<vmem_shared>>
      tpu.enqueue_dma source(%arg10 : memref<128x160xf32, #tpu.memory_space<vmem>>) target(%dma_start3A_68 : memref<128x160xf32, #tpu.memory_space<vmem_shared>>) target_semaphore(%run_scoped3A : memref<!tpu.dma_semaphore, #tpu.memory_space<semaphore_mem>>)
      %dma_wait3A = arith.constant 0 : i32
      %dma_wait3A_69 = tpu.memref_slice %arg11[%add3A_50, %dma_wait3A] : memref<10240x160xf32, #tpu.memory_space<vmem_shared>> -> memref<128x160xf32, #tpu.memory_space<vmem_shared>>
      %dma_wait3A_70 = arith.constant 0 : i32
      %dma_wait3A_71 = tpu.memref_slice %arg11[%add3A_50, %dma_wait3A_70] : memref<10240x160xf32, #tpu.memory_space<vmem_shared>> -> memref<128x160xf32, #tpu.memory_space<vmem_shared>>
      tpu.wait_dma2 semaphore(%run_scoped3A : memref<!tpu.dma_semaphore, #tpu.memory_space<semaphore_mem>>) src(%arg10 : memref<128x160xf32, #tpu.memory_space<vmem>>) dst(%dma_wait3A_71 : memref<128x160xf32, #tpu.memory_space<vmem_shared>>)
      tpu.yield
    }) : () -> ()
    %add3A_51 = arith.constant 256 : i32
    %add3A_52 = arith.addi %mul3A_47, %add3A_51 : i32
    "tpu.region"() ({
      %run_scoped3A = tpu.sem_alloc : memref<!tpu.dma_semaphore, #tpu.memory_space<semaphore_mem>>
      %dma_start3A_65 = arith.constant 0 : i32
      %dma_start3A_66 = tpu.memref_slice %arg11[%add3A_52, %dma_start3A_65] : memref<10240x160xf32, #tpu.memory_space<vmem_shared>> -> memref<128x160xf32, #tpu.memory_space<vmem_shared>>
      %dma_start3A_67 = arith.constant 0 : i32
      %dma_start3A_68 = tpu.memref_slice %arg11[%add3A_52, %dma_start3A_67] : memref<10240x160xf32, #tpu.memory_space<vmem_shared>> -> memref<128x160xf32, #tpu.memory_space<vmem_shared>>
      tpu.enqueue_dma source(%arg10 : memref<128x160xf32, #tpu.memory_space<vmem>>) target(%dma_start3A_68 : memref<128x160xf32, #tpu.memory_space<vmem_shared>>) target_semaphore(%run_scoped3A : memref<!tpu.dma_semaphore, #tpu.memory_space<semaphore_mem>>)
      %dma_wait3A = arith.constant 0 : i32
      %dma_wait3A_69 = tpu.memref_slice %arg11[%add3A_52, %dma_wait3A] : memref<10240x160xf32, #tpu.memory_space<vmem_shared>> -> memref<128x160xf32, #tpu.memory_space<vmem_shared>>
      %dma_wait3A_70 = arith.constant 0 : i32
      %dma_wait3A_71 = tpu.memref_slice %arg11[%add3A_52, %dma_wait3A_70] : memref<10240x160xf32, #tpu.memory_space<vmem_shared>> -> memref<128x160xf32, #tpu.memory_space<vmem_shared>>
      tpu.wait_dma2 semaphore(%run_scoped3A : memref<!tpu.dma_semaphore, #tpu.memory_space<semaphore_mem>>) src(%arg10 : memref<128x160xf32, #tpu.memory_space<vmem>>) dst(%dma_wait3A_71 : memref<128x160xf32, #tpu.memory_space<vmem_shared>>)
      tpu.yield
    }) : () -> ()
    %add3A_53 = arith.constant 384 : i32
    %add3A_54 = arith.addi %mul3A_47, %add3A_53 : i32
    "tpu.region"() ({
      %run_scoped3A = tpu.sem_alloc : memref<!tpu.dma_semaphore, #tpu.memory_space<semaphore_mem>>
      %dma_start3A_65 = arith.constant 0 : i32
      %dma_start3A_66 = tpu.memref_slice %arg11[%add3A_54, %dma_start3A_65] : memref<10240x160xf32, #tpu.memory_space<vmem_shared>> -> memref<128x160xf32, #tpu.memory_space<vmem_shared>>
      %dma_start3A_67 = arith.constant 0 : i32
      %dma_start3A_68 = tpu.memref_slice %arg11[%add3A_54, %dma_start3A_67] : memref<10240x160xf32, #tpu.memory_space<vmem_shared>> -> memref<128x160xf32, #tpu.memory_space<vmem_shared>>
      tpu.enqueue_dma source(%arg10 : memref<128x160xf32, #tpu.memory_space<vmem>>) target(%dma_start3A_68 : memref<128x160xf32, #tpu.memory_space<vmem_shared>>) target_semaphore(%run_scoped3A : memref<!tpu.dma_semaphore, #tpu.memory_space<semaphore_mem>>)
      %dma_wait3A = arith.constant 0 : i32
      %dma_wait3A_69 = tpu.memref_slice %arg11[%add3A_54, %dma_wait3A] : memref<10240x160xf32, #tpu.memory_space<vmem_shared>> -> memref<128x160xf32, #tpu.memory_space<vmem_shared>>
      %dma_wait3A_70 = arith.constant 0 : i32
      %dma_wait3A_71 = tpu.memref_slice %arg11[%add3A_54, %dma_wait3A_70] : memref<10240x160xf32, #tpu.memory_space<vmem_shared>> -> memref<128x160xf32, #tpu.memory_space<vmem_shared>>
      tpu.wait_dma2 semaphore(%run_scoped3A : memref<!tpu.dma_semaphore, #tpu.memory_space<semaphore_mem>>) src(%arg10 : memref<128x160xf32, #tpu.memory_space<vmem>>) dst(%dma_wait3A_71 : memref<128x160xf32, #tpu.memory_space<vmem_shared>>)
      tpu.yield
    }) : () -> ()
    %add3A_55 = arith.constant 512 : i32
    %add3A_56 = arith.addi %mul3A_47, %add3A_55 : i32
    "tpu.region"() ({
      %run_scoped3A = tpu.sem_alloc : memref<!tpu.dma_semaphore, #tpu.memory_space<semaphore_mem>>
      %dma_start3A_65 = arith.constant 0 : i32
      %dma_start3A_66 = tpu.memref_slice %arg11[%add3A_56, %dma_start3A_65] : memref<10240x160xf32, #tpu.memory_space<vmem_shared>> -> memref<128x160xf32, #tpu.memory_space<vmem_shared>>
      %dma_start3A_67 = arith.constant 0 : i32
      %dma_start3A_68 = tpu.memref_slice %arg11[%add3A_56, %dma_start3A_67] : memref<10240x160xf32, #tpu.memory_space<vmem_shared>> -> memref<128x160xf32, #tpu.memory_space<vmem_shared>>
      tpu.enqueue_dma source(%arg10 : memref<128x160xf32, #tpu.memory_space<vmem>>) target(%dma_start3A_68 : memref<128x160xf32, #tpu.memory_space<vmem_shared>>) target_semaphore(%run_scoped3A : memref<!tpu.dma_semaphore, #tpu.memory_space<semaphore_mem>>)
      %dma_wait3A = arith.constant 0 : i32
      %dma_wait3A_69 = tpu.memref_slice %arg11[%add3A_56, %dma_wait3A] : memref<10240x160xf32, #tpu.memory_space<vmem_shared>> -> memref<128x160xf32, #tpu.memory_space<vmem_shared>>
      %dma_wait3A_70 = arith.constant 0 : i32
      %dma_wait3A_71 = tpu.memref_slice %arg11[%add3A_56, %dma_wait3A_70] : memref<10240x160xf32, #tpu.memory_space<vmem_shared>> -> memref<128x160xf32, #tpu.memory_space<vmem_shared>>
      tpu.wait_dma2 semaphore(%run_scoped3A : memref<!tpu.dma_semaphore, #tpu.memory_space<semaphore_mem>>) src(%arg10 : memref<128x160xf32, #tpu.memory_space<vmem>>) dst(%dma_wait3A_71 : memref<128x160xf32, #tpu.memory_space<vmem_shared>>)
      tpu.yield
    }) : () -> ()
    %barrier3A = arith.constant 0 : index
    tpu.barrier barrier_id(%barrier3A)
    %scan3A_57 = arith.constant 0 : i32
    %scan3A_58 = arith.constant 0 : i32
    %scan3A_59 = arith.constant 157 : i32
    %scan3A_60 = arith.addi %scan3A_58, %scan3A_59 : i32
    %scan3A_61 = arith.constant 1 : i32
    %scan3A_62 = scf.for %scan3A_65 = %scan3A_58 to %scan3A_60 step %scan3A_61 iter_args(%scan3A_66 = %scan3A_57) -> (i32)  : i32 {
      %rem3A = arith.constant 2 : i32
      %rem3A_67 = arith.remsi %scan3A_65, %rem3A : i32
      %dma_wait3A = arith.constant 0 : i32
      %dma_wait3A_68 = tpu.memref_slice %arg7[%rem3A_67, %dma_wait3A] : memref<2x128xi32, #tpu.memory_space<vmem>> -> memref<1x128xi32, #tpu.memory_space<vmem>>
      %dma_wait3A_69 = tpu.memref_squeeze %dma_wait3A_68 : memref<1x128xi32, #tpu.memory_space<vmem>> -> memref<128xi32, #tpu.memory_space<vmem>>
      %dma_wait3A_70 = arith.constant 0 : i32
      %dma_wait3A_71 = tpu.memref_slice %arg3[%arg0, %arg1, %scan3A_65, %dma_wait3A_70] : memref<2x16x157x128xi32, #tpu.memory_space<hbm>> -> memref<1x1x1x128xi32, #tpu.memory_space<hbm>>
      %dma_wait3A_72 = tpu.memref_squeeze %dma_wait3A_71 : memref<1x1x1x128xi32, #tpu.memory_space<hbm>> -> memref<128xi32, #tpu.memory_space<hbm>>
      %dma_wait3A_73 = arith.constant 0 : i32
      %dma_wait3A_74 = tpu.memref_slice %arg7[%rem3A_67, %dma_wait3A_73] : memref<2x128xi32, #tpu.memory_space<vmem>> -> memref<1x128xi32, #tpu.memory_space<vmem>>
      %dma_wait3A_75 = tpu.memref_squeeze %dma_wait3A_74 : memref<1x128xi32, #tpu.memory_space<vmem>> -> memref<128xi32, #tpu.memory_space<vmem>>
      %dma_wait3A_76 = arith.constant 0 : i32
      %dma_wait3A_77 = tpu.memref_slice %arg3[%arg0, %arg1, %scan3A_65, %dma_wait3A_76] : memref<2x16x157x128xi32, #tpu.memory_space<hbm>> -> memref<1x1x1x128xi32, #tpu.memory_space<hbm>>
      %dma_wait3A_78 = tpu.memref_squeeze %dma_wait3A_77 : memref<1x1x1x128xi32, #tpu.memory_space<hbm>> -> memref<128xi32, #tpu.memory_space<hbm>>
      tpu.wait_dma2 semaphore(%arg12 : memref<!tpu.dma_semaphore, #tpu.memory_space<semaphore_mem>>) src(%dma_wait3A_78 : memref<128xi32, #tpu.memory_space<hbm>>) dst(%dma_wait3A_75 : memref<128xi32, #tpu.memory_space<vmem>>)
      %dma_wait3A_79 = arith.constant 0 : i32
      %dma_wait3A_80 = tpu.memref_slice %arg8[%rem3A_67, %dma_wait3A_79] : memref<2x128xi32, #tpu.memory_space<vmem>> -> memref<1x128xi32, #tpu.memory_space<vmem>>
      %dma_wait3A_81 = tpu.memref_squeeze %dma_wait3A_80 : memref<1x128xi32, #tpu.memory_space<vmem>> -> memref<128xi32, #tpu.memory_space<vmem>>
      %dma_wait3A_82 = arith.constant 0 : i32
      %dma_wait3A_83 = tpu.memref_slice %arg4[%arg0, %arg1, %scan3A_65, %dma_wait3A_82] : memref<2x16x157x128xi32, #tpu.memory_space<hbm>> -> memref<1x1x1x128xi32, #tpu.memory_space<hbm>>
      %dma_wait3A_84 = tpu.memref_squeeze %dma_wait3A_83 : memref<1x1x1x128xi32, #tpu.memory_space<hbm>> -> memref<128xi32, #tpu.memory_space<hbm>>
      %dma_wait3A_85 = arith.constant 0 : i32
      %dma_wait3A_86 = tpu.memref_slice %arg8[%rem3A_67, %dma_wait3A_85] : memref<2x128xi32, #tpu.memory_space<vmem>> -> memref<1x128xi32, #tpu.memory_space<vmem>>
      %dma_wait3A_87 = tpu.memref_squeeze %dma_wait3A_86 : memref<1x128xi32, #tpu.memory_space<vmem>> -> memref<128xi32, #tpu.memory_space<vmem>>
      %dma_wait3A_88 = arith.constant 0 : i32
      %dma_wait3A_89 = tpu.memref_slice %arg4[%arg0, %arg1, %scan3A_65, %dma_wait3A_88] : memref<2x16x157x128xi32, #tpu.memory_space<hbm>> -> memref<1x1x1x128xi32, #tpu.memory_space<hbm>>
      %dma_wait3A_90 = tpu.memref_squeeze %dma_wait3A_89 : memref<1x1x1x128xi32, #tpu.memory_space<hbm>> -> memref<128xi32, #tpu.memory_space<hbm>>
      tpu.wait_dma2 semaphore(%arg12 : memref<!tpu.dma_semaphore, #tpu.memory_space<semaphore_mem>>) src(%dma_wait3A_90 : memref<128xi32, #tpu.memory_space<hbm>>) dst(%dma_wait3A_87 : memref<128xi32, #tpu.memory_space<vmem>>)
      %dma_wait3A_91 = arith.constant 0 : i32
      %dma_wait3A_92 = tpu.memref_slice %arg9[%rem3A_67, %dma_wait3A_91] : memref<2x128xf32, #tpu.memory_space<vmem>> -> memref<1x128xf32, #tpu.memory_space<vmem>>
      %dma_wait3A_93 = tpu.memref_squeeze %dma_wait3A_92 : memref<1x128xf32, #tpu.memory_space<vmem>> -> memref<128xf32, #tpu.memory_space<vmem>>
      %dma_wait3A_94 = arith.constant 0 : i32
      %dma_wait3A_95 = tpu.memref_slice %arg5[%arg0, %arg1, %scan3A_65, %dma_wait3A_94] : memref<2x16x157x128xf32, #tpu.memory_space<hbm>> -> memref<1x1x1x128xf32, #tpu.memory_space<hbm>>
      %dma_wait3A_96 = tpu.memref_squeeze %dma_wait3A_95 : memref<1x1x1x128xf32, #tpu.memory_space<hbm>> -> memref<128xf32, #tpu.memory_space<hbm>>
      %dma_wait3A_97 = arith.constant 0 : i32
      %dma_wait3A_98 = tpu.memref_slice %arg9[%rem3A_67, %dma_wait3A_97] : memref<2x128xf32, #tpu.memory_space<vmem>> -> memref<1x128xf32, #tpu.memory_space<vmem>>
      %dma_wait3A_99 = tpu.memref_squeeze %dma_wait3A_98 : memref<1x128xf32, #tpu.memory_space<vmem>> -> memref<128xf32, #tpu.memory_space<vmem>>
      %dma_wait3A_100 = arith.constant 0 : i32
      %dma_wait3A_101 = tpu.memref_slice %arg5[%arg0, %arg1, %scan3A_65, %dma_wait3A_100] : memref<2x16x157x128xf32, #tpu.memory_space<hbm>> -> memref<1x1x1x128xf32, #tpu.memory_space<hbm>>
      %dma_wait3A_102 = tpu.memref_squeeze %dma_wait3A_101 : memref<1x1x1x128xf32, #tpu.memory_space<hbm>> -> memref<128xf32, #tpu.memory_space<hbm>>
      tpu.wait_dma2 semaphore(%arg12 : memref<!tpu.dma_semaphore, #tpu.memory_space<semaphore_mem>>) src(%dma_wait3A_102 : memref<128xf32, #tpu.memory_space<hbm>>) dst(%dma_wait3A_99 : memref<128xf32, #tpu.memory_space<vmem>>)
      %add3A_103 = arith.constant 1 : i32
      %add3A_104 = arith.addi %scan3A_65, %add3A_103 : i32
      %lt3A = arith.constant 157 : i32
      %lt3A_105 = arith.cmpi slt, %add3A_104, %lt3A : i32
      %convert_element_type3A = arith.extui %lt3A_105 : i1 to i32
      %cond3A = arith.constant 0 : i32
      %cond3A_106 = arith.cmpi ne, %convert_element_type3A, %cond3A : i32
      scf.if %cond3A_106 {
        %add3A_127 = arith.constant 1 : i32
        %add3A_128 = arith.addi %scan3A_65, %add3A_127 : i32
        %sub3A = arith.constant 1 : i32
        %sub3A_129 = arith.subi %sub3A, %rem3A_67 : i32
        %dma_start3A_130 = arith.constant 0 : i32
        %dma_start3A_131 = tpu.memref_slice %arg7[%sub3A_129, %dma_start3A_130] : memref<2x128xi32, #tpu.memory_space<vmem>> -> memref<1x128xi32, #tpu.memory_space<vmem>>
        %dma_start3A_132 = tpu.memref_squeeze %dma_start3A_131 : memref<1x128xi32, #tpu.memory_space<vmem>> -> memref<128xi32, #tpu.memory_space<vmem>>
        %dma_start3A_133 = arith.constant 0 : i32
        %dma_start3A_134 = tpu.memref_slice %arg3[%arg0, %arg1, %add3A_128, %dma_start3A_133] : memref<2x16x157x128xi32, #tpu.memory_space<hbm>> -> memref<1x1x1x128xi32, #tpu.memory_space<hbm>>
        %dma_start3A_135 = tpu.memref_squeeze %dma_start3A_134 : memref<1x1x1x128xi32, #tpu.memory_space<hbm>> -> memref<128xi32, #tpu.memory_space<hbm>>
        %dma_start3A_136 = arith.constant 0 : i32
        %dma_start3A_137 = tpu.memref_slice %arg7[%sub3A_129, %dma_start3A_136] : memref<2x128xi32, #tpu.memory_space<vmem>> -> memref<1x128xi32, #tpu.memory_space<vmem>>
        %dma_start3A_138 = tpu.memref_squeeze %dma_start3A_137 : memref<1x128xi32, #tpu.memory_space<vmem>> -> memref<128xi32, #tpu.memory_space<vmem>>
        %dma_start3A_139 = arith.constant 0 : i32
        %dma_start3A_140 = tpu.memref_slice %arg3[%arg0, %arg1, %add3A_128, %dma_start3A_139] : memref<2x16x157x128xi32, #tpu.memory_space<hbm>> -> memref<1x1x1x128xi32, #tpu.memory_space<hbm>>
        %dma_start3A_141 = tpu.memref_squeeze %dma_start3A_140 : memref<1x1x1x128xi32, #tpu.memory_space<hbm>> -> memref<128xi32, #tpu.memory_space<hbm>>
        tpu.enqueue_dma source(%dma_start3A_141 : memref<128xi32, #tpu.memory_space<hbm>>) target(%dma_start3A_138 : memref<128xi32, #tpu.memory_space<vmem>>) target_semaphore(%arg12 : memref<!tpu.dma_semaphore, #tpu.memory_space<semaphore_mem>>)
        %dma_start3A_142 = arith.constant 0 : i32
        %dma_start3A_143 = tpu.memref_slice %arg8[%sub3A_129, %dma_start3A_142] : memref<2x128xi32, #tpu.memory_space<vmem>> -> memref<1x128xi32, #tpu.memory_space<vmem>>
        %dma_start3A_144 = tpu.memref_squeeze %dma_start3A_143 : memref<1x128xi32, #tpu.memory_space<vmem>> -> memref<128xi32, #tpu.memory_space<vmem>>
        %dma_start3A_145 = arith.constant 0 : i32
        %dma_start3A_146 = tpu.memref_slice %arg4[%arg0, %arg1, %add3A_128, %dma_start3A_145] : memref<2x16x157x128xi32, #tpu.memory_space<hbm>> -> memref<1x1x1x128xi32, #tpu.memory_space<hbm>>
        %dma_start3A_147 = tpu.memref_squeeze %dma_start3A_146 : memref<1x1x1x128xi32, #tpu.memory_space<hbm>> -> memref<128xi32, #tpu.memory_space<hbm>>
        %dma_start3A_148 = arith.constant 0 : i32
        %dma_start3A_149 = tpu.memref_slice %arg8[%sub3A_129, %dma_start3A_148] : memref<2x128xi32, #tpu.memory_space<vmem>> -> memref<1x128xi32, #tpu.memory_space<vmem>>
        %dma_start3A_150 = tpu.memref_squeeze %dma_start3A_149 : memref<1x128xi32, #tpu.memory_space<vmem>> -> memref<128xi32, #tpu.memory_space<vmem>>
        %dma_start3A_151 = arith.constant 0 : i32
        %dma_start3A_152 = tpu.memref_slice %arg4[%arg0, %arg1, %add3A_128, %dma_start3A_151] : memref<2x16x157x128xi32, #tpu.memory_space<hbm>> -> memref<1x1x1x128xi32, #tpu.memory_space<hbm>>
        %dma_start3A_153 = tpu.memref_squeeze %dma_start3A_152 : memref<1x1x1x128xi32, #tpu.memory_space<hbm>> -> memref<128xi32, #tpu.memory_space<hbm>>
        tpu.enqueue_dma source(%dma_start3A_153 : memref<128xi32, #tpu.memory_space<hbm>>) target(%dma_start3A_150 : memref<128xi32, #tpu.memory_space<vmem>>) target_semaphore(%arg12 : memref<!tpu.dma_semaphore, #tpu.memory_space<semaphore_mem>>)
        %dma_start3A_154 = arith.constant 0 : i32
        %dma_start3A_155 = tpu.memref_slice %arg9[%sub3A_129, %dma_start3A_154] : memref<2x128xf32, #tpu.memory_space<vmem>> -> memref<1x128xf32, #tpu.memory_space<vmem>>
        %dma_start3A_156 = tpu.memref_squeeze %dma_start3A_155 : memref<1x128xf32, #tpu.memory_space<vmem>> -> memref<128xf32, #tpu.memory_space<vmem>>
        %dma_start3A_157 = arith.constant 0 : i32
        %dma_start3A_158 = tpu.memref_slice %arg5[%arg0, %arg1, %add3A_128, %dma_start3A_157] : memref<2x16x157x128xf32, #tpu.memory_space<hbm>> -> memref<1x1x1x128xf32, #tpu.memory_space<hbm>>
        %dma_start3A_159 = tpu.memref_squeeze %dma_start3A_158 : memref<1x1x1x128xf32, #tpu.memory_space<hbm>> -> memref<128xf32, #tpu.memory_space<hbm>>
        %dma_start3A_160 = arith.constant 0 : i32
        %dma_start3A_161 = tpu.memref_slice %arg9[%sub3A_129, %dma_start3A_160] : memref<2x128xf32, #tpu.memory_space<vmem>> -> memref<1x128xf32, #tpu.memory_space<vmem>>
        %dma_start3A_162 = tpu.memref_squeeze %dma_start3A_161 : memref<1x128xf32, #tpu.memory_space<vmem>> -> memref<128xf32, #tpu.memory_space<vmem>>
        %dma_start3A_163 = arith.constant 0 : i32
        %dma_start3A_164 = tpu.memref_slice %arg5[%arg0, %arg1, %add3A_128, %dma_start3A_163] : memref<2x16x157x128xf32, #tpu.memory_space<hbm>> -> memref<1x1x1x128xf32, #tpu.memory_space<hbm>>
        %dma_start3A_165 = tpu.memref_squeeze %dma_start3A_164 : memref<1x1x1x128xf32, #tpu.memory_space<hbm>> -> memref<128xf32, #tpu.memory_space<hbm>>
        tpu.enqueue_dma source(%dma_start3A_165 : memref<128xf32, #tpu.memory_space<hbm>>) target(%dma_start3A_162 : memref<128xf32, #tpu.memory_space<vmem>>) target_semaphore(%arg12 : memref<!tpu.dma_semaphore, #tpu.memory_space<semaphore_mem>>)
      } else {
      }
      %dma_start3A_107 = arith.constant 0 : i32
      %dma_start3A_108 = tpu.memref_slice %arg7[%rem3A_67, %dma_start3A_107] : memref<2x128xi32, #tpu.memory_space<vmem>> -> memref<1x128xi32, #tpu.memory_space<vmem>>
      %dma_start3A_109 = tpu.memref_squeeze %dma_start3A_108 : memref<1x128xi32, #tpu.memory_space<vmem>> -> memref<128xi32, #tpu.memory_space<vmem>>
      %dma_start3A_110 = arith.constant 0 : i32
      %dma_start3A_111 = arith.constant 0 : i32
      %dma_start3A_112 = tpu.memref_slice %arg2[%dma_start3A_110, %dma_start3A_111] : memref<20000x160xf32, #tpu.memory_space<hbm>> -> memref<20000x160xf32, #tpu.memory_space<hbm>>
      tpu.enqueue_indirect_dma source(%dma_start3A_112 : memref<20000x160xf32, #tpu.memory_space<hbm>>) target(%arg10 : memref<128x160xf32, #tpu.memory_space<vmem>>) offsets(%dma_start3A_109 : memref<128xi32, #tpu.memory_space<vmem>>) semaphore(%arg13 : memref<!tpu.dma_semaphore, #tpu.memory_space<semaphore_mem>>)
      %dma_wait3A_113 = arith.constant 0 : i32
      %dma_wait3A_114 = tpu.memref_slice %arg7[%rem3A_67, %dma_wait3A_113] : memref<2x128xi32, #tpu.memory_space<vmem>> -> memref<1x128xi32, #tpu.memory_space<vmem>>
      %dma_wait3A_115 = tpu.memref_squeeze %dma_wait3A_114 : memref<1x128xi32, #tpu.memory_space<vmem>> -> memref<128xi32, #tpu.memory_space<vmem>>
      %dma_wait3A_116 = arith.constant 0 : i32
      %dma_wait3A_117 = arith.constant 0 : i32
      %dma_wait3A_118 = tpu.memref_slice %arg2[%dma_wait3A_116, %dma_wait3A_117] : memref<20000x160xf32, #tpu.memory_space<hbm>> -> memref<20000x160xf32, #tpu.memory_space<hbm>>
      tpu.wait_indirect_dma semaphore(%arg13 : memref<!tpu.dma_semaphore, #tpu.memory_space<semaphore_mem>>) src(%dma_wait3A_118 : memref<20000x160xf32, #tpu.memory_space<hbm>>) dst(%arg10 : memref<128x160xf32, #tpu.memory_space<vmem>>)
      %scan3A_119 = arith.constant 0 : i32
      %scan3A_120 = arith.constant 0 : i32
      %scan3A_121 = arith.constant 8 : i32
      %scan3A_122 = arith.addi %scan3A_120, %scan3A_121 : i32
      %scan3A_123 = arith.constant 1 : i32
      %scan3A_124 = scf.for %scan3A_127 = %scan3A_120 to %scan3A_122 step %scan3A_123 iter_args(%scan3A_128 = %scan3A_119) -> (i32)  : i32 {
        %mul3A_129 = arith.constant 16 : i32
        %mul3A_130 = arith.muli %scan3A_127, %mul3A_129 : i32
        %get3A = arith.index_cast %rem3A_67 : i32 to index
        %get3A_131 = arith.index_cast %mul3A_130 : i32 to index
        %get3A_132 = tpu.vector_load %arg9[%get3A, %get3A_131] {strides = array<i32>} : memref<2x128xf32, #tpu.memory_space<vmem>>, vector<1x16xf32>,
        %get3A_133 = vector.shape_cast %get3A_132 : vector<1x16xf32> to vector<16xf32>
        %slice3A = vector.extract_strided_slice %get3A_133 {offsets = [0], sizes = [1], strides = [1]} : vector<16xf32> to vector<1xf32>
        %squeeze3A = vector.extract %slice3A[0] : f32 from vector<1xf32>
        %broadcast_in_dim3A = vector.broadcast %squeeze3A : f32 to vector<16xf32>
        %mul3A_134 = arith.constant 16 : i32
        %mul3A_135 = arith.muli %scan3A_127, %mul3A_134 : i32
        %add3A_136 = arith.constant 0 : i32
        %add3A_137 = arith.addi %mul3A_135, %add3A_136 : i32
        %get3A_138 = arith.index_cast %add3A_137 : i32 to index
        %get3A_139 = arith.constant 0 : index
        %get3A_140 = tpu.vector_load %arg10[%get3A_138, %get3A_139] {strides = array<i32>} : memref<128x160xf32, #tpu.memory_space<vmem>>, vector<1x16xf32>,
        %get3A_141 = vector.shape_cast %get3A_140 : vector<1x16xf32> to vector<16xf32>
        %mul3A_142 = arith.mulf %get3A_141, %broadcast_in_dim3A : vector<16xf32>
        %swap3A = arith.index_cast %add3A_137 : i32 to index
        %swap3A_143 = arith.constant 0 : index
        %swap3A_144 = tpu.vector_load %arg10[%swap3A, %swap3A_143] {strides = array<i32>} : memref<128x160xf32, #tpu.memory_space<vmem>>, vector<1x16xf32>,
        %swap3A_145 = vector.shape_cast %swap3A_144 : vector<1x16xf32> to vector<16xf32>
        %swap3A_146 = vector.shape_cast %mul3A_142 : vector<16xf32> to vector<1x16xf32>
        tpu.vector_store %arg10[%swap3A, %swap3A_143], %swap3A_146 {strides = array<i32>} : memref<128x160xf32, #tpu.memory_space<vmem>>, vector<1x16xf32>,
        %get3A_147 = arith.index_cast %add3A_137 : i32 to index
        %get3A_148 = arith.constant 16 : index
        %get3A_149 = tpu.vector_load %arg10[%get3A_147, %get3A_148] {strides = array<i32>} : memref<128x160xf32, #tpu.memory_space<vmem>>, vector<1x16xf32>,
        %get3A_150 = vector.shape_cast %get3A_149 : vector<1x16xf32> to vector<16xf32>
        %mul3A_151 = arith.mulf %get3A_150, %broadcast_in_dim3A : vector<16xf32>
        %swap3A_152 = arith.index_cast %add3A_137 : i32 to index
        %swap3A_153 = arith.constant 16 : index
        %swap3A_154 = tpu.vector_load %arg10[%swap3A_152, %swap3A_153] {strides = array<i32>} : memref<128x160xf32, #tpu.memory_space<vmem>>, vector<1x16xf32>,
        %swap3A_155 = vector.shape_cast %swap3A_154 : vector<1x16xf32> to vector<16xf32>
        %swap3A_156 = vector.shape_cast %mul3A_151 : vector<16xf32> to vector<1x16xf32>
        tpu.vector_store %arg10[%swap3A_152, %swap3A_153], %swap3A_156 {strides = array<i32>} : memref<128x160xf32, #tpu.memory_space<vmem>>, vector<1x16xf32>,
        %get3A_157 = arith.index_cast %add3A_137 : i32 to index
        %get3A_158 = arith.constant 32 : index
        %get3A_159 = tpu.vector_load %arg10[%get3A_157, %get3A_158] {strides = array<i32>} : memref<128x160xf32, #tpu.memory_space<vmem>>, vector<1x16xf32>,
        %get3A_160 = vector.shape_cast %get3A_159 : vector<1x16xf32> to vector<16xf32>
        %mul3A_161 = arith.mulf %get3A_160, %broadcast_in_dim3A : vector<16xf32>
        %swap3A_162 = arith.index_cast %add3A_137 : i32 to index
        %swap3A_163 = arith.constant 32 : index
        %swap3A_164 = tpu.vector_load %arg10[%swap3A_162, %swap3A_163] {strides = array<i32>} : memref<128x160xf32, #tpu.memory_space<vmem>>, vector<1x16xf32>,
        %swap3A_165 = vector.shape_cast %swap3A_164 : vector<1x16xf32> to vector<16xf32>
        %swap3A_166 = vector.shape_cast %mul3A_161 : vector<16xf32> to vector<1x16xf32>
        tpu.vector_store %arg10[%swap3A_162, %swap3A_163], %swap3A_166 {strides = array<i32>} : memref<128x160xf32, #tpu.memory_space<vmem>>, vector<1x16xf32>,
        %get3A_167 = arith.index_cast %add3A_137 : i32 to index
        %get3A_168 = arith.constant 48 : index
        %get3A_169 = tpu.vector_load %arg10[%get3A_167, %get3A_168] {strides = array<i32>} : memref<128x160xf32, #tpu.memory_space<vmem>>, vector<1x16xf32>,
        %get3A_170 = vector.shape_cast %get3A_169 : vector<1x16xf32> to vector<16xf32>
        %mul3A_171 = arith.mulf %get3A_170, %broadcast_in_dim3A : vector<16xf32>
        %swap3A_172 = arith.index_cast %add3A_137 : i32 to index
        %swap3A_173 = arith.constant 48 : index
        %swap3A_174 = tpu.vector_load %arg10[%swap3A_172, %swap3A_173] {strides = array<i32>} : memref<128x160xf32, #tpu.memory_space<vmem>>, vector<1x16xf32>,
        %swap3A_175 = vector.shape_cast %swap3A_174 : vector<1x16xf32> to vector<16xf32>
        %swap3A_176 = vector.shape_cast %mul3A_171 : vector<16xf32> to vector<1x16xf32>
        tpu.vector_store %arg10[%swap3A_172, %swap3A_173], %swap3A_176 {strides = array<i32>} : memref<128x160xf32, #tpu.memory_space<vmem>>, vector<1x16xf32>,
        %get3A_177 = arith.index_cast %add3A_137 : i32 to index
        %get3A_178 = arith.constant 64 : index
        %get3A_179 = tpu.vector_load %arg10[%get3A_177, %get3A_178] {strides = array<i32>} : memref<128x160xf32, #tpu.memory_space<vmem>>, vector<1x16xf32>,
        %get3A_180 = vector.shape_cast %get3A_179 : vector<1x16xf32> to vector<16xf32>
        %mul3A_181 = arith.mulf %get3A_180, %broadcast_in_dim3A : vector<16xf32>
        %swap3A_182 = arith.index_cast %add3A_137 : i32 to index
        %swap3A_183 = arith.constant 64 : index
        %swap3A_184 = tpu.vector_load %arg10[%swap3A_182, %swap3A_183] {strides = array<i32>} : memref<128x160xf32, #tpu.memory_space<vmem>>, vector<1x16xf32>,
        %swap3A_185 = vector.shape_cast %swap3A_184 : vector<1x16xf32> to vector<16xf32>
        %swap3A_186 = vector.shape_cast %mul3A_181 : vector<16xf32> to vector<1x16xf32>
        tpu.vector_store %arg10[%swap3A_182, %swap3A_183], %swap3A_186 {strides = array<i32>} : memref<128x160xf32, #tpu.memory_space<vmem>>, vector<1x16xf32>,
        %get3A_187 = arith.index_cast %add3A_137 : i32 to index
        %get3A_188 = arith.constant 80 : index
        %get3A_189 = tpu.vector_load %arg10[%get3A_187, %get3A_188] {strides = array<i32>} : memref<128x160xf32, #tpu.memory_space<vmem>>, vector<1x16xf32>,
        %get3A_190 = vector.shape_cast %get3A_189 : vector<1x16xf32> to vector<16xf32>
        %mul3A_191 = arith.mulf %get3A_190, %broadcast_in_dim3A : vector<16xf32>
        %swap3A_192 = arith.index_cast %add3A_137 : i32 to index
        %swap3A_193 = arith.constant 80 : index
        %swap3A_194 = tpu.vector_load %arg10[%swap3A_192, %swap3A_193] {strides = array<i32>} : memref<128x160xf32, #tpu.memory_space<vmem>>, vector<1x16xf32>,
        %swap3A_195 = vector.shape_cast %swap3A_194 : vector<1x16xf32> to vector<16xf32>
        %swap3A_196 = vector.shape_cast %mul3A_191 : vector<16xf32> to vector<1x16xf32>
        tpu.vector_store %arg10[%swap3A_192, %swap3A_193], %swap3A_196 {strides = array<i32>} : memref<128x160xf32, #tpu.memory_space<vmem>>, vector<1x16xf32>,
        %get3A_197 = arith.index_cast %add3A_137 : i32 to index
        %get3A_198 = arith.constant 96 : index
        %get3A_199 = tpu.vector_load %arg10[%get3A_197, %get3A_198] {strides = array<i32>} : memref<128x160xf32, #tpu.memory_space<vmem>>, vector<1x16xf32>,
        %get3A_200 = vector.shape_cast %get3A_199 : vector<1x16xf32> to vector<16xf32>
        %mul3A_201 = arith.mulf %get3A_200, %broadcast_in_dim3A : vector<16xf32>
        %swap3A_202 = arith.index_cast %add3A_137 : i32 to index
        %swap3A_203 = arith.constant 96 : index
        %swap3A_204 = tpu.vector_load %arg10[%swap3A_202, %swap3A_203] {strides = array<i32>} : memref<128x160xf32, #tpu.memory_space<vmem>>, vector<1x16xf32>,
        %swap3A_205 = vector.shape_cast %swap3A_204 : vector<1x16xf32> to vector<16xf32>
        %swap3A_206 = vector.shape_cast %mul3A_201 : vector<16xf32> to vector<1x16xf32>
        tpu.vector_store %arg10[%swap3A_202, %swap3A_203], %swap3A_206 {strides = array<i32>} : memref<128x160xf32, #tpu.memory_space<vmem>>, vector<1x16xf32>,
        %get3A_207 = arith.index_cast %add3A_137 : i32 to index
        %get3A_208 = arith.constant 112 : index
        %get3A_209 = tpu.vector_load %arg10[%get3A_207, %get3A_208] {strides = array<i32>} : memref<128x160xf32, #tpu.memory_space<vmem>>, vector<1x16xf32>,
        %get3A_210 = vector.shape_cast %get3A_209 : vector<1x16xf32> to vector<16xf32>
        %mul3A_211 = arith.mulf %get3A_210, %broadcast_in_dim3A : vector<16xf32>
        %swap3A_212 = arith.index_cast %add3A_137 : i32 to index
        %swap3A_213 = arith.constant 112 : index
        %swap3A_214 = tpu.vector_load %arg10[%swap3A_212, %swap3A_213] {strides = array<i32>} : memref<128x160xf32, #tpu.memory_space<vmem>>, vector<1x16xf32>,
        %swap3A_215 = vector.shape_cast %swap3A_214 : vector<1x16xf32> to vector<16xf32>
        %swap3A_216 = vector.shape_cast %mul3A_211 : vector<16xf32> to vector<1x16xf32>
        tpu.vector_store %arg10[%swap3A_212, %swap3A_213], %swap3A_216 {strides = array<i32>} : memref<128x160xf32, #tpu.memory_space<vmem>>, vector<1x16xf32>,
        %get3A_217 = arith.index_cast %add3A_137 : i32 to index
        %get3A_218 = arith.constant 128 : index
        %get3A_219 = tpu.vector_load %arg10[%get3A_217, %get3A_218] {strides = array<i32>} : memref<128x160xf32, #tpu.memory_space<vmem>>, vector<1x16xf32>,
        %get3A_220 = vector.shape_cast %get3A_219 : vector<1x16xf32> to vector<16xf32>
        %mul3A_221 = arith.mulf %get3A_220, %broadcast_in_dim3A : vector<16xf32>
        %swap3A_222 = arith.index_cast %add3A_137 : i32 to index
        %swap3A_223 = arith.constant 128 : index
        %swap3A_224 = tpu.vector_load %arg10[%swap3A_222, %swap3A_223] {strides = array<i32>} : memref<128x160xf32, #tpu.memory_space<vmem>>, vector<1x16xf32>,
        %swap3A_225 = vector.shape_cast %swap3A_224 : vector<1x16xf32> to vector<16xf32>
        %swap3A_226 = vector.shape_cast %mul3A_221 : vector<16xf32> to vector<1x16xf32>
        tpu.vector_store %arg10[%swap3A_222, %swap3A_223], %swap3A_226 {strides = array<i32>} : memref<128x160xf32, #tpu.memory_space<vmem>>, vector<1x16xf32>,
        %get3A_227 = arith.index_cast %add3A_137 : i32 to index
        %get3A_228 = arith.constant 144 : index
        %get3A_229 = tpu.vector_load %arg10[%get3A_227, %get3A_228] {strides = array<i32>} : memref<128x160xf32, #tpu.memory_space<vmem>>, vector<1x16xf32>,
        %get3A_230 = vector.shape_cast %get3A_229 : vector<1x16xf32> to vector<16xf32>
        %mul3A_231 = arith.mulf %get3A_230, %broadcast_in_dim3A : vector<16xf32>
        %swap3A_232 = arith.index_cast %add3A_137 : i32 to index
        %swap3A_233 = arith.constant 144 : index
        %swap3A_234 = tpu.vector_load %arg10[%swap3A_232, %swap3A_233] {strides = array<i32>} : memref<128x160xf32, #tpu.memory_space<vmem>>, vector<1x16xf32>,
        %swap3A_235 = vector.shape_cast %swap3A_234 : vector<1x16xf32> to vector<16xf32>
        %swap3A_236 = vector.shape_cast %mul3A_231 : vector<16xf32> to vector<1x16xf32>
        tpu.vector_store %arg10[%swap3A_232, %swap3A_233], %swap3A_236 {strides = array<i32>} : memref<128x160xf32, #tpu.memory_space<vmem>>, vector<1x16xf32>,
        %slice3A_237 = vector.extract_strided_slice %get3A_133 {offsets = [1], sizes = [1], strides = [1]} : vector<16xf32> to vector<1xf32>
        %squeeze3A_238 = vector.extract %slice3A_237[0] : f32 from vector<1xf32>
        %broadcast_in_dim3A_239 = vector.broadcast %squeeze3A_238 : f32 to vector<16xf32>
        %mul3A_240 = arith.constant 16 : i32
        %mul3A_241 = arith.muli %scan3A_127, %mul3A_240 : i32
        %add3A_242 = arith.constant 1 : i32
        %add3A_243 = arith.addi %mul3A_241, %add3A_242 : i32
        %get3A_244 = arith.index_cast %add3A_243 : i32 to index
        %get3A_245 = arith.constant 0 : index
        %get3A_246 = tpu.vector_load %arg10[%get3A_244, %get3A_245] {strides = array<i32>} : memref<128x160xf32, #tpu.memory_space<vmem>>, vector<1x16xf32>,
        %get3A_247 = vector.shape_cast %get3A_246 : vector<1x16xf32> to vector<16xf32>
        %mul3A_248 = arith.mulf %get3A_247, %broadcast_in_dim3A_239 : vector<16xf32>
        %swap3A_249 = arith.index_cast %add3A_243 : i32 to index
        %swap3A_250 = arith.constant 0 : index
        %swap3A_251 = tpu.vector_load %arg10[%swap3A_249, %swap3A_250] {strides = array<i32>} : memref<128x160xf32, #tpu.memory_space<vmem>>, vector<1x16xf32>,
        %swap3A_252 = vector.shape_cast %swap3A_251 : vector<1x16xf32> to vector<16xf32>
        %swap3A_253 = vector.shape_cast %mul3A_248 : vector<16xf32> to vector<1x16xf32>
        tpu.vector_store %arg10[%swap3A_249, %swap3A_250], %swap3A_253 {strides = array<i32>} : memref<128x160xf32, #tpu.memory_space<vmem>>, vector<1x16xf32>,
        %get3A_254 = arith.index_cast %add3A_243 : i32 to index
        %get3A_255 = arith.constant 16 : index
        %get3A_256 = tpu.vector_load %arg10[%get3A_254, %get3A_255] {strides = array<i32>} : memref<128x160xf32, #tpu.memory_space<vmem>>, vector<1x16xf32>,
        %get3A_257 = vector.shape_cast %get3A_256 : vector<1x16xf32> to vector<16xf32>
        %mul3A_258 = arith.mulf %get3A_257, %broadcast_in_dim3A_239 : vector<16xf32>
        %swap3A_259 = arith.index_cast %add3A_243 : i32 to index
        %swap3A_260 = arith.constant 16 : index
        %swap3A_261 = tpu.vector_load %arg10[%swap3A_259, %swap3A_260] {strides = array<i32>} : memref<128x160xf32, #tpu.memory_space<vmem>>, vector<1x16xf32>,
        %swap3A_262 = vector.shape_cast %swap3A_261 : vector<1x16xf32> to vector<16xf32>
        %swap3A_263 = vector.shape_cast %mul3A_258 : vector<16xf32> to vector<1x16xf32>
        tpu.vector_store %arg10[%swap3A_259, %swap3A_260], %swap3A_263 {strides = array<i32>} : memref<128x160xf32, #tpu.memory_space<vmem>>, vector<1x16xf32>,
        %get3A_264 = arith.index_cast %add3A_243 : i32 to index
        %get3A_265 = arith.constant 32 : index
        %get3A_266 = tpu.vector_load %arg10[%get3A_264, %get3A_265] {strides = array<i32>} : memref<128x160xf32, #tpu.memory_space<vmem>>, vector<1x16xf32>,
        %get3A_267 = vector.shape_cast %get3A_266 : vector<1x16xf32> to vector<16xf32>
        %mul3A_268 = arith.mulf %get3A_267, %broadcast_in_dim3A_239 : vector<16xf32>
        %swap3A_269 = arith.index_cast %add3A_243 : i32 to index
        %swap3A_270 = arith.constant 32 : index
        %swap3A_271 = tpu.vector_load %arg10[%swap3A_269, %swap3A_270] {strides = array<i32>} : memref<128x160xf32, #tpu.memory_space<vmem>>, vector<1x16xf32>,
        %swap3A_272 = vector.shape_cast %swap3A_271 : vector<1x16xf32> to vector<16xf32>
        %swap3A_273 = vector.shape_cast %mul3A_268 : vector<16xf32> to vector<1x16xf32>
        tpu.vector_store %arg10[%swap3A_269, %swap3A_270], %swap3A_273 {strides = array<i32>} : memref<128x160xf32, #tpu.memory_space<vmem>>, vector<1x16xf32>,
        %get3A_274 = arith.index_cast %add3A_243 : i32 to index
        %get3A_275 = arith.constant 48 : index
        %get3A_276 = tpu.vector_load %arg10[%get3A_274, %get3A_275] {strides = array<i32>} : memref<128x160xf32, #tpu.memory_space<vmem>>, vector<1x16xf32>,
        %get3A_277 = vector.shape_cast %get3A_276 : vector<1x16xf32> to vector<16xf32>
        %mul3A_278 = arith.mulf %get3A_277, %broadcast_in_dim3A_239 : vector<16xf32>
        %swap3A_279 = arith.index_cast %add3A_243 : i32 to index
        %swap3A_280 = arith.constant 48 : index
        %swap3A_281 = tpu.vector_load %arg10[%swap3A_279, %swap3A_280] {strides = array<i32>} : memref<128x160xf32, #tpu.memory_space<vmem>>, vector<1x16xf32>,
        %swap3A_282 = vector.shape_cast %swap3A_281 : vector<1x16xf32> to vector<16xf32>
        %swap3A_283 = vector.shape_cast %mul3A_278 : vector<16xf32> to vector<1x16xf32>
        tpu.vector_store %arg10[%swap3A_279, %swap3A_280], %swap3A_283 {strides = array<i32>} : memref<128x160xf32, #tpu.memory_space<vmem>>, vector<1x16xf32>,
        %get3A_284 = arith.index_cast %add3A_243 : i32 to index
        %get3A_285 = arith.constant 64 : index
        %get3A_286 = tpu.vector_load %arg10[%get3A_284, %get3A_285] {strides = array<i32>} : memref<128x160xf32, #tpu.memory_space<vmem>>, vector<1x16xf32>,
        %get3A_287 = vector.shape_cast %get3A_286 : vector<1x16xf32> to vector<16xf32>
        %mul3A_288 = arith.mulf %get3A_287, %broadcast_in_dim3A_239 : vector<16xf32>
        %swap3A_289 = arith.index_cast %add3A_243 : i32 to index
        %swap3A_290 = arith.constant 64 : index
        %swap3A_291 = tpu.vector_load %arg10[%swap3A_289, %swap3A_290] {strides = array<i32>} : memref<128x160xf32, #tpu.memory_space<vmem>>, vector<1x16xf32>,
        %swap3A_292 = vector.shape_cast %swap3A_291 : vector<1x16xf32> to vector<16xf32>
        %swap3A_293 = vector.shape_cast %mul3A_288 : vector<16xf32> to vector<1x16xf32>
        tpu.vector_store %arg10[%swap3A_289, %swap3A_290], %swap3A_293 {strides = array<i32>} : memref<128x160xf32, #tpu.memory_space<vmem>>, vector<1x16xf32>,
        %get3A_294 = arith.index_cast %add3A_243 : i32 to index
        %get3A_295 = arith.constant 80 : index
        %get3A_296 = tpu.vector_load %arg10[%get3A_294, %get3A_295] {strides = array<i32>} : memref<128x160xf32, #tpu.memory_space<vmem>>, vector<1x16xf32>,
        %get3A_297 = vector.shape_cast %get3A_296 : vector<1x16xf32> to vector<16xf32>
        %mul3A_298 = arith.mulf %get3A_297, %broadcast_in_dim3A_239 : vector<16xf32>
        %swap3A_299 = arith.index_cast %add3A_243 : i32 to index
        %swap3A_300 = arith.constant 80 : index
        %swap3A_301 = tpu.vector_load %arg10[%swap3A_299, %swap3A_300] {strides = array<i32>} : memref<128x160xf32, #tpu.memory_space<vmem>>, vector<1x16xf32>,
        %swap3A_302 = vector.shape_cast %swap3A_301 : vector<1x16xf32> to vector<16xf32>
        %swap3A_303 = vector.shape_cast %mul3A_298 : vector<16xf32> to vector<1x16xf32>
        tpu.vector_store %arg10[%swap3A_299, %swap3A_300], %swap3A_303 {strides = array<i32>} : memref<128x160xf32, #tpu.memory_space<vmem>>, vector<1x16xf32>,
        %get3A_304 = arith.index_cast %add3A_243 : i32 to index
        %get3A_305 = arith.constant 96 : index
        %get3A_306 = tpu.vector_load %arg10[%get3A_304, %get3A_305] {strides = array<i32>} : memref<128x160xf32, #tpu.memory_space<vmem>>, vector<1x16xf32>,
        %get3A_307 = vector.shape_cast %get3A_306 : vector<1x16xf32> to vector<16xf32>
        %mul3A_308 = arith.mulf %get3A_307, %broadcast_in_dim3A_239 : vector<16xf32>
        %swap3A_309 = arith.index_cast %add3A_243 : i32 to index
        %swap3A_310 = arith.constant 96 : index
        %swap3A_311 = tpu.vector_load %arg10[%swap3A_309, %swap3A_310] {strides = array<i32>} : memref<128x160xf32, #tpu.memory_space<vmem>>, vector<1x16xf32>,
        %swap3A_312 = vector.shape_cast %swap3A_311 : vector<1x16xf32> to vector<16xf32>
        %swap3A_313 = vector.shape_cast %mul3A_308 : vector<16xf32> to vector<1x16xf32>
        tpu.vector_store %arg10[%swap3A_309, %swap3A_310], %swap3A_313 {strides = array<i32>} : memref<128x160xf32, #tpu.memory_space<vmem>>, vector<1x16xf32>,
        %get3A_314 = arith.index_cast %add3A_243 : i32 to index
        %get3A_315 = arith.constant 112 : index
        %get3A_316 = tpu.vector_load %arg10[%get3A_314, %get3A_315] {strides = array<i32>} : memref<128x160xf32, #tpu.memory_space<vmem>>, vector<1x16xf32>,
        %get3A_317 = vector.shape_cast %get3A_316 : vector<1x16xf32> to vector<16xf32>
        %mul3A_318 = arith.mulf %get3A_317, %broadcast_in_dim3A_239 : vector<16xf32>
        %swap3A_319 = arith.index_cast %add3A_243 : i32 to index
        %swap3A_320 = arith.constant 112 : index
        %swap3A_321 = tpu.vector_load %arg10[%swap3A_319, %swap3A_320] {strides = array<i32>} : memref<128x160xf32, #tpu.memory_space<vmem>>, vector<1x16xf32>,
        %swap3A_322 = vector.shape_cast %swap3A_321 : vector<1x16xf32> to vector<16xf32>
        %swap3A_323 = vector.shape_cast %mul3A_318 : vector<16xf32> to vector<1x16xf32>
        tpu.vector_store %arg10[%swap3A_319, %swap3A_320], %swap3A_323 {strides = array<i32>} : memref<128x160xf32, #tpu.memory_space<vmem>>, vector<1x16xf32>,
        %get3A_324 = arith.index_cast %add3A_243 : i32 to index
        %get3A_325 = arith.constant 128 : index
        %get3A_326 = tpu.vector_load %arg10[%get3A_324, %get3A_325] {strides = array<i32>} : memref<128x160xf32, #tpu.memory_space<vmem>>, vector<1x16xf32>,
        %get3A_327 = vector.shape_cast %get3A_326 : vector<1x16xf32> to vector<16xf32>
        %mul3A_328 = arith.mulf %get3A_327, %broadcast_in_dim3A_239 : vector<16xf32>
        %swap3A_329 = arith.index_cast %add3A_243 : i32 to index
        %swap3A_330 = arith.constant 128 : index
        %swap3A_331 = tpu.vector_load %arg10[%swap3A_329, %swap3A_330] {strides = array<i32>} : memref<128x160xf32, #tpu.memory_space<vmem>>, vector<1x16xf32>,
        %swap3A_332 = vector.shape_cast %swap3A_331 : vector<1x16xf32> to vector<16xf32>
        %swap3A_333 = vector.shape_cast %mul3A_328 : vector<16xf32> to vector<1x16xf32>
        tpu.vector_store %arg10[%swap3A_329, %swap3A_330], %swap3A_333 {strides = array<i32>} : memref<128x160xf32, #tpu.memory_space<vmem>>, vector<1x16xf32>,
        %get3A_334 = arith.index_cast %add3A_243 : i32 to index
        %get3A_335 = arith.constant 144 : index
        %get3A_336 = tpu.vector_load %arg10[%get3A_334, %get3A_335] {strides = array<i32>} : memref<128x160xf32, #tpu.memory_space<vmem>>, vector<1x16xf32>,
        %get3A_337 = vector.shape_cast %get3A_336 : vector<1x16xf32> to vector<16xf32>
        %mul3A_338 = arith.mulf %get3A_337, %broadcast_in_dim3A_239 : vector<16xf32>
        %swap3A_339 = arith.index_cast %add3A_243 : i32 to index
        %swap3A_340 = arith.constant 144 : index
        %swap3A_341 = tpu.vector_load %arg10[%swap3A_339, %swap3A_340] {strides = array<i32>} : memref<128x160xf32, #tpu.memory_space<vmem>>, vector<1x16xf32>,
        %swap3A_342 = vector.shape_cast %swap3A_341 : vector<1x16xf32> to vector<16xf32>
        %swap3A_343 = vector.shape_cast %mul3A_338 : vector<16xf32> to vector<1x16xf32>
        tpu.vector_store %arg10[%swap3A_339, %swap3A_340], %swap3A_343 {strides = array<i32>} : memref<128x160xf32, #tpu.memory_space<vmem>>, vector<1x16xf32>,
        %slice3A_344 = vector.extract_strided_slice %get3A_133 {offsets = [2], sizes = [1], strides = [1]} : vector<16xf32> to vector<1xf32>
        %squeeze3A_345 = vector.extract %slice3A_344[0] : f32 from vector<1xf32>
        %broadcast_in_dim3A_346 = vector.broadcast %squeeze3A_345 : f32 to vector<16xf32>
        %mul3A_347 = arith.constant 16 : i32
        %mul3A_348 = arith.muli %scan3A_127, %mul3A_347 : i32
        %add3A_349 = arith.constant 2 : i32
        %add3A_350 = arith.addi %mul3A_348, %add3A_349 : i32
        %get3A_351 = arith.index_cast %add3A_350 : i32 to index
        %get3A_352 = arith.constant 0 : index
        %get3A_353 = tpu.vector_load %arg10[%get3A_351, %get3A_352] {strides = array<i32>} : memref<128x160xf32, #tpu.memory_space<vmem>>, vector<1x16xf32>,
        %get3A_354 = vector.shape_cast %get3A_353 : vector<1x16xf32> to vector<16xf32>
        %mul3A_355 = arith.mulf %get3A_354, %broadcast_in_dim3A_346 : vector<16xf32>
        %swap3A_356 = arith.index_cast %add3A_350 : i32 to index
        %swap3A_357 = arith.constant 0 : index
        %swap3A_358 = tpu.vector_load %arg10[%swap3A_356, %swap3A_357] {strides = array<i32>} : memref<128x160xf32, #tpu.memory_space<vmem>>, vector<1x16xf32>,
        %swap3A_359 = vector.shape_cast %swap3A_358 : vector<1x16xf32> to vector<16xf32>
        %swap3A_360 = vector.shape_cast %mul3A_355 : vector<16xf32> to vector<1x16xf32>
        tpu.vector_store %arg10[%swap3A_356, %swap3A_357], %swap3A_360 {strides = array<i32>} : memref<128x160xf32, #tpu.memory_space<vmem>>, vector<1x16xf32>,
        %get3A_361 = arith.index_cast %add3A_350 : i32 to index
        %get3A_362 = arith.constant 16 : index
        %get3A_363 = tpu.vector_load %arg10[%get3A_361, %get3A_362] {strides = array<i32>} : memref<128x160xf32, #tpu.memory_space<vmem>>, vector<1x16xf32>,
        %get3A_364 = vector.shape_cast %get3A_363 : vector<1x16xf32> to vector<16xf32>
        %mul3A_365 = arith.mulf %get3A_364, %broadcast_in_dim3A_346 : vector<16xf32>
        %swap3A_366 = arith.index_cast %add3A_350 : i32 to index
        %swap3A_367 = arith.constant 16 : index
        %swap3A_368 = tpu.vector_load %arg10[%swap3A_366, %swap3A_367] {strides = array<i32>} : memref<128x160xf32, #tpu.memory_space<vmem>>, vector<1x16xf32>,
        %swap3A_369 = vector.shape_cast %swap3A_368 : vector<1x16xf32> to vector<16xf32>
        %swap3A_370 = vector.shape_cast %mul3A_365 : vector<16xf32> to vector<1x16xf32>
        tpu.vector_store %arg10[%swap3A_366, %swap3A_367], %swap3A_370 {strides = array<i32>} : memref<128x160xf32, #tpu.memory_space<vmem>>, vector<1x16xf32>,
        %get3A_371 = arith.index_cast %add3A_350 : i32 to index
        %get3A_372 = arith.constant 32 : index
        %get3A_373 = tpu.vector_load %arg10[%get3A_371, %get3A_372] {strides = array<i32>} : memref<128x160xf32, #tpu.memory_space<vmem>>, vector<1x16xf32>,
        %get3A_374 = vector.shape_cast %get3A_373 : vector<1x16xf32> to vector<16xf32>
        %mul3A_375 = arith.mulf %get3A_374, %broadcast_in_dim3A_346 : vector<16xf32>
        %swap3A_376 = arith.index_cast %add3A_350 : i32 to index
        %swap3A_377 = arith.constant 32 : index
        %swap3A_378 = tpu.vector_load %arg10[%swap3A_376, %swap3A_377] {strides = array<i32>} : memref<128x160xf32, #tpu.memory_space<vmem>>, vector<1x16xf32>,
        %swap3A_379 = vector.shape_cast %swap3A_378 : vector<1x16xf32> to vector<16xf32>
        %swap3A_380 = vector.shape_cast %mul3A_375 : vector<16xf32> to vector<1x16xf32>
        tpu.vector_store %arg10[%swap3A_376, %swap3A_377], %swap3A_380 {strides = array<i32>} : memref<128x160xf32, #tpu.memory_space<vmem>>, vector<1x16xf32>,
        %get3A_381 = arith.index_cast %add3A_350 : i32 to index
        %get3A_382 = arith.constant 48 : index
        %get3A_383 = tpu.vector_load %arg10[%get3A_381, %get3A_382] {strides = array<i32>} : memref<128x160xf32, #tpu.memory_space<vmem>>, vector<1x16xf32>,
        %get3A_384 = vector.shape_cast %get3A_383 : vector<1x16xf32> to vector<16xf32>
        %mul3A_385 = arith.mulf %get3A_384, %broadcast_in_dim3A_346 : vector<16xf32>
        %swap3A_386 = arith.index_cast %add3A_350 : i32 to index
        %swap3A_387 = arith.constant 48 : index
        %swap3A_388 = tpu.vector_load %arg10[%swap3A_386, %swap3A_387] {strides = array<i32>} : memref<128x160xf32, #tpu.memory_space<vmem>>, vector<1x16xf32>,
        %swap3A_389 = vector.shape_cast %swap3A_388 : vector<1x16xf32> to vector<16xf32>
        %swap3A_390 = vector.shape_cast %mul3A_385 : vector<16xf32> to vector<1x16xf32>
        tpu.vector_store %arg10[%swap3A_386, %swap3A_387], %swap3A_390 {strides = array<i32>} : memref<128x160xf32, #tpu.memory_space<vmem>>, vector<1x16xf32>,
        %get3A_391 = arith.index_cast %add3A_350 : i32 to index
        %get3A_392 = arith.constant 64 : index
        %get3A_393 = tpu.vector_load %arg10[%get3A_391, %get3A_392] {strides = array<i32>} : memref<128x160xf32, #tpu.memory_space<vmem>>, vector<1x16xf32>,
        %get3A_394 = vector.shape_cast %get3A_393 : vector<1x16xf32> to vector<16xf32>
        %mul3A_395 = arith.mulf %get3A_394, %broadcast_in_dim3A_346 : vector<16xf32>
        %swap3A_396 = arith.index_cast %add3A_350 : i32 to index
        %swap3A_397 = arith.constant 64 : index
        %swap3A_398 = tpu.vector_load %arg10[%swap3A_396, %swap3A_397] {strides = array<i32>} : memref<128x160xf32, #tpu.memory_space<vmem>>, vector<1x16xf32>,
        %swap3A_399 = vector.shape_cast %swap3A_398 : vector<1x16xf32> to vector<16xf32>
        %swap3A_400 = vector.shape_cast %mul3A_395 : vector<16xf32> to vector<1x16xf32>
        tpu.vector_store %arg10[%swap3A_396, %swap3A_397], %swap3A_400 {strides = array<i32>} : memref<128x160xf32, #tpu.memory_space<vmem>>, vector<1x16xf32>,
        %get3A_401 = arith.index_cast %add3A_350 : i32 to index
        %get3A_402 = arith.constant 80 : index
        %get3A_403 = tpu.vector_load %arg10[%get3A_401, %get3A_402] {strides = array<i32>} : memref<128x160xf32, #tpu.memory_space<vmem>>, vector<1x16xf32>,
        %get3A_404 = vector.shape_cast %get3A_403 : vector<1x16xf32> to vector<16xf32>
        %mul3A_405 = arith.mulf %get3A_404, %broadcast_in_dim3A_346 : vector<16xf32>
        %swap3A_406 = arith.index_cast %add3A_350 : i32 to index
        %swap3A_407 = arith.constant 80 : index
        %swap3A_408 = tpu.vector_load %arg10[%swap3A_406, %swap3A_407] {strides = array<i32>} : memref<128x160xf32, #tpu.memory_space<vmem>>, vector<1x16xf32>,
        %swap3A_409 = vector.shape_cast %swap3A_408 : vector<1x16xf32> to vector<16xf32>
        %swap3A_410 = vector.shape_cast %mul3A_405 : vector<16xf32> to vector<1x16xf32>
        tpu.vector_store %arg10[%swap3A_406, %swap3A_407], %swap3A_410 {strides = array<i32>} : memref<128x160xf32, #tpu.memory_space<vmem>>, vector<1x16xf32>,
        %get3A_411 = arith.index_cast %add3A_350 : i32 to index
        %get3A_412 = arith.constant 96 : index
        %get3A_413 = tpu.vector_load %arg10[%get3A_411, %get3A_412] {strides = array<i32>} : memref<128x160xf32, #tpu.memory_space<vmem>>, vector<1x16xf32>,
        %get3A_414 = vector.shape_cast %get3A_413 : vector<1x16xf32> to vector<16xf32>
        %mul3A_415 = arith.mulf %get3A_414, %broadcast_in_dim3A_346 : vector<16xf32>
        %swap3A_416 = arith.index_cast %add3A_350 : i32 to index
        %swap3A_417 = arith.constant 96 : index
        %swap3A_418 = tpu.vector_load %arg10[%swap3A_416, %swap3A_417] {strides = array<i32>} : memref<128x160xf32, #tpu.memory_space<vmem>>, vector<1x16xf32>,
        %swap3A_419 = vector.shape_cast %swap3A_418 : vector<1x16xf32> to vector<16xf32>
        %swap3A_420 = vector.shape_cast %mul3A_415 : vector<16xf32> to vector<1x16xf32>
        tpu.vector_store %arg10[%swap3A_416, %swap3A_417], %swap3A_420 {strides = array<i32>} : memref<128x160xf32, #tpu.memory_space<vmem>>, vector<1x16xf32>,
        %get3A_421 = arith.index_cast %add3A_350 : i32 to index
        %get3A_422 = arith.constant 112 : index
        %get3A_423 = tpu.vector_load %arg10[%get3A_421, %get3A_422] {strides = array<i32>} : memref<128x160xf32, #tpu.memory_space<vmem>>, vector<1x16xf32>,
        %get3A_424 = vector.shape_cast %get3A_423 : vector<1x16xf32> to vector<16xf32>
        %mul3A_425 = arith.mulf %get3A_424, %broadcast_in_dim3A_346 : vector<16xf32>
        %swap3A_426 = arith.index_cast %add3A_350 : i32 to index
        %swap3A_427 = arith.constant 112 : index
        %swap3A_428 = tpu.vector_load %arg10[%swap3A_426, %swap3A_427] {strides = array<i32>} : memref<128x160xf32, #tpu.memory_space<vmem>>, vector<1x16xf32>,
        %swap3A_429 = vector.shape_cast %swap3A_428 : vector<1x16xf32> to vector<16xf32>
        %swap3A_430 = vector.shape_cast %mul3A_425 : vector<16xf32> to vector<1x16xf32>
        tpu.vector_store %arg10[%swap3A_426, %swap3A_427], %swap3A_430 {strides = array<i32>} : memref<128x160xf32, #tpu.memory_space<vmem>>, vector<1x16xf32>,
        %get3A_431 = arith.index_cast %add3A_350 : i32 to index
        %get3A_432 = arith.constant 128 : index
        %get3A_433 = tpu.vector_load %arg10[%get3A_431, %get3A_432] {strides = array<i32>} : memref<128x160xf32, #tpu.memory_space<vmem>>, vector<1x16xf32>,
        %get3A_434 = vector.shape_cast %get3A_433 : vector<1x16xf32> to vector<16xf32>
        %mul3A_435 = arith.mulf %get3A_434, %broadcast_in_dim3A_346 : vector<16xf32>
        %swap3A_436 = arith.index_cast %add3A_350 : i32 to index
        %swap3A_437 = arith.constant 128 : index
        %swap3A_438 = tpu.vector_load %arg10[%swap3A_436, %swap3A_437] {strides = array<i32>} : memref<128x160xf32, #tpu.memory_space<vmem>>, vector<1x16xf32>,
        %swap3A_439 = vector.shape_cast %swap3A_438 : vector<1x16xf32> to vector<16xf32>
        %swap3A_440 = vector.shape_cast %mul3A_435 : vector<16xf32> to vector<1x16xf32>
        tpu.vector_store %arg10[%swap3A_436, %swap3A_437], %swap3A_440 {strides = array<i32>} : memref<128x160xf32, #tpu.memory_space<vmem>>, vector<1x16xf32>,
        %get3A_441 = arith.index_cast %add3A_350 : i32 to index
        %get3A_442 = arith.constant 144 : index
        %get3A_443 = tpu.vector_load %arg10[%get3A_441, %get3A_442] {strides = array<i32>} : memref<128x160xf32, #tpu.memory_space<vmem>>, vector<1x16xf32>,
        %get3A_444 = vector.shape_cast %get3A_443 : vector<1x16xf32> to vector<16xf32>
        %mul3A_445 = arith.mulf %get3A_444, %broadcast_in_dim3A_346 : vector<16xf32>
        %swap3A_446 = arith.index_cast %add3A_350 : i32 to index
        %swap3A_447 = arith.constant 144 : index
        %swap3A_448 = tpu.vector_load %arg10[%swap3A_446, %swap3A_447] {strides = array<i32>} : memref<128x160xf32, #tpu.memory_space<vmem>>, vector<1x16xf32>,
        %swap3A_449 = vector.shape_cast %swap3A_448 : vector<1x16xf32> to vector<16xf32>
        %swap3A_450 = vector.shape_cast %mul3A_445 : vector<16xf32> to vector<1x16xf32>
        tpu.vector_store %arg10[%swap3A_446, %swap3A_447], %swap3A_450 {strides = array<i32>} : memref<128x160xf32, #tpu.memory_space<vmem>>, vector<1x16xf32>,
        %slice3A_451 = vector.extract_strided_slice %get3A_133 {offsets = [3], sizes = [1], strides = [1]} : vector<16xf32> to vector<1xf32>
        %squeeze3A_452 = vector.extract %slice3A_451[0] : f32 from vector<1xf32>
        %broadcast_in_dim3A_453 = vector.broadcast %squeeze3A_452 : f32 to vector<16xf32>
        %mul3A_454 = arith.constant 16 : i32
        %mul3A_455 = arith.muli %scan3A_127, %mul3A_454 : i32
        %add3A_456 = arith.constant 3 : i32
        %add3A_457 = arith.addi %mul3A_455, %add3A_456 : i32
        %get3A_458 = arith.index_cast %add3A_457 : i32 to index
        %get3A_459 = arith.constant 0 : index
        %get3A_460 = tpu.vector_load %arg10[%get3A_458, %get3A_459] {strides = array<i32>} : memref<128x160xf32, #tpu.memory_space<vmem>>, vector<1x16xf32>,
        %get3A_461 = vector.shape_cast %get3A_460 : vector<1x16xf32> to vector<16xf32>
        %mul3A_462 = arith.mulf %get3A_461, %broadcast_in_dim3A_453 : vector<16xf32>
        %swap3A_463 = arith.index_cast %add3A_457 : i32 to index
        %swap3A_464 = arith.constant 0 : index
        %swap3A_465 = tpu.vector_load %arg10[%swap3A_463, %swap3A_464] {strides = array<i32>} : memref<128x160xf32, #tpu.memory_space<vmem>>, vector<1x16xf32>,
        %swap3A_466 = vector.shape_cast %swap3A_465 : vector<1x16xf32> to vector<16xf32>
        %swap3A_467 = vector.shape_cast %mul3A_462 : vector<16xf32> to vector<1x16xf32>
        tpu.vector_store %arg10[%swap3A_463, %swap3A_464], %swap3A_467 {strides = array<i32>} : memref<128x160xf32, #tpu.memory_space<vmem>>, vector<1x16xf32>,
        %get3A_468 = arith.index_cast %add3A_457 : i32 to index
        %get3A_469 = arith.constant 16 : index
        %get3A_470 = tpu.vector_load %arg10[%get3A_468, %get3A_469] {strides = array<i32>} : memref<128x160xf32, #tpu.memory_space<vmem>>, vector<1x16xf32>,
        %get3A_471 = vector.shape_cast %get3A_470 : vector<1x16xf32> to vector<16xf32>
        %mul3A_472 = arith.mulf %get3A_471, %broadcast_in_dim3A_453 : vector<16xf32>
        %swap3A_473 = arith.index_cast %add3A_457 : i32 to index
        %swap3A_474 = arith.constant 16 : index
        %swap3A_475 = tpu.vector_load %arg10[%swap3A_473, %swap3A_474] {strides = array<i32>} : memref<128x160xf32, #tpu.memory_space<vmem>>, vector<1x16xf32>,
        %swap3A_476 = vector.shape_cast %swap3A_475 : vector<1x16xf32> to vector<16xf32>
        %swap3A_477 = vector.shape_cast %mul3A_472 : vector<16xf32> to vector<1x16xf32>
        tpu.vector_store %arg10[%swap3A_473, %swap3A_474], %swap3A_477 {strides = array<i32>} : memref<128x160xf32, #tpu.memory_space<vmem>>, vector<1x16xf32>,
        %get3A_478 = arith.index_cast %add3A_457 : i32 to index
        %get3A_479 = arith.constant 32 : index
        %get3A_480 = tpu.vector_load %arg10[%get3A_478, %get3A_479] {strides = array<i32>} : memref<128x160xf32, #tpu.memory_space<vmem>>, vector<1x16xf32>,
        %get3A_481 = vector.shape_cast %get3A_480 : vector<1x16xf32> to vector<16xf32>
        %mul3A_482 = arith.mulf %get3A_481, %broadcast_in_dim3A_453 : vector<16xf32>
        %swap3A_483 = arith.index_cast %add3A_457 : i32 to index
        %swap3A_484 = arith.constant 32 : index
        %swap3A_485 = tpu.vector_load %arg10[%swap3A_483, %swap3A_484] {strides = array<i32>} : memref<128x160xf32, #tpu.memory_space<vmem>>, vector<1x16xf32>,
        %swap3A_486 = vector.shape_cast %swap3A_485 : vector<1x16xf32> to vector<16xf32>
        %swap3A_487 = vector.shape_cast %mul3A_482 : vector<16xf32> to vector<1x16xf32>
        tpu.vector_store %arg10[%swap3A_483, %swap3A_484], %swap3A_487 {strides = array<i32>} : memref<128x160xf32, #tpu.memory_space<vmem>>, vector<1x16xf32>,
        %get3A_488 = arith.index_cast %add3A_457 : i32 to index
        %get3A_489 = arith.constant 48 : index
        %get3A_490 = tpu.vector_load %arg10[%get3A_488, %get3A_489] {strides = array<i32>} : memref<128x160xf32, #tpu.memory_space<vmem>>, vector<1x16xf32>,
        %get3A_491 = vector.shape_cast %get3A_490 : vector<1x16xf32> to vector<16xf32>
        %mul3A_492 = arith.mulf %get3A_491, %broadcast_in_dim3A_453 : vector<16xf32>
        %swap3A_493 = arith.index_cast %add3A_457 : i32 to index
        %swap3A_494 = arith.constant 48 : index
        %swap3A_495 = tpu.vector_load %arg10[%swap3A_493, %swap3A_494] {strides = array<i32>} : memref<128x160xf32, #tpu.memory_space<vmem>>, vector<1x16xf32>,
        %swap3A_496 = vector.shape_cast %swap3A_495 : vector<1x16xf32> to vector<16xf32>
        %swap3A_497 = vector.shape_cast %mul3A_492 : vector<16xf32> to vector<1x16xf32>
        tpu.vector_store %arg10[%swap3A_493, %swap3A_494], %swap3A_497 {strides = array<i32>} : memref<128x160xf32, #tpu.memory_space<vmem>>, vector<1x16xf32>,
        %get3A_498 = arith.index_cast %add3A_457 : i32 to index
        %get3A_499 = arith.constant 64 : index
        %get3A_500 = tpu.vector_load %arg10[%get3A_498, %get3A_499] {strides = array<i32>} : memref<128x160xf32, #tpu.memory_space<vmem>>, vector<1x16xf32>,
        %get3A_501 = vector.shape_cast %get3A_500 : vector<1x16xf32> to vector<16xf32>
        %mul3A_502 = arith.mulf %get3A_501, %broadcast_in_dim3A_453 : vector<16xf32>
        %swap3A_503 = arith.index_cast %add3A_457 : i32 to index
        %swap3A_504 = arith.constant 64 : index
        %swap3A_505 = tpu.vector_load %arg10[%swap3A_503, %swap3A_504] {strides = array<i32>} : memref<128x160xf32, #tpu.memory_space<vmem>>, vector<1x16xf32>,
        %swap3A_506 = vector.shape_cast %swap3A_505 : vector<1x16xf32> to vector<16xf32>
        %swap3A_507 = vector.shape_cast %mul3A_502 : vector<16xf32> to vector<1x16xf32>
        tpu.vector_store %arg10[%swap3A_503, %swap3A_504], %swap3A_507 {strides = array<i32>} : memref<128x160xf32, #tpu.memory_space<vmem>>, vector<1x16xf32>,
        %get3A_508 = arith.index_cast %add3A_457 : i32 to index
        %get3A_509 = arith.constant 80 : index
        %get3A_510 = tpu.vector_load %arg10[%get3A_508, %get3A_509] {strides = array<i32>} : memref<128x160xf32, #tpu.memory_space<vmem>>, vector<1x16xf32>,
        %get3A_511 = vector.shape_cast %get3A_510 : vector<1x16xf32> to vector<16xf32>
        %mul3A_512 = arith.mulf %get3A_511, %broadcast_in_dim3A_453 : vector<16xf32>
        %swap3A_513 = arith.index_cast %add3A_457 : i32 to index
        %swap3A_514 = arith.constant 80 : index
        %swap3A_515 = tpu.vector_load %arg10[%swap3A_513, %swap3A_514] {strides = array<i32>} : memref<128x160xf32, #tpu.memory_space<vmem>>, vector<1x16xf32>,
        %swap3A_516 = vector.shape_cast %swap3A_515 : vector<1x16xf32> to vector<16xf32>
        %swap3A_517 = vector.shape_cast %mul3A_512 : vector<16xf32> to vector<1x16xf32>
        tpu.vector_store %arg10[%swap3A_513, %swap3A_514], %swap3A_517 {strides = array<i32>} : memref<128x160xf32, #tpu.memory_space<vmem>>, vector<1x16xf32>,
        %get3A_518 = arith.index_cast %add3A_457 : i32 to index
        %get3A_519 = arith.constant 96 : index
        %get3A_520 = tpu.vector_load %arg10[%get3A_518, %get3A_519] {strides = array<i32>} : memref<128x160xf32, #tpu.memory_space<vmem>>, vector<1x16xf32>,
        %get3A_521 = vector.shape_cast %get3A_520 : vector<1x16xf32> to vector<16xf32>
        %mul3A_522 = arith.mulf %get3A_521, %broadcast_in_dim3A_453 : vector<16xf32>
        %swap3A_523 = arith.index_cast %add3A_457 : i32 to index
        %swap3A_524 = arith.constant 96 : index
        %swap3A_525 = tpu.vector_load %arg10[%swap3A_523, %swap3A_524] {strides = array<i32>} : memref<128x160xf32, #tpu.memory_space<vmem>>, vector<1x16xf32>,
        %swap3A_526 = vector.shape_cast %swap3A_525 : vector<1x16xf32> to vector<16xf32>
        %swap3A_527 = vector.shape_cast %mul3A_522 : vector<16xf32> to vector<1x16xf32>
        tpu.vector_store %arg10[%swap3A_523, %swap3A_524], %swap3A_527 {strides = array<i32>} : memref<128x160xf32, #tpu.memory_space<vmem>>, vector<1x16xf32>,
        %get3A_528 = arith.index_cast %add3A_457 : i32 to index
        %get3A_529 = arith.constant 112 : index
        %get3A_530 = tpu.vector_load %arg10[%get3A_528, %get3A_529] {strides = array<i32>} : memref<128x160xf32, #tpu.memory_space<vmem>>, vector<1x16xf32>,
        %get3A_531 = vector.shape_cast %get3A_530 : vector<1x16xf32> to vector<16xf32>
        %mul3A_532 = arith.mulf %get3A_531, %broadcast_in_dim3A_453 : vector<16xf32>
        %swap3A_533 = arith.index_cast %add3A_457 : i32 to index
        %swap3A_534 = arith.constant 112 : index
        %swap3A_535 = tpu.vector_load %arg10[%swap3A_533, %swap3A_534] {strides = array<i32>} : memref<128x160xf32, #tpu.memory_space<vmem>>, vector<1x16xf32>,
        %swap3A_536 = vector.shape_cast %swap3A_535 : vector<1x16xf32> to vector<16xf32>
        %swap3A_537 = vector.shape_cast %mul3A_532 : vector<16xf32> to vector<1x16xf32>
        tpu.vector_store %arg10[%swap3A_533, %swap3A_534], %swap3A_537 {strides = array<i32>} : memref<128x160xf32, #tpu.memory_space<vmem>>, vector<1x16xf32>,
        %get3A_538 = arith.index_cast %add3A_457 : i32 to index
        %get3A_539 = arith.constant 128 : index
        %get3A_540 = tpu.vector_load %arg10[%get3A_538, %get3A_539] {strides = array<i32>} : memref<128x160xf32, #tpu.memory_space<vmem>>, vector<1x16xf32>,
        %get3A_541 = vector.shape_cast %get3A_540 : vector<1x16xf32> to vector<16xf32>
        %mul3A_542 = arith.mulf %get3A_541, %broadcast_in_dim3A_453 : vector<16xf32>
        %swap3A_543 = arith.index_cast %add3A_457 : i32 to index
        %swap3A_544 = arith.constant 128 : index
        %swap3A_545 = tpu.vector_load %arg10[%swap3A_543, %swap3A_544] {strides = array<i32>} : memref<128x160xf32, #tpu.memory_space<vmem>>, vector<1x16xf32>,
        %swap3A_546 = vector.shape_cast %swap3A_545 : vector<1x16xf32> to vector<16xf32>
        %swap3A_547 = vector.shape_cast %mul3A_542 : vector<16xf32> to vector<1x16xf32>
        tpu.vector_store %arg10[%swap3A_543, %swap3A_544], %swap3A_547 {strides = array<i32>} : memref<128x160xf32, #tpu.memory_space<vmem>>, vector<1x16xf32>,
        %get3A_548 = arith.index_cast %add3A_457 : i32 to index
        %get3A_549 = arith.constant 144 : index
        %get3A_550 = tpu.vector_load %arg10[%get3A_548, %get3A_549] {strides = array<i32>} : memref<128x160xf32, #tpu.memory_space<vmem>>, vector<1x16xf32>,
        %get3A_551 = vector.shape_cast %get3A_550 : vector<1x16xf32> to vector<16xf32>
        %mul3A_552 = arith.mulf %get3A_551, %broadcast_in_dim3A_453 : vector<16xf32>
        %swap3A_553 = arith.index_cast %add3A_457 : i32 to index
        %swap3A_554 = arith.constant 144 : index
        %swap3A_555 = tpu.vector_load %arg10[%swap3A_553, %swap3A_554] {strides = array<i32>} : memref<128x160xf32, #tpu.memory_space<vmem>>, vector<1x16xf32>,
        %swap3A_556 = vector.shape_cast %swap3A_555 : vector<1x16xf32> to vector<16xf32>
        %swap3A_557 = vector.shape_cast %mul3A_552 : vector<16xf32> to vector<1x16xf32>
        tpu.vector_store %arg10[%swap3A_553, %swap3A_554], %swap3A_557 {strides = array<i32>} : memref<128x160xf32, #tpu.memory_space<vmem>>, vector<1x16xf32>,
        %slice3A_558 = vector.extract_strided_slice %get3A_133 {offsets = [4], sizes = [1], strides = [1]} : vector<16xf32> to vector<1xf32>
        %squeeze3A_559 = vector.extract %slice3A_558[0] : f32 from vector<1xf32>
        %broadcast_in_dim3A_560 = vector.broadcast %squeeze3A_559 : f32 to vector<16xf32>
        %mul3A_561 = arith.constant 16 : i32
        %mul3A_562 = arith.muli %scan3A_127, %mul3A_561 : i32
        %add3A_563 = arith.constant 4 : i32
        %add3A_564 = arith.addi %mul3A_562, %add3A_563 : i32
        %get3A_565 = arith.index_cast %add3A_564 : i32 to index
        %get3A_566 = arith.constant 0 : index
        %get3A_567 = tpu.vector_load %arg10[%get3A_565, %get3A_566] {strides = array<i32>} : memref<128x160xf32, #tpu.memory_space<vmem>>, vector<1x16xf32>,
        %get3A_568 = vector.shape_cast %get3A_567 : vector<1x16xf32> to vector<16xf32>
        %mul3A_569 = arith.mulf %get3A_568, %broadcast_in_dim3A_560 : vector<16xf32>
        %swap3A_570 = arith.index_cast %add3A_564 : i32 to index
        %swap3A_571 = arith.constant 0 : index
        %swap3A_572 = tpu.vector_load %arg10[%swap3A_570, %swap3A_571] {strides = array<i32>} : memref<128x160xf32, #tpu.memory_space<vmem>>, vector<1x16xf32>,
        %swap3A_573 = vector.shape_cast %swap3A_572 : vector<1x16xf32> to vector<16xf32>
        %swap3A_574 = vector.shape_cast %mul3A_569 : vector<16xf32> to vector<1x16xf32>
        tpu.vector_store %arg10[%swap3A_570, %swap3A_571], %swap3A_574 {strides = array<i32>} : memref<128x160xf32, #tpu.memory_space<vmem>>, vector<1x16xf32>,
        %get3A_575 = arith.index_cast %add3A_564 : i32 to index
        %get3A_576 = arith.constant 16 : index
        %get3A_577 = tpu.vector_load %arg10[%get3A_575, %get3A_576] {strides = array<i32>} : memref<128x160xf32, #tpu.memory_space<vmem>>, vector<1x16xf32>,
        %get3A_578 = vector.shape_cast %get3A_577 : vector<1x16xf32> to vector<16xf32>
        %mul3A_579 = arith.mulf %get3A_578, %broadcast_in_dim3A_560 : vector<16xf32>
        %swap3A_580 = arith.index_cast %add3A_564 : i32 to index
        %swap3A_581 = arith.constant 16 : index
        %swap3A_582 = tpu.vector_load %arg10[%swap3A_580, %swap3A_581] {strides = array<i32>} : memref<128x160xf32, #tpu.memory_space<vmem>>, vector<1x16xf32>,
        %swap3A_583 = vector.shape_cast %swap3A_582 : vector<1x16xf32> to vector<16xf32>
        %swap3A_584 = vector.shape_cast %mul3A_579 : vector<16xf32> to vector<1x16xf32>
        tpu.vector_store %arg10[%swap3A_580, %swap3A_581], %swap3A_584 {strides = array<i32>} : memref<128x160xf32, #tpu.memory_space<vmem>>, vector<1x16xf32>,
        %get3A_585 = arith.index_cast %add3A_564 : i32 to index
        %get3A_586 = arith.constant 32 : index
        %get3A_587 = tpu.vector_load %arg10[%get3A_585, %get3A_586] {strides = array<i32>} : memref<128x160xf32, #tpu.memory_space<vmem>>, vector<1x16xf32>,
        %get3A_588 = vector.shape_cast %get3A_587 : vector<1x16xf32> to vector<16xf32>
        %mul3A_589 = arith.mulf %get3A_588, %broadcast_in_dim3A_560 : vector<16xf32>
        %swap3A_590 = arith.index_cast %add3A_564 : i32 to index
        %swap3A_591 = arith.constant 32 : index
        %swap3A_592 = tpu.vector_load %arg10[%swap3A_590, %swap3A_591] {strides = array<i32>} : memref<128x160xf32, #tpu.memory_space<vmem>>, vector<1x16xf32>,
        %swap3A_593 = vector.shape_cast %swap3A_592 : vector<1x16xf32> to vector<16xf32>
        %swap3A_594 = vector.shape_cast %mul3A_589 : vector<16xf32> to vector<1x16xf32>
        tpu.vector_store %arg10[%swap3A_590, %swap3A_591], %swap3A_594 {strides = array<i32>} : memref<128x160xf32, #tpu.memory_space<vmem>>, vector<1x16xf32>,
        %get3A_595 = arith.index_cast %add3A_564 : i32 to index
        %get3A_596 = arith.constant 48 : index
        %get3A_597 = tpu.vector_load %arg10[%get3A_595, %get3A_596] {strides = array<i32>} : memref<128x160xf32, #tpu.memory_space<vmem>>, vector<1x16xf32>,
        %get3A_598 = vector.shape_cast %get3A_597 : vector<1x16xf32> to vector<16xf32>
        %mul3A_599 = arith.mulf %get3A_598, %broadcast_in_dim3A_560 : vector<16xf32>
        %swap3A_600 = arith.index_cast %add3A_564 : i32 to index
        %swap3A_601 = arith.constant 48 : index
        %swap3A_602 = tpu.vector_load %arg10[%swap3A_600, %swap3A_601] {strides = array<i32>} : memref<128x160xf32, #tpu.memory_space<vmem>>, vector<1x16xf32>,
        %swap3A_603 = vector.shape_cast %swap3A_602 : vector<1x16xf32> to vector<16xf32>
        %swap3A_604 = vector.shape_cast %mul3A_599 : vector<16xf32> to vector<1x16xf32>
        tpu.vector_store %arg10[%swap3A_600, %swap3A_601], %swap3A_604 {strides = array<i32>} : memref<128x160xf32, #tpu.memory_space<vmem>>, vector<1x16xf32>,
        %get3A_605 = arith.index_cast %add3A_564 : i32 to index
        %get3A_606 = arith.constant 64 : index
        %get3A_607 = tpu.vector_load %arg10[%get3A_605, %get3A_606] {strides = array<i32>} : memref<128x160xf32, #tpu.memory_space<vmem>>, vector<1x16xf32>,
        %get3A_608 = vector.shape_cast %get3A_607 : vector<1x16xf32> to vector<16xf32>
        %mul3A_609 = arith.mulf %get3A_608, %broadcast_in_dim3A_560 : vector<16xf32>
        %swap3A_610 = arith.index_cast %add3A_564 : i32 to index
        %swap3A_611 = arith.constant 64 : index
        %swap3A_612 = tpu.vector_load %arg10[%swap3A_610, %swap3A_611] {strides = array<i32>} : memref<128x160xf32, #tpu.memory_space<vmem>>, vector<1x16xf32>,
        %swap3A_613 = vector.shape_cast %swap3A_612 : vector<1x16xf32> to vector<16xf32>
        %swap3A_614 = vector.shape_cast %mul3A_609 : vector<16xf32> to vector<1x16xf32>
        tpu.vector_store %arg10[%swap3A_610, %swap3A_611], %swap3A_614 {strides = array<i32>} : memref<128x160xf32, #tpu.memory_space<vmem>>, vector<1x16xf32>,
        %get3A_615 = arith.index_cast %add3A_564 : i32 to index
        %get3A_616 = arith.constant 80 : index
        %get3A_617 = tpu.vector_load %arg10[%get3A_615, %get3A_616] {strides = array<i32>} : memref<128x160xf32, #tpu.memory_space<vmem>>, vector<1x16xf32>,
        %get3A_618 = vector.shape_cast %get3A_617 : vector<1x16xf32> to vector<16xf32>
        %mul3A_619 = arith.mulf %get3A_618, %broadcast_in_dim3A_560 : vector<16xf32>
        %swap3A_620 = arith.index_cast %add3A_564 : i32 to index
        %swap3A_621 = arith.constant 80 : index
        %swap3A_622 = tpu.vector_load %arg10[%swap3A_620, %swap3A_621] {strides = array<i32>} : memref<128x160xf32, #tpu.memory_space<vmem>>, vector<1x16xf32>,
        %swap3A_623 = vector.shape_cast %swap3A_622 : vector<1x16xf32> to vector<16xf32>
        %swap3A_624 = vector.shape_cast %mul3A_619 : vector<16xf32> to vector<1x16xf32>
        tpu.vector_store %arg10[%swap3A_620, %swap3A_621], %swap3A_624 {strides = array<i32>} : memref<128x160xf32, #tpu.memory_space<vmem>>, vector<1x16xf32>,
        %get3A_625 = arith.index_cast %add3A_564 : i32 to index
        %get3A_626 = arith.constant 96 : index
        %get3A_627 = tpu.vector_load %arg10[%get3A_625, %get3A_626] {strides = array<i32>} : memref<128x160xf32, #tpu.memory_space<vmem>>, vector<1x16xf32>,
        %get3A_628 = vector.shape_cast %get3A_627 : vector<1x16xf32> to vector<16xf32>
        %mul3A_629 = arith.mulf %get3A_628, %broadcast_in_dim3A_560 : vector<16xf32>
        %swap3A_630 = arith.index_cast %add3A_564 : i32 to index
        %swap3A_631 = arith.constant 96 : index
        %swap3A_632 = tpu.vector_load %arg10[%swap3A_630, %swap3A_631] {strides = array<i32>} : memref<128x160xf32, #tpu.memory_space<vmem>>, vector<1x16xf32>,
        %swap3A_633 = vector.shape_cast %swap3A_632 : vector<1x16xf32> to vector<16xf32>
        %swap3A_634 = vector.shape_cast %mul3A_629 : vector<16xf32> to vector<1x16xf32>
        tpu.vector_store %arg10[%swap3A_630, %swap3A_631], %swap3A_634 {strides = array<i32>} : memref<128x160xf32, #tpu.memory_space<vmem>>, vector<1x16xf32>,
        %get3A_635 = arith.index_cast %add3A_564 : i32 to index
        %get3A_636 = arith.constant 112 : index
        %get3A_637 = tpu.vector_load %arg10[%get3A_635, %get3A_636] {strides = array<i32>} : memref<128x160xf32, #tpu.memory_space<vmem>>, vector<1x16xf32>,
        %get3A_638 = vector.shape_cast %get3A_637 : vector<1x16xf32> to vector<16xf32>
        %mul3A_639 = arith.mulf %get3A_638, %broadcast_in_dim3A_560 : vector<16xf32>
        %swap3A_640 = arith.index_cast %add3A_564 : i32 to index
        %swap3A_641 = arith.constant 112 : index
        %swap3A_642 = tpu.vector_load %arg10[%swap3A_640, %swap3A_641] {strides = array<i32>} : memref<128x160xf32, #tpu.memory_space<vmem>>, vector<1x16xf32>,
        %swap3A_643 = vector.shape_cast %swap3A_642 : vector<1x16xf32> to vector<16xf32>
        %swap3A_644 = vector.shape_cast %mul3A_639 : vector<16xf32> to vector<1x16xf32>
        tpu.vector_store %arg10[%swap3A_640, %swap3A_641], %swap3A_644 {strides = array<i32>} : memref<128x160xf32, #tpu.memory_space<vmem>>, vector<1x16xf32>,
        %get3A_645 = arith.index_cast %add3A_564 : i32 to index
        %get3A_646 = arith.constant 128 : index
        %get3A_647 = tpu.vector_load %arg10[%get3A_645, %get3A_646] {strides = array<i32>} : memref<128x160xf32, #tpu.memory_space<vmem>>, vector<1x16xf32>,
        %get3A_648 = vector.shape_cast %get3A_647 : vector<1x16xf32> to vector<16xf32>
        %mul3A_649 = arith.mulf %get3A_648, %broadcast_in_dim3A_560 : vector<16xf32>
        %swap3A_650 = arith.index_cast %add3A_564 : i32 to index
        %swap3A_651 = arith.constant 128 : index
        %swap3A_652 = tpu.vector_load %arg10[%swap3A_650, %swap3A_651] {strides = array<i32>} : memref<128x160xf32, #tpu.memory_space<vmem>>, vector<1x16xf32>,
        %swap3A_653 = vector.shape_cast %swap3A_652 : vector<1x16xf32> to vector<16xf32>
        %swap3A_654 = vector.shape_cast %mul3A_649 : vector<16xf32> to vector<1x16xf32>
        tpu.vector_store %arg10[%swap3A_650, %swap3A_651], %swap3A_654 {strides = array<i32>} : memref<128x160xf32, #tpu.memory_space<vmem>>, vector<1x16xf32>,
        %get3A_655 = arith.index_cast %add3A_564 : i32 to index
        %get3A_656 = arith.constant 144 : index
        %get3A_657 = tpu.vector_load %arg10[%get3A_655, %get3A_656] {strides = array<i32>} : memref<128x160xf32, #tpu.memory_space<vmem>>, vector<1x16xf32>,
        %get3A_658 = vector.shape_cast %get3A_657 : vector<1x16xf32> to vector<16xf32>
        %mul3A_659 = arith.mulf %get3A_658, %broadcast_in_dim3A_560 : vector<16xf32>
        %swap3A_660 = arith.index_cast %add3A_564 : i32 to index
        %swap3A_661 = arith.constant 144 : index
        %swap3A_662 = tpu.vector_load %arg10[%swap3A_660, %swap3A_661] {strides = array<i32>} : memref<128x160xf32, #tpu.memory_space<vmem>>, vector<1x16xf32>,
        %swap3A_663 = vector.shape_cast %swap3A_662 : vector<1x16xf32> to vector<16xf32>
        %swap3A_664 = vector.shape_cast %mul3A_659 : vector<16xf32> to vector<1x16xf32>
        tpu.vector_store %arg10[%swap3A_660, %swap3A_661], %swap3A_664 {strides = array<i32>} : memref<128x160xf32, #tpu.memory_space<vmem>>, vector<1x16xf32>,
        %slice3A_665 = vector.extract_strided_slice %get3A_133 {offsets = [5], sizes = [1], strides = [1]} : vector<16xf32> to vector<1xf32>
        %squeeze3A_666 = vector.extract %slice3A_665[0] : f32 from vector<1xf32>
        %broadcast_in_dim3A_667 = vector.broadcast %squeeze3A_666 : f32 to vector<16xf32>
        %mul3A_668 = arith.constant 16 : i32
        %mul3A_669 = arith.muli %scan3A_127, %mul3A_668 : i32
        %add3A_670 = arith.constant 5 : i32
        %add3A_671 = arith.addi %mul3A_669, %add3A_670 : i32
        %get3A_672 = arith.index_cast %add3A_671 : i32 to index
        %get3A_673 = arith.constant 0 : index
        %get3A_674 = tpu.vector_load %arg10[%get3A_672, %get3A_673] {strides = array<i32>} : memref<128x160xf32, #tpu.memory_space<vmem>>, vector<1x16xf32>,
        %get3A_675 = vector.shape_cast %get3A_674 : vector<1x16xf32> to vector<16xf32>
        %mul3A_676 = arith.mulf %get3A_675, %broadcast_in_dim3A_667 : vector<16xf32>
        %swap3A_677 = arith.index_cast %add3A_671 : i32 to index
        %swap3A_678 = arith.constant 0 : index
        %swap3A_679 = tpu.vector_load %arg10[%swap3A_677, %swap3A_678] {strides = array<i32>} : memref<128x160xf32, #tpu.memory_space<vmem>>, vector<1x16xf32>,
        %swap3A_680 = vector.shape_cast %swap3A_679 : vector<1x16xf32> to vector<16xf32>
        %swap3A_681 = vector.shape_cast %mul3A_676 : vector<16xf32> to vector<1x16xf32>
        tpu.vector_store %arg10[%swap3A_677, %swap3A_678], %swap3A_681 {strides = array<i32>} : memref<128x160xf32, #tpu.memory_space<vmem>>, vector<1x16xf32>,
        %get3A_682 = arith.index_cast %add3A_671 : i32 to index
        %get3A_683 = arith.constant 16 : index
        %get3A_684 = tpu.vector_load %arg10[%get3A_682, %get3A_683] {strides = array<i32>} : memref<128x160xf32, #tpu.memory_space<vmem>>, vector<1x16xf32>,
        %get3A_685 = vector.shape_cast %get3A_684 : vector<1x16xf32> to vector<16xf32>
        %mul3A_686 = arith.mulf %get3A_685, %broadcast_in_dim3A_667 : vector<16xf32>
        %swap3A_687 = arith.index_cast %add3A_671 : i32 to index
        %swap3A_688 = arith.constant 16 : index
        %swap3A_689 = tpu.vector_load %arg10[%swap3A_687, %swap3A_688] {strides = array<i32>} : memref<128x160xf32, #tpu.memory_space<vmem>>, vector<1x16xf32>,
        %swap3A_690 = vector.shape_cast %swap3A_689 : vector<1x16xf32> to vector<16xf32>
        %swap3A_691 = vector.shape_cast %mul3A_686 : vector<16xf32> to vector<1x16xf32>
        tpu.vector_store %arg10[%swap3A_687, %swap3A_688], %swap3A_691 {strides = array<i32>} : memref<128x160xf32, #tpu.memory_space<vmem>>, vector<1x16xf32>,
        %get3A_692 = arith.index_cast %add3A_671 : i32 to index
        %get3A_693 = arith.constant 32 : index
        %get3A_694 = tpu.vector_load %arg10[%get3A_692, %get3A_693] {strides = array<i32>} : memref<128x160xf32, #tpu.memory_space<vmem>>, vector<1x16xf32>,
        %get3A_695 = vector.shape_cast %get3A_694 : vector<1x16xf32> to vector<16xf32>
        %mul3A_696 = arith.mulf %get3A_695, %broadcast_in_dim3A_667 : vector<16xf32>
        %swap3A_697 = arith.index_cast %add3A_671 : i32 to index
        %swap3A_698 = arith.constant 32 : index
        %swap3A_699 = tpu.vector_load %arg10[%swap3A_697, %swap3A_698] {strides = array<i32>} : memref<128x160xf32, #tpu.memory_space<vmem>>, vector<1x16xf32>,
        %swap3A_700 = vector.shape_cast %swap3A_699 : vector<1x16xf32> to vector<16xf32>
        %swap3A_701 = vector.shape_cast %mul3A_696 : vector<16xf32> to vector<1x16xf32>
        tpu.vector_store %arg10[%swap3A_697, %swap3A_698], %swap3A_701 {strides = array<i32>} : memref<128x160xf32, #tpu.memory_space<vmem>>, vector<1x16xf32>,
        %get3A_702 = arith.index_cast %add3A_671 : i32 to index
        %get3A_703 = arith.constant 48 : index
        %get3A_704 = tpu.vector_load %arg10[%get3A_702, %get3A_703] {strides = array<i32>} : memref<128x160xf32, #tpu.memory_space<vmem>>, vector<1x16xf32>,
        %get3A_705 = vector.shape_cast %get3A_704 : vector<1x16xf32> to vector<16xf32>
        %mul3A_706 = arith.mulf %get3A_705, %broadcast_in_dim3A_667 : vector<16xf32>
        %swap3A_707 = arith.index_cast %add3A_671 : i32 to index
        %swap3A_708 = arith.constant 48 : index
        %swap3A_709 = tpu.vector_load %arg10[%swap3A_707, %swap3A_708] {strides = array<i32>} : memref<128x160xf32, #tpu.memory_space<vmem>>, vector<1x16xf32>,
        %swap3A_710 = vector.shape_cast %swap3A_709 : vector<1x16xf32> to vector<16xf32>
        %swap3A_711 = vector.shape_cast %mul3A_706 : vector<16xf32> to vector<1x16xf32>
        tpu.vector_store %arg10[%swap3A_707, %swap3A_708], %swap3A_711 {strides = array<i32>} : memref<128x160xf32, #tpu.memory_space<vmem>>, vector<1x16xf32>,
        %get3A_712 = arith.index_cast %add3A_671 : i32 to index
        %get3A_713 = arith.constant 64 : index
        %get3A_714 = tpu.vector_load %arg10[%get3A_712, %get3A_713] {strides = array<i32>} : memref<128x160xf32, #tpu.memory_space<vmem>>, vector<1x16xf32>,
        %get3A_715 = vector.shape_cast %get3A_714 : vector<1x16xf32> to vector<16xf32>
        %mul3A_716 = arith.mulf %get3A_715, %broadcast_in_dim3A_667 : vector<16xf32>
        %swap3A_717 = arith.index_cast %add3A_671 : i32 to index
        %swap3A_718 = arith.constant 64 : index
        %swap3A_719 = tpu.vector_load %arg10[%swap3A_717, %swap3A_718] {strides = array<i32>} : memref<128x160xf32, #tpu.memory_space<vmem>>, vector<1x16xf32>,
        %swap3A_720 = vector.shape_cast %swap3A_719 : vector<1x16xf32> to vector<16xf32>
        %swap3A_721 = vector.shape_cast %mul3A_716 : vector<16xf32> to vector<1x16xf32>
        tpu.vector_store %arg10[%swap3A_717, %swap3A_718], %swap3A_721 {strides = array<i32>} : memref<128x160xf32, #tpu.memory_space<vmem>>, vector<1x16xf32>,
        %get3A_722 = arith.index_cast %add3A_671 : i32 to index
        %get3A_723 = arith.constant 80 : index
        %get3A_724 = tpu.vector_load %arg10[%get3A_722, %get3A_723] {strides = array<i32>} : memref<128x160xf32, #tpu.memory_space<vmem>>, vector<1x16xf32>,
        %get3A_725 = vector.shape_cast %get3A_724 : vector<1x16xf32> to vector<16xf32>
        %mul3A_726 = arith.mulf %get3A_725, %broadcast_in_dim3A_667 : vector<16xf32>
        %swap3A_727 = arith.index_cast %add3A_671 : i32 to index
        %swap3A_728 = arith.constant 80 : index
        %swap3A_729 = tpu.vector_load %arg10[%swap3A_727, %swap3A_728] {strides = array<i32>} : memref<128x160xf32, #tpu.memory_space<vmem>>, vector<1x16xf32>,
        %swap3A_730 = vector.shape_cast %swap3A_729 : vector<1x16xf32> to vector<16xf32>
        %swap3A_731 = vector.shape_cast %mul3A_726 : vector<16xf32> to vector<1x16xf32>
        tpu.vector_store %arg10[%swap3A_727, %swap3A_728], %swap3A_731 {strides = array<i32>} : memref<128x160xf32, #tpu.memory_space<vmem>>, vector<1x16xf32>,
        %get3A_732 = arith.index_cast %add3A_671 : i32 to index
        %get3A_733 = arith.constant 96 : index
        %get3A_734 = tpu.vector_load %arg10[%get3A_732, %get3A_733] {strides = array<i32>} : memref<128x160xf32, #tpu.memory_space<vmem>>, vector<1x16xf32>,
        %get3A_735 = vector.shape_cast %get3A_734 : vector<1x16xf32> to vector<16xf32>
        %mul3A_736 = arith.mulf %get3A_735, %broadcast_in_dim3A_667 : vector<16xf32>
        %swap3A_737 = arith.index_cast %add3A_671 : i32 to index
        %swap3A_738 = arith.constant 96 : index
        %swap3A_739 = tpu.vector_load %arg10[%swap3A_737, %swap3A_738] {strides = array<i32>} : memref<128x160xf32, #tpu.memory_space<vmem>>, vector<1x16xf32>,
        %swap3A_740 = vector.shape_cast %swap3A_739 : vector<1x16xf32> to vector<16xf32>
        %swap3A_741 = vector.shape_cast %mul3A_736 : vector<16xf32> to vector<1x16xf32>
        tpu.vector_store %arg10[%swap3A_737, %swap3A_738], %swap3A_741 {strides = array<i32>} : memref<128x160xf32, #tpu.memory_space<vmem>>, vector<1x16xf32>,
        %get3A_742 = arith.index_cast %add3A_671 : i32 to index
        %get3A_743 = arith.constant 112 : index
        %get3A_744 = tpu.vector_load %arg10[%get3A_742, %get3A_743] {strides = array<i32>} : memref<128x160xf32, #tpu.memory_space<vmem>>, vector<1x16xf32>,
        %get3A_745 = vector.shape_cast %get3A_744 : vector<1x16xf32> to vector<16xf32>
        %mul3A_746 = arith.mulf %get3A_745, %broadcast_in_dim3A_667 : vector<16xf32>
        %swap3A_747 = arith.index_cast %add3A_671 : i32 to index
        %swap3A_748 = arith.constant 112 : index
        %swap3A_749 = tpu.vector_load %arg10[%swap3A_747, %swap3A_748] {strides = array<i32>} : memref<128x160xf32, #tpu.memory_space<vmem>>, vector<1x16xf32>,
        %swap3A_750 = vector.shape_cast %swap3A_749 : vector<1x16xf32> to vector<16xf32>
        %swap3A_751 = vector.shape_cast %mul3A_746 : vector<16xf32> to vector<1x16xf32>
        tpu.vector_store %arg10[%swap3A_747, %swap3A_748], %swap3A_751 {strides = array<i32>} : memref<128x160xf32, #tpu.memory_space<vmem>>, vector<1x16xf32>,
        %get3A_752 = arith.index_cast %add3A_671 : i32 to index
        %get3A_753 = arith.constant 128 : index
        %get3A_754 = tpu.vector_load %arg10[%get3A_752, %get3A_753] {strides = array<i32>} : memref<128x160xf32, #tpu.memory_space<vmem>>, vector<1x16xf32>,
        %get3A_755 = vector.shape_cast %get3A_754 : vector<1x16xf32> to vector<16xf32>
        %mul3A_756 = arith.mulf %get3A_755, %broadcast_in_dim3A_667 : vector<16xf32>
        %swap3A_757 = arith.index_cast %add3A_671 : i32 to index
        %swap3A_758 = arith.constant 128 : index
        %swap3A_759 = tpu.vector_load %arg10[%swap3A_757, %swap3A_758] {strides = array<i32>} : memref<128x160xf32, #tpu.memory_space<vmem>>, vector<1x16xf32>,
        %swap3A_760 = vector.shape_cast %swap3A_759 : vector<1x16xf32> to vector<16xf32>
        %swap3A_761 = vector.shape_cast %mul3A_756 : vector<16xf32> to vector<1x16xf32>
        tpu.vector_store %arg10[%swap3A_757, %swap3A_758], %swap3A_761 {strides = array<i32>} : memref<128x160xf32, #tpu.memory_space<vmem>>, vector<1x16xf32>,
        %get3A_762 = arith.index_cast %add3A_671 : i32 to index
        %get3A_763 = arith.constant 144 : index
        %get3A_764 = tpu.vector_load %arg10[%get3A_762, %get3A_763] {strides = array<i32>} : memref<128x160xf32, #tpu.memory_space<vmem>>, vector<1x16xf32>,
        %get3A_765 = vector.shape_cast %get3A_764 : vector<1x16xf32> to vector<16xf32>
        %mul3A_766 = arith.mulf %get3A_765, %broadcast_in_dim3A_667 : vector<16xf32>
        %swap3A_767 = arith.index_cast %add3A_671 : i32 to index
        %swap3A_768 = arith.constant 144 : index
        %swap3A_769 = tpu.vector_load %arg10[%swap3A_767, %swap3A_768] {strides = array<i32>} : memref<128x160xf32, #tpu.memory_space<vmem>>, vector<1x16xf32>,
        %swap3A_770 = vector.shape_cast %swap3A_769 : vector<1x16xf32> to vector<16xf32>
        %swap3A_771 = vector.shape_cast %mul3A_766 : vector<16xf32> to vector<1x16xf32>
        tpu.vector_store %arg10[%swap3A_767, %swap3A_768], %swap3A_771 {strides = array<i32>} : memref<128x160xf32, #tpu.memory_space<vmem>>, vector<1x16xf32>,
        %slice3A_772 = vector.extract_strided_slice %get3A_133 {offsets = [6], sizes = [1], strides = [1]} : vector<16xf32> to vector<1xf32>
        %squeeze3A_773 = vector.extract %slice3A_772[0] : f32 from vector<1xf32>
        %broadcast_in_dim3A_774 = vector.broadcast %squeeze3A_773 : f32 to vector<16xf32>
        %mul3A_775 = arith.constant 16 : i32
        %mul3A_776 = arith.muli %scan3A_127, %mul3A_775 : i32
        %add3A_777 = arith.constant 6 : i32
        %add3A_778 = arith.addi %mul3A_776, %add3A_777 : i32
        %get3A_779 = arith.index_cast %add3A_778 : i32 to index
        %get3A_780 = arith.constant 0 : index
        %get3A_781 = tpu.vector_load %arg10[%get3A_779, %get3A_780] {strides = array<i32>} : memref<128x160xf32, #tpu.memory_space<vmem>>, vector<1x16xf32>,
        %get3A_782 = vector.shape_cast %get3A_781 : vector<1x16xf32> to vector<16xf32>
        %mul3A_783 = arith.mulf %get3A_782, %broadcast_in_dim3A_774 : vector<16xf32>
        %swap3A_784 = arith.index_cast %add3A_778 : i32 to index
        %swap3A_785 = arith.constant 0 : index
        %swap3A_786 = tpu.vector_load %arg10[%swap3A_784, %swap3A_785] {strides = array<i32>} : memref<128x160xf32, #tpu.memory_space<vmem>>, vector<1x16xf32>,
        %swap3A_787 = vector.shape_cast %swap3A_786 : vector<1x16xf32> to vector<16xf32>
        %swap3A_788 = vector.shape_cast %mul3A_783 : vector<16xf32> to vector<1x16xf32>
        tpu.vector_store %arg10[%swap3A_784, %swap3A_785], %swap3A_788 {strides = array<i32>} : memref<128x160xf32, #tpu.memory_space<vmem>>, vector<1x16xf32>,
        %get3A_789 = arith.index_cast %add3A_778 : i32 to index
        %get3A_790 = arith.constant 16 : index
        %get3A_791 = tpu.vector_load %arg10[%get3A_789, %get3A_790] {strides = array<i32>} : memref<128x160xf32, #tpu.memory_space<vmem>>, vector<1x16xf32>,
        %get3A_792 = vector.shape_cast %get3A_791 : vector<1x16xf32> to vector<16xf32>
        %mul3A_793 = arith.mulf %get3A_792, %broadcast_in_dim3A_774 : vector<16xf32>
        %swap3A_794 = arith.index_cast %add3A_778 : i32 to index
        %swap3A_795 = arith.constant 16 : index
        %swap3A_796 = tpu.vector_load %arg10[%swap3A_794, %swap3A_795] {strides = array<i32>} : memref<128x160xf32, #tpu.memory_space<vmem>>, vector<1x16xf32>,
        %swap3A_797 = vector.shape_cast %swap3A_796 : vector<1x16xf32> to vector<16xf32>
        %swap3A_798 = vector.shape_cast %mul3A_793 : vector<16xf32> to vector<1x16xf32>
        tpu.vector_store %arg10[%swap3A_794, %swap3A_795], %swap3A_798 {strides = array<i32>} : memref<128x160xf32, #tpu.memory_space<vmem>>, vector<1x16xf32>,
        %get3A_799 = arith.index_cast %add3A_778 : i32 to index
        %get3A_800 = arith.constant 32 : index
        %get3A_801 = tpu.vector_load %arg10[%get3A_799, %get3A_800] {strides = array<i32>} : memref<128x160xf32, #tpu.memory_space<vmem>>, vector<1x16xf32>,
        %get3A_802 = vector.shape_cast %get3A_801 : vector<1x16xf32> to vector<16xf32>
        %mul3A_803 = arith.mulf %get3A_802, %broadcast_in_dim3A_774 : vector<16xf32>
        %swap3A_804 = arith.index_cast %add3A_778 : i32 to index
        %swap3A_805 = arith.constant 32 : index
        %swap3A_806 = tpu.vector_load %arg10[%swap3A_804, %swap3A_805] {strides = array<i32>} : memref<128x160xf32, #tpu.memory_space<vmem>>, vector<1x16xf32>,
        %swap3A_807 = vector.shape_cast %swap3A_806 : vector<1x16xf32> to vector<16xf32>
        %swap3A_808 = vector.shape_cast %mul3A_803 : vector<16xf32> to vector<1x16xf32>
        tpu.vector_store %arg10[%swap3A_804, %swap3A_805], %swap3A_808 {strides = array<i32>} : memref<128x160xf32, #tpu.memory_space<vmem>>, vector<1x16xf32>,
        %get3A_809 = arith.index_cast %add3A_778 : i32 to index
        %get3A_810 = arith.constant 48 : index
        %get3A_811 = tpu.vector_load %arg10[%get3A_809, %get3A_810] {strides = array<i32>} : memref<128x160xf32, #tpu.memory_space<vmem>>, vector<1x16xf32>,
        %get3A_812 = vector.shape_cast %get3A_811 : vector<1x16xf32> to vector<16xf32>
        %mul3A_813 = arith.mulf %get3A_812, %broadcast_in_dim3A_774 : vector<16xf32>
        %swap3A_814 = arith.index_cast %add3A_778 : i32 to index
        %swap3A_815 = arith.constant 48 : index
        %swap3A_816 = tpu.vector_load %arg10[%swap3A_814, %swap3A_815] {strides = array<i32>} : memref<128x160xf32, #tpu.memory_space<vmem>>, vector<1x16xf32>,
        %swap3A_817 = vector.shape_cast %swap3A_816 : vector<1x16xf32> to vector<16xf32>
        %swap3A_818 = vector.shape_cast %mul3A_813 : vector<16xf32> to vector<1x16xf32>
        tpu.vector_store %arg10[%swap3A_814, %swap3A_815], %swap3A_818 {strides = array<i32>} : memref<128x160xf32, #tpu.memory_space<vmem>>, vector<1x16xf32>,
        %get3A_819 = arith.index_cast %add3A_778 : i32 to index
        %get3A_820 = arith.constant 64 : index
        %get3A_821 = tpu.vector_load %arg10[%get3A_819, %get3A_820] {strides = array<i32>} : memref<128x160xf32, #tpu.memory_space<vmem>>, vector<1x16xf32>,
        %get3A_822 = vector.shape_cast %get3A_821 : vector<1x16xf32> to vector<16xf32>
        %mul3A_823 = arith.mulf %get3A_822, %broadcast_in_dim3A_774 : vector<16xf32>
        %swap3A_824 = arith.index_cast %add3A_778 : i32 to index
        %swap3A_825 = arith.constant 64 : index
        %swap3A_826 = tpu.vector_load %arg10[%swap3A_824, %swap3A_825] {strides = array<i32>} : memref<128x160xf32, #tpu.memory_space<vmem>>, vector<1x16xf32>,
        %swap3A_827 = vector.shape_cast %swap3A_826 : vector<1x16xf32> to vector<16xf32>
        %swap3A_828 = vector.shape_cast %mul3A_823 : vector<16xf32> to vector<1x16xf32>
        tpu.vector_store %arg10[%swap3A_824, %swap3A_825], %swap3A_828 {strides = array<i32>} : memref<128x160xf32, #tpu.memory_space<vmem>>, vector<1x16xf32>,
        %get3A_829 = arith.index_cast %add3A_778 : i32 to index
        %get3A_830 = arith.constant 80 : index
        %get3A_831 = tpu.vector_load %arg10[%get3A_829, %get3A_830] {strides = array<i32>} : memref<128x160xf32, #tpu.memory_space<vmem>>, vector<1x16xf32>,
        %get3A_832 = vector.shape_cast %get3A_831 : vector<1x16xf32> to vector<16xf32>
        %mul3A_833 = arith.mulf %get3A_832, %broadcast_in_dim3A_774 : vector<16xf32>
        %swap3A_834 = arith.index_cast %add3A_778 : i32 to index
        %swap3A_835 = arith.constant 80 : index
        %swap3A_836 = tpu.vector_load %arg10[%swap3A_834, %swap3A_835] {strides = array<i32>} : memref<128x160xf32, #tpu.memory_space<vmem>>, vector<1x16xf32>,
        %swap3A_837 = vector.shape_cast %swap3A_836 : vector<1x16xf32> to vector<16xf32>
        %swap3A_838 = vector.shape_cast %mul3A_833 : vector<16xf32> to vector<1x16xf32>
        tpu.vector_store %arg10[%swap3A_834, %swap3A_835], %swap3A_838 {strides = array<i32>} : memref<128x160xf32, #tpu.memory_space<vmem>>, vector<1x16xf32>,
        %get3A_839 = arith.index_cast %add3A_778 : i32 to index
        %get3A_840 = arith.constant 96 : index
        %get3A_841 = tpu.vector_load %arg10[%get3A_839, %get3A_840] {strides = array<i32>} : memref<128x160xf32, #tpu.memory_space<vmem>>, vector<1x16xf32>,
        %get3A_842 = vector.shape_cast %get3A_841 : vector<1x16xf32> to vector<16xf32>
        %mul3A_843 = arith.mulf %get3A_842, %broadcast_in_dim3A_774 : vector<16xf32>
        %swap3A_844 = arith.index_cast %add3A_778 : i32 to index
        %swap3A_845 = arith.constant 96 : index
        %swap3A_846 = tpu.vector_load %arg10[%swap3A_844, %swap3A_845] {strides = array<i32>} : memref<128x160xf32, #tpu.memory_space<vmem>>, vector<1x16xf32>,
        %swap3A_847 = vector.shape_cast %swap3A_846 : vector<1x16xf32> to vector<16xf32>
        %swap3A_848 = vector.shape_cast %mul3A_843 : vector<16xf32> to vector<1x16xf32>
        tpu.vector_store %arg10[%swap3A_844, %swap3A_845], %swap3A_848 {strides = array<i32>} : memref<128x160xf32, #tpu.memory_space<vmem>>, vector<1x16xf32>,
        %get3A_849 = arith.index_cast %add3A_778 : i32 to index
        %get3A_850 = arith.constant 112 : index
        %get3A_851 = tpu.vector_load %arg10[%get3A_849, %get3A_850] {strides = array<i32>} : memref<128x160xf32, #tpu.memory_space<vmem>>, vector<1x16xf32>,
        %get3A_852 = vector.shape_cast %get3A_851 : vector<1x16xf32> to vector<16xf32>
        %mul3A_853 = arith.mulf %get3A_852, %broadcast_in_dim3A_774 : vector<16xf32>
        %swap3A_854 = arith.index_cast %add3A_778 : i32 to index
        %swap3A_855 = arith.constant 112 : index
        %swap3A_856 = tpu.vector_load %arg10[%swap3A_854, %swap3A_855] {strides = array<i32>} : memref<128x160xf32, #tpu.memory_space<vmem>>, vector<1x16xf32>,
        %swap3A_857 = vector.shape_cast %swap3A_856 : vector<1x16xf32> to vector<16xf32>
        %swap3A_858 = vector.shape_cast %mul3A_853 : vector<16xf32> to vector<1x16xf32>
        tpu.vector_store %arg10[%swap3A_854, %swap3A_855], %swap3A_858 {strides = array<i32>} : memref<128x160xf32, #tpu.memory_space<vmem>>, vector<1x16xf32>,
        %get3A_859 = arith.index_cast %add3A_778 : i32 to index
        %get3A_860 = arith.constant 128 : index
        %get3A_861 = tpu.vector_load %arg10[%get3A_859, %get3A_860] {strides = array<i32>} : memref<128x160xf32, #tpu.memory_space<vmem>>, vector<1x16xf32>,
        %get3A_862 = vector.shape_cast %get3A_861 : vector<1x16xf32> to vector<16xf32>
        %mul3A_863 = arith.mulf %get3A_862, %broadcast_in_dim3A_774 : vector<16xf32>
        %swap3A_864 = arith.index_cast %add3A_778 : i32 to index
        %swap3A_865 = arith.constant 128 : index
        %swap3A_866 = tpu.vector_load %arg10[%swap3A_864, %swap3A_865] {strides = array<i32>} : memref<128x160xf32, #tpu.memory_space<vmem>>, vector<1x16xf32>,
        %swap3A_867 = vector.shape_cast %swap3A_866 : vector<1x16xf32> to vector<16xf32>
        %swap3A_868 = vector.shape_cast %mul3A_863 : vector<16xf32> to vector<1x16xf32>
        tpu.vector_store %arg10[%swap3A_864, %swap3A_865], %swap3A_868 {strides = array<i32>} : memref<128x160xf32, #tpu.memory_space<vmem>>, vector<1x16xf32>,
        %get3A_869 = arith.index_cast %add3A_778 : i32 to index
        %get3A_870 = arith.constant 144 : index
        %get3A_871 = tpu.vector_load %arg10[%get3A_869, %get3A_870] {strides = array<i32>} : memref<128x160xf32, #tpu.memory_space<vmem>>, vector<1x16xf32>,
        %get3A_872 = vector.shape_cast %get3A_871 : vector<1x16xf32> to vector<16xf32>
        %mul3A_873 = arith.mulf %get3A_872, %broadcast_in_dim3A_774 : vector<16xf32>
        %swap3A_874 = arith.index_cast %add3A_778 : i32 to index
        %swap3A_875 = arith.constant 144 : index
        %swap3A_876 = tpu.vector_load %arg10[%swap3A_874, %swap3A_875] {strides = array<i32>} : memref<128x160xf32, #tpu.memory_space<vmem>>, vector<1x16xf32>,
        %swap3A_877 = vector.shape_cast %swap3A_876 : vector<1x16xf32> to vector<16xf32>
        %swap3A_878 = vector.shape_cast %mul3A_873 : vector<16xf32> to vector<1x16xf32>
        tpu.vector_store %arg10[%swap3A_874, %swap3A_875], %swap3A_878 {strides = array<i32>} : memref<128x160xf32, #tpu.memory_space<vmem>>, vector<1x16xf32>,
        %slice3A_879 = vector.extract_strided_slice %get3A_133 {offsets = [7], sizes = [1], strides = [1]} : vector<16xf32> to vector<1xf32>
        %squeeze3A_880 = vector.extract %slice3A_879[0] : f32 from vector<1xf32>
        %broadcast_in_dim3A_881 = vector.broadcast %squeeze3A_880 : f32 to vector<16xf32>
        %mul3A_882 = arith.constant 16 : i32
        %mul3A_883 = arith.muli %scan3A_127, %mul3A_882 : i32
        %add3A_884 = arith.constant 7 : i32
        %add3A_885 = arith.addi %mul3A_883, %add3A_884 : i32
        %get3A_886 = arith.index_cast %add3A_885 : i32 to index
        %get3A_887 = arith.constant 0 : index
        %get3A_888 = tpu.vector_load %arg10[%get3A_886, %get3A_887] {strides = array<i32>} : memref<128x160xf32, #tpu.memory_space<vmem>>, vector<1x16xf32>,
        %get3A_889 = vector.shape_cast %get3A_888 : vector<1x16xf32> to vector<16xf32>
        %mul3A_890 = arith.mulf %get3A_889, %broadcast_in_dim3A_881 : vector<16xf32>
        %swap3A_891 = arith.index_cast %add3A_885 : i32 to index
        %swap3A_892 = arith.constant 0 : index
        %swap3A_893 = tpu.vector_load %arg10[%swap3A_891, %swap3A_892] {strides = array<i32>} : memref<128x160xf32, #tpu.memory_space<vmem>>, vector<1x16xf32>,
        %swap3A_894 = vector.shape_cast %swap3A_893 : vector<1x16xf32> to vector<16xf32>
        %swap3A_895 = vector.shape_cast %mul3A_890 : vector<16xf32> to vector<1x16xf32>
        tpu.vector_store %arg10[%swap3A_891, %swap3A_892], %swap3A_895 {strides = array<i32>} : memref<128x160xf32, #tpu.memory_space<vmem>>, vector<1x16xf32>,
        %get3A_896 = arith.index_cast %add3A_885 : i32 to index
        %get3A_897 = arith.constant 16 : index
        %get3A_898 = tpu.vector_load %arg10[%get3A_896, %get3A_897] {strides = array<i32>} : memref<128x160xf32, #tpu.memory_space<vmem>>, vector<1x16xf32>,
        %get3A_899 = vector.shape_cast %get3A_898 : vector<1x16xf32> to vector<16xf32>
        %mul3A_900 = arith.mulf %get3A_899, %broadcast_in_dim3A_881 : vector<16xf32>
        %swap3A_901 = arith.index_cast %add3A_885 : i32 to index
        %swap3A_902 = arith.constant 16 : index
        %swap3A_903 = tpu.vector_load %arg10[%swap3A_901, %swap3A_902] {strides = array<i32>} : memref<128x160xf32, #tpu.memory_space<vmem>>, vector<1x16xf32>,
        %swap3A_904 = vector.shape_cast %swap3A_903 : vector<1x16xf32> to vector<16xf32>
        %swap3A_905 = vector.shape_cast %mul3A_900 : vector<16xf32> to vector<1x16xf32>
        tpu.vector_store %arg10[%swap3A_901, %swap3A_902], %swap3A_905 {strides = array<i32>} : memref<128x160xf32, #tpu.memory_space<vmem>>, vector<1x16xf32>,
        %get3A_906 = arith.index_cast %add3A_885 : i32 to index
        %get3A_907 = arith.constant 32 : index
        %get3A_908 = tpu.vector_load %arg10[%get3A_906, %get3A_907] {strides = array<i32>} : memref<128x160xf32, #tpu.memory_space<vmem>>, vector<1x16xf32>,
        %get3A_909 = vector.shape_cast %get3A_908 : vector<1x16xf32> to vector<16xf32>
        %mul3A_910 = arith.mulf %get3A_909, %broadcast_in_dim3A_881 : vector<16xf32>
        %swap3A_911 = arith.index_cast %add3A_885 : i32 to index
        %swap3A_912 = arith.constant 32 : index
        %swap3A_913 = tpu.vector_load %arg10[%swap3A_911, %swap3A_912] {strides = array<i32>} : memref<128x160xf32, #tpu.memory_space<vmem>>, vector<1x16xf32>,
        %swap3A_914 = vector.shape_cast %swap3A_913 : vector<1x16xf32> to vector<16xf32>
        %swap3A_915 = vector.shape_cast %mul3A_910 : vector<16xf32> to vector<1x16xf32>
        tpu.vector_store %arg10[%swap3A_911, %swap3A_912], %swap3A_915 {strides = array<i32>} : memref<128x160xf32, #tpu.memory_space<vmem>>, vector<1x16xf32>,
        %get3A_916 = arith.index_cast %add3A_885 : i32 to index
        %get3A_917 = arith.constant 48 : index
        %get3A_918 = tpu.vector_load %arg10[%get3A_916, %get3A_917] {strides = array<i32>} : memref<128x160xf32, #tpu.memory_space<vmem>>, vector<1x16xf32>,
        %get3A_919 = vector.shape_cast %get3A_918 : vector<1x16xf32> to vector<16xf32>
        %mul3A_920 = arith.mulf %get3A_919, %broadcast_in_dim3A_881 : vector<16xf32>
        %swap3A_921 = arith.index_cast %add3A_885 : i32 to index
        %swap3A_922 = arith.constant 48 : index
        %swap3A_923 = tpu.vector_load %arg10[%swap3A_921, %swap3A_922] {strides = array<i32>} : memref<128x160xf32, #tpu.memory_space<vmem>>, vector<1x16xf32>,
        %swap3A_924 = vector.shape_cast %swap3A_923 : vector<1x16xf32> to vector<16xf32>
        %swap3A_925 = vector.shape_cast %mul3A_920 : vector<16xf32> to vector<1x16xf32>
        tpu.vector_store %arg10[%swap3A_921, %swap3A_922], %swap3A_925 {strides = array<i32>} : memref<128x160xf32, #tpu.memory_space<vmem>>, vector<1x16xf32>,
        %get3A_926 = arith.index_cast %add3A_885 : i32 to index
        %get3A_927 = arith.constant 64 : index
        %get3A_928 = tpu.vector_load %arg10[%get3A_926, %get3A_927] {strides = array<i32>} : memref<128x160xf32, #tpu.memory_space<vmem>>, vector<1x16xf32>,
        %get3A_929 = vector.shape_cast %get3A_928 : vector<1x16xf32> to vector<16xf32>
        %mul3A_930 = arith.mulf %get3A_929, %broadcast_in_dim3A_881 : vector<16xf32>
        %swap3A_931 = arith.index_cast %add3A_885 : i32 to index
        %swap3A_932 = arith.constant 64 : index
        %swap3A_933 = tpu.vector_load %arg10[%swap3A_931, %swap3A_932] {strides = array<i32>} : memref<128x160xf32, #tpu.memory_space<vmem>>, vector<1x16xf32>,
        %swap3A_934 = vector.shape_cast %swap3A_933 : vector<1x16xf32> to vector<16xf32>
        %swap3A_935 = vector.shape_cast %mul3A_930 : vector<16xf32> to vector<1x16xf32>
        tpu.vector_store %arg10[%swap3A_931, %swap3A_932], %swap3A_935 {strides = array<i32>} : memref<128x160xf32, #tpu.memory_space<vmem>>, vector<1x16xf32>,
        %get3A_936 = arith.index_cast %add3A_885 : i32 to index
        %get3A_937 = arith.constant 80 : index
        %get3A_938 = tpu.vector_load %arg10[%get3A_936, %get3A_937] {strides = array<i32>} : memref<128x160xf32, #tpu.memory_space<vmem>>, vector<1x16xf32>,
        %get3A_939 = vector.shape_cast %get3A_938 : vector<1x16xf32> to vector<16xf32>
        %mul3A_940 = arith.mulf %get3A_939, %broadcast_in_dim3A_881 : vector<16xf32>
        %swap3A_941 = arith.index_cast %add3A_885 : i32 to index
        %swap3A_942 = arith.constant 80 : index
        %swap3A_943 = tpu.vector_load %arg10[%swap3A_941, %swap3A_942] {strides = array<i32>} : memref<128x160xf32, #tpu.memory_space<vmem>>, vector<1x16xf32>,
        %swap3A_944 = vector.shape_cast %swap3A_943 : vector<1x16xf32> to vector<16xf32>
        %swap3A_945 = vector.shape_cast %mul3A_940 : vector<16xf32> to vector<1x16xf32>
        tpu.vector_store %arg10[%swap3A_941, %swap3A_942], %swap3A_945 {strides = array<i32>} : memref<128x160xf32, #tpu.memory_space<vmem>>, vector<1x16xf32>,
        %get3A_946 = arith.index_cast %add3A_885 : i32 to index
        %get3A_947 = arith.constant 96 : index
        %get3A_948 = tpu.vector_load %arg10[%get3A_946, %get3A_947] {strides = array<i32>} : memref<128x160xf32, #tpu.memory_space<vmem>>, vector<1x16xf32>,
        %get3A_949 = vector.shape_cast %get3A_948 : vector<1x16xf32> to vector<16xf32>
        %mul3A_950 = arith.mulf %get3A_949, %broadcast_in_dim3A_881 : vector<16xf32>
        %swap3A_951 = arith.index_cast %add3A_885 : i32 to index
        %swap3A_952 = arith.constant 96 : index
        %swap3A_953 = tpu.vector_load %arg10[%swap3A_951, %swap3A_952] {strides = array<i32>} : memref<128x160xf32, #tpu.memory_space<vmem>>, vector<1x16xf32>,
        %swap3A_954 = vector.shape_cast %swap3A_953 : vector<1x16xf32> to vector<16xf32>
        %swap3A_955 = vector.shape_cast %mul3A_950 : vector<16xf32> to vector<1x16xf32>
        tpu.vector_store %arg10[%swap3A_951, %swap3A_952], %swap3A_955 {strides = array<i32>} : memref<128x160xf32, #tpu.memory_space<vmem>>, vector<1x16xf32>,
        %get3A_956 = arith.index_cast %add3A_885 : i32 to index
        %get3A_957 = arith.constant 112 : index
        %get3A_958 = tpu.vector_load %arg10[%get3A_956, %get3A_957] {strides = array<i32>} : memref<128x160xf32, #tpu.memory_space<vmem>>, vector<1x16xf32>,
        %get3A_959 = vector.shape_cast %get3A_958 : vector<1x16xf32> to vector<16xf32>
        %mul3A_960 = arith.mulf %get3A_959, %broadcast_in_dim3A_881 : vector<16xf32>
        %swap3A_961 = arith.index_cast %add3A_885 : i32 to index
        %swap3A_962 = arith.constant 112 : index
        %swap3A_963 = tpu.vector_load %arg10[%swap3A_961, %swap3A_962] {strides = array<i32>} : memref<128x160xf32, #tpu.memory_space<vmem>>, vector<1x16xf32>,
        %swap3A_964 = vector.shape_cast %swap3A_963 : vector<1x16xf32> to vector<16xf32>
        %swap3A_965 = vector.shape_cast %mul3A_960 : vector<16xf32> to vector<1x16xf32>
        tpu.vector_store %arg10[%swap3A_961, %swap3A_962], %swap3A_965 {strides = array<i32>} : memref<128x160xf32, #tpu.memory_space<vmem>>, vector<1x16xf32>,
        %get3A_966 = arith.index_cast %add3A_885 : i32 to index
        %get3A_967 = arith.constant 128 : index
        %get3A_968 = tpu.vector_load %arg10[%get3A_966, %get3A_967] {strides = array<i32>} : memref<128x160xf32, #tpu.memory_space<vmem>>, vector<1x16xf32>,
        %get3A_969 = vector.shape_cast %get3A_968 : vector<1x16xf32> to vector<16xf32>
        %mul3A_970 = arith.mulf %get3A_969, %broadcast_in_dim3A_881 : vector<16xf32>
        %swap3A_971 = arith.index_cast %add3A_885 : i32 to index
        %swap3A_972 = arith.constant 128 : index
        %swap3A_973 = tpu.vector_load %arg10[%swap3A_971, %swap3A_972] {strides = array<i32>} : memref<128x160xf32, #tpu.memory_space<vmem>>, vector<1x16xf32>,
        %swap3A_974 = vector.shape_cast %swap3A_973 : vector<1x16xf32> to vector<16xf32>
        %swap3A_975 = vector.shape_cast %mul3A_970 : vector<16xf32> to vector<1x16xf32>
        tpu.vector_store %arg10[%swap3A_971, %swap3A_972], %swap3A_975 {strides = array<i32>} : memref<128x160xf32, #tpu.memory_space<vmem>>, vector<1x16xf32>,
        %get3A_976 = arith.index_cast %add3A_885 : i32 to index
        %get3A_977 = arith.constant 144 : index
        %get3A_978 = tpu.vector_load %arg10[%get3A_976, %get3A_977] {strides = array<i32>} : memref<128x160xf32, #tpu.memory_space<vmem>>, vector<1x16xf32>,
        %get3A_979 = vector.shape_cast %get3A_978 : vector<1x16xf32> to vector<16xf32>
        %mul3A_980 = arith.mulf %get3A_979, %broadcast_in_dim3A_881 : vector<16xf32>
        %swap3A_981 = arith.index_cast %add3A_885 : i32 to index
        %swap3A_982 = arith.constant 144 : index
        %swap3A_983 = tpu.vector_load %arg10[%swap3A_981, %swap3A_982] {strides = array<i32>} : memref<128x160xf32, #tpu.memory_space<vmem>>, vector<1x16xf32>,
        %swap3A_984 = vector.shape_cast %swap3A_983 : vector<1x16xf32> to vector<16xf32>
        %swap3A_985 = vector.shape_cast %mul3A_980 : vector<16xf32> to vector<1x16xf32>
        tpu.vector_store %arg10[%swap3A_981, %swap3A_982], %swap3A_985 {strides = array<i32>} : memref<128x160xf32, #tpu.memory_space<vmem>>, vector<1x16xf32>,
        %slice3A_986 = vector.extract_strided_slice %get3A_133 {offsets = [8], sizes = [1], strides = [1]} : vector<16xf32> to vector<1xf32>
        %squeeze3A_987 = vector.extract %slice3A_986[0] : f32 from vector<1xf32>
        %broadcast_in_dim3A_988 = vector.broadcast %squeeze3A_987 : f32 to vector<16xf32>
        %mul3A_989 = arith.constant 16 : i32
        %mul3A_990 = arith.muli %scan3A_127, %mul3A_989 : i32
        %add3A_991 = arith.constant 8 : i32
        %add3A_992 = arith.addi %mul3A_990, %add3A_991 : i32
        %get3A_993 = arith.index_cast %add3A_992 : i32 to index
        %get3A_994 = arith.constant 0 : index
        %get3A_995 = tpu.vector_load %arg10[%get3A_993, %get3A_994] {strides = array<i32>} : memref<128x160xf32, #tpu.memory_space<vmem>>, vector<1x16xf32>,
        %get3A_996 = vector.shape_cast %get3A_995 : vector<1x16xf32> to vector<16xf32>
        %mul3A_997 = arith.mulf %get3A_996, %broadcast_in_dim3A_988 : vector<16xf32>
        %swap3A_998 = arith.index_cast %add3A_992 : i32 to index
        %swap3A_999 = arith.constant 0 : index
        %swap3A_1000 = tpu.vector_load %arg10[%swap3A_998, %swap3A_999] {strides = array<i32>} : memref<128x160xf32, #tpu.memory_space<vmem>>, vector<1x16xf32>,
        %swap3A_1001 = vector.shape_cast %swap3A_1000 : vector<1x16xf32> to vector<16xf32>
        %swap3A_1002 = vector.shape_cast %mul3A_997 : vector<16xf32> to vector<1x16xf32>
        tpu.vector_store %arg10[%swap3A_998, %swap3A_999], %swap3A_1002 {strides = array<i32>} : memref<128x160xf32, #tpu.memory_space<vmem>>, vector<1x16xf32>,
        %get3A_1003 = arith.index_cast %add3A_992 : i32 to index
        %get3A_1004 = arith.constant 16 : index
        %get3A_1005 = tpu.vector_load %arg10[%get3A_1003, %get3A_1004] {strides = array<i32>} : memref<128x160xf32, #tpu.memory_space<vmem>>, vector<1x16xf32>,
        %get3A_1006 = vector.shape_cast %get3A_1005 : vector<1x16xf32> to vector<16xf32>
        %mul3A_1007 = arith.mulf %get3A_1006, %broadcast_in_dim3A_988 : vector<16xf32>
        %swap3A_1008 = arith.index_cast %add3A_992 : i32 to index
        %swap3A_1009 = arith.constant 16 : index
        %swap3A_1010 = tpu.vector_load %arg10[%swap3A_1008, %swap3A_1009] {strides = array<i32>} : memref<128x160xf32, #tpu.memory_space<vmem>>, vector<1x16xf32>,
        %swap3A_1011 = vector.shape_cast %swap3A_1010 : vector<1x16xf32> to vector<16xf32>
        %swap3A_1012 = vector.shape_cast %mul3A_1007 : vector<16xf32> to vector<1x16xf32>
        tpu.vector_store %arg10[%swap3A_1008, %swap3A_1009], %swap3A_1012 {strides = array<i32>} : memref<128x160xf32, #tpu.memory_space<vmem>>, vector<1x16xf32>,
        %get3A_1013 = arith.index_cast %add3A_992 : i32 to index
        %get3A_1014 = arith.constant 32 : index
        %get3A_1015 = tpu.vector_load %arg10[%get3A_1013, %get3A_1014] {strides = array<i32>} : memref<128x160xf32, #tpu.memory_space<vmem>>, vector<1x16xf32>,
        %get3A_1016 = vector.shape_cast %get3A_1015 : vector<1x16xf32> to vector<16xf32>
        %mul3A_1017 = arith.mulf %get3A_1016, %broadcast_in_dim3A_988 : vector<16xf32>
        %swap3A_1018 = arith.index_cast %add3A_992 : i32 to index
        %swap3A_1019 = arith.constant 32 : index
        %swap3A_1020 = tpu.vector_load %arg10[%swap3A_1018, %swap3A_1019] {strides = array<i32>} : memref<128x160xf32, #tpu.memory_space<vmem>>, vector<1x16xf32>,
        %swap3A_1021 = vector.shape_cast %swap3A_1020 : vector<1x16xf32> to vector<16xf32>
        %swap3A_1022 = vector.shape_cast %mul3A_1017 : vector<16xf32> to vector<1x16xf32>
        tpu.vector_store %arg10[%swap3A_1018, %swap3A_1019], %swap3A_1022 {strides = array<i32>} : memref<128x160xf32, #tpu.memory_space<vmem>>, vector<1x16xf32>,
        %get3A_1023 = arith.index_cast %add3A_992 : i32 to index
        %get3A_1024 = arith.constant 48 : index
        %get3A_1025 = tpu.vector_load %arg10[%get3A_1023, %get3A_1024] {strides = array<i32>} : memref<128x160xf32, #tpu.memory_space<vmem>>, vector<1x16xf32>,
        %get3A_1026 = vector.shape_cast %get3A_1025 : vector<1x16xf32> to vector<16xf32>
        %mul3A_1027 = arith.mulf %get3A_1026, %broadcast_in_dim3A_988 : vector<16xf32>
        %swap3A_1028 = arith.index_cast %add3A_992 : i32 to index
        %swap3A_1029 = arith.constant 48 : index
        %swap3A_1030 = tpu.vector_load %arg10[%swap3A_1028, %swap3A_1029] {strides = array<i32>} : memref<128x160xf32, #tpu.memory_space<vmem>>, vector<1x16xf32>,
        %swap3A_1031 = vector.shape_cast %swap3A_1030 : vector<1x16xf32> to vector<16xf32>
        %swap3A_1032 = vector.shape_cast %mul3A_1027 : vector<16xf32> to vector<1x16xf32>
        tpu.vector_store %arg10[%swap3A_1028, %swap3A_1029], %swap3A_1032 {strides = array<i32>} : memref<128x160xf32, #tpu.memory_space<vmem>>, vector<1x16xf32>,
        %get3A_1033 = arith.index_cast %add3A_992 : i32 to index
        %get3A_1034 = arith.constant 64 : index
        %get3A_1035 = tpu.vector_load %arg10[%get3A_1033, %get3A_1034] {strides = array<i32>} : memref<128x160xf32, #tpu.memory_space<vmem>>, vector<1x16xf32>,
        %get3A_1036 = vector.shape_cast %get3A_1035 : vector<1x16xf32> to vector<16xf32>
        %mul3A_1037 = arith.mulf %get3A_1036, %broadcast_in_dim3A_988 : vector<16xf32>
        %swap3A_1038 = arith.index_cast %add3A_992 : i32 to index
        %swap3A_1039 = arith.constant 64 : index
        %swap3A_1040 = tpu.vector_load %arg10[%swap3A_1038, %swap3A_1039] {strides = array<i32>} : memref<128x160xf32, #tpu.memory_space<vmem>>, vector<1x16xf32>,
        %swap3A_1041 = vector.shape_cast %swap3A_1040 : vector<1x16xf32> to vector<16xf32>
        %swap3A_1042 = vector.shape_cast %mul3A_1037 : vector<16xf32> to vector<1x16xf32>
        tpu.vector_store %arg10[%swap3A_1038, %swap3A_1039], %swap3A_1042 {strides = array<i32>} : memref<128x160xf32, #tpu.memory_space<vmem>>, vector<1x16xf32>,
        %get3A_1043 = arith.index_cast %add3A_992 : i32 to index
        %get3A_1044 = arith.constant 80 : index
        %get3A_1045 = tpu.vector_load %arg10[%get3A_1043, %get3A_1044] {strides = array<i32>} : memref<128x160xf32, #tpu.memory_space<vmem>>, vector<1x16xf32>,
        %get3A_1046 = vector.shape_cast %get3A_1045 : vector<1x16xf32> to vector<16xf32>
        %mul3A_1047 = arith.mulf %get3A_1046, %broadcast_in_dim3A_988 : vector<16xf32>
        %swap3A_1048 = arith.index_cast %add3A_992 : i32 to index
        %swap3A_1049 = arith.constant 80 : index
        %swap3A_1050 = tpu.vector_load %arg10[%swap3A_1048, %swap3A_1049] {strides = array<i32>} : memref<128x160xf32, #tpu.memory_space<vmem>>, vector<1x16xf32>,
        %swap3A_1051 = vector.shape_cast %swap3A_1050 : vector<1x16xf32> to vector<16xf32>
        %swap3A_1052 = vector.shape_cast %mul3A_1047 : vector<16xf32> to vector<1x16xf32>
        tpu.vector_store %arg10[%swap3A_1048, %swap3A_1049], %swap3A_1052 {strides = array<i32>} : memref<128x160xf32, #tpu.memory_space<vmem>>, vector<1x16xf32>,
        %get3A_1053 = arith.index_cast %add3A_992 : i32 to index
        %get3A_1054 = arith.constant 96 : index
        %get3A_1055 = tpu.vector_load %arg10[%get3A_1053, %get3A_1054] {strides = array<i32>} : memref<128x160xf32, #tpu.memory_space<vmem>>, vector<1x16xf32>,
        %get3A_1056 = vector.shape_cast %get3A_1055 : vector<1x16xf32> to vector<16xf32>
        %mul3A_1057 = arith.mulf %get3A_1056, %broadcast_in_dim3A_988 : vector<16xf32>
        %swap3A_1058 = arith.index_cast %add3A_992 : i32 to index
        %swap3A_1059 = arith.constant 96 : index
        %swap3A_1060 = tpu.vector_load %arg10[%swap3A_1058, %swap3A_1059] {strides = array<i32>} : memref<128x160xf32, #tpu.memory_space<vmem>>, vector<1x16xf32>,
        %swap3A_1061 = vector.shape_cast %swap3A_1060 : vector<1x16xf32> to vector<16xf32>
        %swap3A_1062 = vector.shape_cast %mul3A_1057 : vector<16xf32> to vector<1x16xf32>
        tpu.vector_store %arg10[%swap3A_1058, %swap3A_1059], %swap3A_1062 {strides = array<i32>} : memref<128x160xf32, #tpu.memory_space<vmem>>, vector<1x16xf32>,
        %get3A_1063 = arith.index_cast %add3A_992 : i32 to index
        %get3A_1064 = arith.constant 112 : index
        %get3A_1065 = tpu.vector_load %arg10[%get3A_1063, %get3A_1064] {strides = array<i32>} : memref<128x160xf32, #tpu.memory_space<vmem>>, vector<1x16xf32>,
        %get3A_1066 = vector.shape_cast %get3A_1065 : vector<1x16xf32> to vector<16xf32>
        %mul3A_1067 = arith.mulf %get3A_1066, %broadcast_in_dim3A_988 : vector<16xf32>
        %swap3A_1068 = arith.index_cast %add3A_992 : i32 to index
        %swap3A_1069 = arith.constant 112 : index
        %swap3A_1070 = tpu.vector_load %arg10[%swap3A_1068, %swap3A_1069] {strides = array<i32>} : memref<128x160xf32, #tpu.memory_space<vmem>>, vector<1x16xf32>,
        %swap3A_1071 = vector.shape_cast %swap3A_1070 : vector<1x16xf32> to vector<16xf32>
        %swap3A_1072 = vector.shape_cast %mul3A_1067 : vector<16xf32> to vector<1x16xf32>
        tpu.vector_store %arg10[%swap3A_1068, %swap3A_1069], %swap3A_1072 {strides = array<i32>} : memref<128x160xf32, #tpu.memory_space<vmem>>, vector<1x16xf32>,
        %get3A_1073 = arith.index_cast %add3A_992 : i32 to index
        %get3A_1074 = arith.constant 128 : index
        %get3A_1075 = tpu.vector_load %arg10[%get3A_1073, %get3A_1074] {strides = array<i32>} : memref<128x160xf32, #tpu.memory_space<vmem>>, vector<1x16xf32>,
        %get3A_1076 = vector.shape_cast %get3A_1075 : vector<1x16xf32> to vector<16xf32>
        %mul3A_1077 = arith.mulf %get3A_1076, %broadcast_in_dim3A_988 : vector<16xf32>
        %swap3A_1078 = arith.index_cast %add3A_992 : i32 to index
        %swap3A_1079 = arith.constant 128 : index
        %swap3A_1080 = tpu.vector_load %arg10[%swap3A_1078, %swap3A_1079] {strides = array<i32>} : memref<128x160xf32, #tpu.memory_space<vmem>>, vector<1x16xf32>,
        %swap3A_1081 = vector.shape_cast %swap3A_1080 : vector<1x16xf32> to vector<16xf32>
        %swap3A_1082 = vector.shape_cast %mul3A_1077 : vector<16xf32> to vector<1x16xf32>
        tpu.vector_store %arg10[%swap3A_1078, %swap3A_1079], %swap3A_1082 {strides = array<i32>} : memref<128x160xf32, #tpu.memory_space<vmem>>, vector<1x16xf32>,
        %get3A_1083 = arith.index_cast %add3A_992 : i32 to index
        %get3A_1084 = arith.constant 144 : index
        %get3A_1085 = tpu.vector_load %arg10[%get3A_1083, %get3A_1084] {strides = array<i32>} : memref<128x160xf32, #tpu.memory_space<vmem>>, vector<1x16xf32>,
        %get3A_1086 = vector.shape_cast %get3A_1085 : vector<1x16xf32> to vector<16xf32>
        %mul3A_1087 = arith.mulf %get3A_1086, %broadcast_in_dim3A_988 : vector<16xf32>
        %swap3A_1088 = arith.index_cast %add3A_992 : i32 to index
        %swap3A_1089 = arith.constant 144 : index
        %swap3A_1090 = tpu.vector_load %arg10[%swap3A_1088, %swap3A_1089] {strides = array<i32>} : memref<128x160xf32, #tpu.memory_space<vmem>>, vector<1x16xf32>,
        %swap3A_1091 = vector.shape_cast %swap3A_1090 : vector<1x16xf32> to vector<16xf32>
        %swap3A_1092 = vector.shape_cast %mul3A_1087 : vector<16xf32> to vector<1x16xf32>
        tpu.vector_store %arg10[%swap3A_1088, %swap3A_1089], %swap3A_1092 {strides = array<i32>} : memref<128x160xf32, #tpu.memory_space<vmem>>, vector<1x16xf32>,
        %slice3A_1093 = vector.extract_strided_slice %get3A_133 {offsets = [9], sizes = [1], strides = [1]} : vector<16xf32> to vector<1xf32>
        %squeeze3A_1094 = vector.extract %slice3A_1093[0] : f32 from vector<1xf32>
        %broadcast_in_dim3A_1095 = vector.broadcast %squeeze3A_1094 : f32 to vector<16xf32>
        %mul3A_1096 = arith.constant 16 : i32
        %mul3A_1097 = arith.muli %scan3A_127, %mul3A_1096 : i32
        %add3A_1098 = arith.constant 9 : i32
        %add3A_1099 = arith.addi %mul3A_1097, %add3A_1098 : i32
        %get3A_1100 = arith.index_cast %add3A_1099 : i32 to index
        %get3A_1101 = arith.constant 0 : index
        %get3A_1102 = tpu.vector_load %arg10[%get3A_1100, %get3A_1101] {strides = array<i32>} : memref<128x160xf32, #tpu.memory_space<vmem>>, vector<1x16xf32>,
        %get3A_1103 = vector.shape_cast %get3A_1102 : vector<1x16xf32> to vector<16xf32>
        %mul3A_1104 = arith.mulf %get3A_1103, %broadcast_in_dim3A_1095 : vector<16xf32>
        %swap3A_1105 = arith.index_cast %add3A_1099 : i32 to index
        %swap3A_1106 = arith.constant 0 : index
        %swap3A_1107 = tpu.vector_load %arg10[%swap3A_1105, %swap3A_1106] {strides = array<i32>} : memref<128x160xf32, #tpu.memory_space<vmem>>, vector<1x16xf32>,
        %swap3A_1108 = vector.shape_cast %swap3A_1107 : vector<1x16xf32> to vector<16xf32>
        %swap3A_1109 = vector.shape_cast %mul3A_1104 : vector<16xf32> to vector<1x16xf32>
        tpu.vector_store %arg10[%swap3A_1105, %swap3A_1106], %swap3A_1109 {strides = array<i32>} : memref<128x160xf32, #tpu.memory_space<vmem>>, vector<1x16xf32>,
        %get3A_1110 = arith.index_cast %add3A_1099 : i32 to index
        %get3A_1111 = arith.constant 16 : index
        %get3A_1112 = tpu.vector_load %arg10[%get3A_1110, %get3A_1111] {strides = array<i32>} : memref<128x160xf32, #tpu.memory_space<vmem>>, vector<1x16xf32>,
        %get3A_1113 = vector.shape_cast %get3A_1112 : vector<1x16xf32> to vector<16xf32>
        %mul3A_1114 = arith.mulf %get3A_1113, %broadcast_in_dim3A_1095 : vector<16xf32>
        %swap3A_1115 = arith.index_cast %add3A_1099 : i32 to index
        %swap3A_1116 = arith.constant 16 : index
        %swap3A_1117 = tpu.vector_load %arg10[%swap3A_1115, %swap3A_1116] {strides = array<i32>} : memref<128x160xf32, #tpu.memory_space<vmem>>, vector<1x16xf32>,
        %swap3A_1118 = vector.shape_cast %swap3A_1117 : vector<1x16xf32> to vector<16xf32>
        %swap3A_1119 = vector.shape_cast %mul3A_1114 : vector<16xf32> to vector<1x16xf32>
        tpu.vector_store %arg10[%swap3A_1115, %swap3A_1116], %swap3A_1119 {strides = array<i32>} : memref<128x160xf32, #tpu.memory_space<vmem>>, vector<1x16xf32>,
        %get3A_1120 = arith.index_cast %add3A_1099 : i32 to index
        %get3A_1121 = arith.constant 32 : index
        %get3A_1122 = tpu.vector_load %arg10[%get3A_1120, %get3A_1121] {strides = array<i32>} : memref<128x160xf32, #tpu.memory_space<vmem>>, vector<1x16xf32>,
        %get3A_1123 = vector.shape_cast %get3A_1122 : vector<1x16xf32> to vector<16xf32>
        %mul3A_1124 = arith.mulf %get3A_1123, %broadcast_in_dim3A_1095 : vector<16xf32>
        %swap3A_1125 = arith.index_cast %add3A_1099 : i32 to index
        %swap3A_1126 = arith.constant 32 : index
        %swap3A_1127 = tpu.vector_load %arg10[%swap3A_1125, %swap3A_1126] {strides = array<i32>} : memref<128x160xf32, #tpu.memory_space<vmem>>, vector<1x16xf32>,
        %swap3A_1128 = vector.shape_cast %swap3A_1127 : vector<1x16xf32> to vector<16xf32>
        %swap3A_1129 = vector.shape_cast %mul3A_1124 : vector<16xf32> to vector<1x16xf32>
        tpu.vector_store %arg10[%swap3A_1125, %swap3A_1126], %swap3A_1129 {strides = array<i32>} : memref<128x160xf32, #tpu.memory_space<vmem>>, vector<1x16xf32>,
        %get3A_1130 = arith.index_cast %add3A_1099 : i32 to index
        %get3A_1131 = arith.constant 48 : index
        %get3A_1132 = tpu.vector_load %arg10[%get3A_1130, %get3A_1131] {strides = array<i32>} : memref<128x160xf32, #tpu.memory_space<vmem>>, vector<1x16xf32>,
        %get3A_1133 = vector.shape_cast %get3A_1132 : vector<1x16xf32> to vector<16xf32>
        %mul3A_1134 = arith.mulf %get3A_1133, %broadcast_in_dim3A_1095 : vector<16xf32>
        %swap3A_1135 = arith.index_cast %add3A_1099 : i32 to index
        %swap3A_1136 = arith.constant 48 : index
        %swap3A_1137 = tpu.vector_load %arg10[%swap3A_1135, %swap3A_1136] {strides = array<i32>} : memref<128x160xf32, #tpu.memory_space<vmem>>, vector<1x16xf32>,
        %swap3A_1138 = vector.shape_cast %swap3A_1137 : vector<1x16xf32> to vector<16xf32>
        %swap3A_1139 = vector.shape_cast %mul3A_1134 : vector<16xf32> to vector<1x16xf32>
        tpu.vector_store %arg10[%swap3A_1135, %swap3A_1136], %swap3A_1139 {strides = array<i32>} : memref<128x160xf32, #tpu.memory_space<vmem>>, vector<1x16xf32>,
        %get3A_1140 = arith.index_cast %add3A_1099 : i32 to index
        %get3A_1141 = arith.constant 64 : index
        %get3A_1142 = tpu.vector_load %arg10[%get3A_1140, %get3A_1141] {strides = array<i32>} : memref<128x160xf32, #tpu.memory_space<vmem>>, vector<1x16xf32>,
        %get3A_1143 = vector.shape_cast %get3A_1142 : vector<1x16xf32> to vector<16xf32>
        %mul3A_1144 = arith.mulf %get3A_1143, %broadcast_in_dim3A_1095 : vector<16xf32>
        %swap3A_1145 = arith.index_cast %add3A_1099 : i32 to index
        %swap3A_1146 = arith.constant 64 : index
        %swap3A_1147 = tpu.vector_load %arg10[%swap3A_1145, %swap3A_1146] {strides = array<i32>} : memref<128x160xf32, #tpu.memory_space<vmem>>, vector<1x16xf32>,
        %swap3A_1148 = vector.shape_cast %swap3A_1147 : vector<1x16xf32> to vector<16xf32>
        %swap3A_1149 = vector.shape_cast %mul3A_1144 : vector<16xf32> to vector<1x16xf32>
        tpu.vector_store %arg10[%swap3A_1145, %swap3A_1146], %swap3A_1149 {strides = array<i32>} : memref<128x160xf32, #tpu.memory_space<vmem>>, vector<1x16xf32>,
        %get3A_1150 = arith.index_cast %add3A_1099 : i32 to index
        %get3A_1151 = arith.constant 80 : index
        %get3A_1152 = tpu.vector_load %arg10[%get3A_1150, %get3A_1151] {strides = array<i32>} : memref<128x160xf32, #tpu.memory_space<vmem>>, vector<1x16xf32>,
        %get3A_1153 = vector.shape_cast %get3A_1152 : vector<1x16xf32> to vector<16xf32>
        %mul3A_1154 = arith.mulf %get3A_1153, %broadcast_in_dim3A_1095 : vector<16xf32>
        %swap3A_1155 = arith.index_cast %add3A_1099 : i32 to index
        %swap3A_1156 = arith.constant 80 : index
        %swap3A_1157 = tpu.vector_load %arg10[%swap3A_1155, %swap3A_1156] {strides = array<i32>} : memref<128x160xf32, #tpu.memory_space<vmem>>, vector<1x16xf32>,
        %swap3A_1158 = vector.shape_cast %swap3A_1157 : vector<1x16xf32> to vector<16xf32>
        %swap3A_1159 = vector.shape_cast %mul3A_1154 : vector<16xf32> to vector<1x16xf32>
        tpu.vector_store %arg10[%swap3A_1155, %swap3A_1156], %swap3A_1159 {strides = array<i32>} : memref<128x160xf32, #tpu.memory_space<vmem>>, vector<1x16xf32>,
        %get3A_1160 = arith.index_cast %add3A_1099 : i32 to index
        %get3A_1161 = arith.constant 96 : index
        %get3A_1162 = tpu.vector_load %arg10[%get3A_1160, %get3A_1161] {strides = array<i32>} : memref<128x160xf32, #tpu.memory_space<vmem>>, vector<1x16xf32>,
        %get3A_1163 = vector.shape_cast %get3A_1162 : vector<1x16xf32> to vector<16xf32>
        %mul3A_1164 = arith.mulf %get3A_1163, %broadcast_in_dim3A_1095 : vector<16xf32>
        %swap3A_1165 = arith.index_cast %add3A_1099 : i32 to index
        %swap3A_1166 = arith.constant 96 : index
        %swap3A_1167 = tpu.vector_load %arg10[%swap3A_1165, %swap3A_1166] {strides = array<i32>} : memref<128x160xf32, #tpu.memory_space<vmem>>, vector<1x16xf32>,
        %swap3A_1168 = vector.shape_cast %swap3A_1167 : vector<1x16xf32> to vector<16xf32>
        %swap3A_1169 = vector.shape_cast %mul3A_1164 : vector<16xf32> to vector<1x16xf32>
        tpu.vector_store %arg10[%swap3A_1165, %swap3A_1166], %swap3A_1169 {strides = array<i32>} : memref<128x160xf32, #tpu.memory_space<vmem>>, vector<1x16xf32>,
        %get3A_1170 = arith.index_cast %add3A_1099 : i32 to index
        %get3A_1171 = arith.constant 112 : index
        %get3A_1172 = tpu.vector_load %arg10[%get3A_1170, %get3A_1171] {strides = array<i32>} : memref<128x160xf32, #tpu.memory_space<vmem>>, vector<1x16xf32>,
        %get3A_1173 = vector.shape_cast %get3A_1172 : vector<1x16xf32> to vector<16xf32>
        %mul3A_1174 = arith.mulf %get3A_1173, %broadcast_in_dim3A_1095 : vector<16xf32>
        %swap3A_1175 = arith.index_cast %add3A_1099 : i32 to index
        %swap3A_1176 = arith.constant 112 : index
        %swap3A_1177 = tpu.vector_load %arg10[%swap3A_1175, %swap3A_1176] {strides = array<i32>} : memref<128x160xf32, #tpu.memory_space<vmem>>, vector<1x16xf32>,
        %swap3A_1178 = vector.shape_cast %swap3A_1177 : vector<1x16xf32> to vector<16xf32>
        %swap3A_1179 = vector.shape_cast %mul3A_1174 : vector<16xf32> to vector<1x16xf32>
        tpu.vector_store %arg10[%swap3A_1175, %swap3A_1176], %swap3A_1179 {strides = array<i32>} : memref<128x160xf32, #tpu.memory_space<vmem>>, vector<1x16xf32>,
        %get3A_1180 = arith.index_cast %add3A_1099 : i32 to index
        %get3A_1181 = arith.constant 128 : index
        %get3A_1182 = tpu.vector_load %arg10[%get3A_1180, %get3A_1181] {strides = array<i32>} : memref<128x160xf32, #tpu.memory_space<vmem>>, vector<1x16xf32>,
        %get3A_1183 = vector.shape_cast %get3A_1182 : vector<1x16xf32> to vector<16xf32>
        %mul3A_1184 = arith.mulf %get3A_1183, %broadcast_in_dim3A_1095 : vector<16xf32>
        %swap3A_1185 = arith.index_cast %add3A_1099 : i32 to index
        %swap3A_1186 = arith.constant 128 : index
        %swap3A_1187 = tpu.vector_load %arg10[%swap3A_1185, %swap3A_1186] {strides = array<i32>} : memref<128x160xf32, #tpu.memory_space<vmem>>, vector<1x16xf32>,
        %swap3A_1188 = vector.shape_cast %swap3A_1187 : vector<1x16xf32> to vector<16xf32>
        %swap3A_1189 = vector.shape_cast %mul3A_1184 : vector<16xf32> to vector<1x16xf32>
        tpu.vector_store %arg10[%swap3A_1185, %swap3A_1186], %swap3A_1189 {strides = array<i32>} : memref<128x160xf32, #tpu.memory_space<vmem>>, vector<1x16xf32>,
        %get3A_1190 = arith.index_cast %add3A_1099 : i32 to index
        %get3A_1191 = arith.constant 144 : index
        %get3A_1192 = tpu.vector_load %arg10[%get3A_1190, %get3A_1191] {strides = array<i32>} : memref<128x160xf32, #tpu.memory_space<vmem>>, vector<1x16xf32>,
        %get3A_1193 = vector.shape_cast %get3A_1192 : vector<1x16xf32> to vector<16xf32>
        %mul3A_1194 = arith.mulf %get3A_1193, %broadcast_in_dim3A_1095 : vector<16xf32>
        %swap3A_1195 = arith.index_cast %add3A_1099 : i32 to index
        %swap3A_1196 = arith.constant 144 : index
        %swap3A_1197 = tpu.vector_load %arg10[%swap3A_1195, %swap3A_1196] {strides = array<i32>} : memref<128x160xf32, #tpu.memory_space<vmem>>, vector<1x16xf32>,
        %swap3A_1198 = vector.shape_cast %swap3A_1197 : vector<1x16xf32> to vector<16xf32>
        %swap3A_1199 = vector.shape_cast %mul3A_1194 : vector<16xf32> to vector<1x16xf32>
        tpu.vector_store %arg10[%swap3A_1195, %swap3A_1196], %swap3A_1199 {strides = array<i32>} : memref<128x160xf32, #tpu.memory_space<vmem>>, vector<1x16xf32>,
        %slice3A_1200 = vector.extract_strided_slice %get3A_133 {offsets = [10], sizes = [1], strides = [1]} : vector<16xf32> to vector<1xf32>
        %squeeze3A_1201 = vector.extract %slice3A_1200[0] : f32 from vector<1xf32>
        %broadcast_in_dim3A_1202 = vector.broadcast %squeeze3A_1201 : f32 to vector<16xf32>
        %mul3A_1203 = arith.constant 16 : i32
        %mul3A_1204 = arith.muli %scan3A_127, %mul3A_1203 : i32
        %add3A_1205 = arith.constant 10 : i32
        %add3A_1206 = arith.addi %mul3A_1204, %add3A_1205 : i32
        %get3A_1207 = arith.index_cast %add3A_1206 : i32 to index
        %get3A_1208 = arith.constant 0 : index
        %get3A_1209 = tpu.vector_load %arg10[%get3A_1207, %get3A_1208] {strides = array<i32>} : memref<128x160xf32, #tpu.memory_space<vmem>>, vector<1x16xf32>,
        %get3A_1210 = vector.shape_cast %get3A_1209 : vector<1x16xf32> to vector<16xf32>
        %mul3A_1211 = arith.mulf %get3A_1210, %broadcast_in_dim3A_1202 : vector<16xf32>
        %swap3A_1212 = arith.index_cast %add3A_1206 : i32 to index
        %swap3A_1213 = arith.constant 0 : index
        %swap3A_1214 = tpu.vector_load %arg10[%swap3A_1212, %swap3A_1213] {strides = array<i32>} : memref<128x160xf32, #tpu.memory_space<vmem>>, vector<1x16xf32>,
        %swap3A_1215 = vector.shape_cast %swap3A_1214 : vector<1x16xf32> to vector<16xf32>
        %swap3A_1216 = vector.shape_cast %mul3A_1211 : vector<16xf32> to vector<1x16xf32>
        tpu.vector_store %arg10[%swap3A_1212, %swap3A_1213], %swap3A_1216 {strides = array<i32>} : memref<128x160xf32, #tpu.memory_space<vmem>>, vector<1x16xf32>,
        %get3A_1217 = arith.index_cast %add3A_1206 : i32 to index
        %get3A_1218 = arith.constant 16 : index
        %get3A_1219 = tpu.vector_load %arg10[%get3A_1217, %get3A_1218] {strides = array<i32>} : memref<128x160xf32, #tpu.memory_space<vmem>>, vector<1x16xf32>,
        %get3A_1220 = vector.shape_cast %get3A_1219 : vector<1x16xf32> to vector<16xf32>
        %mul3A_1221 = arith.mulf %get3A_1220, %broadcast_in_dim3A_1202 : vector<16xf32>
        %swap3A_1222 = arith.index_cast %add3A_1206 : i32 to index
        %swap3A_1223 = arith.constant 16 : index
        %swap3A_1224 = tpu.vector_load %arg10[%swap3A_1222, %swap3A_1223] {strides = array<i32>} : memref<128x160xf32, #tpu.memory_space<vmem>>, vector<1x16xf32>,
        %swap3A_1225 = vector.shape_cast %swap3A_1224 : vector<1x16xf32> to vector<16xf32>
        %swap3A_1226 = vector.shape_cast %mul3A_1221 : vector<16xf32> to vector<1x16xf32>
        tpu.vector_store %arg10[%swap3A_1222, %swap3A_1223], %swap3A_1226 {strides = array<i32>} : memref<128x160xf32, #tpu.memory_space<vmem>>, vector<1x16xf32>,
        %get3A_1227 = arith.index_cast %add3A_1206 : i32 to index
        %get3A_1228 = arith.constant 32 : index
        %get3A_1229 = tpu.vector_load %arg10[%get3A_1227, %get3A_1228] {strides = array<i32>} : memref<128x160xf32, #tpu.memory_space<vmem>>, vector<1x16xf32>,
        %get3A_1230 = vector.shape_cast %get3A_1229 : vector<1x16xf32> to vector<16xf32>
        %mul3A_1231 = arith.mulf %get3A_1230, %broadcast_in_dim3A_1202 : vector<16xf32>
        %swap3A_1232 = arith.index_cast %add3A_1206 : i32 to index
        %swap3A_1233 = arith.constant 32 : index
        %swap3A_1234 = tpu.vector_load %arg10[%swap3A_1232, %swap3A_1233] {strides = array<i32>} : memref<128x160xf32, #tpu.memory_space<vmem>>, vector<1x16xf32>,
        %swap3A_1235 = vector.shape_cast %swap3A_1234 : vector<1x16xf32> to vector<16xf32>
        %swap3A_1236 = vector.shape_cast %mul3A_1231 : vector<16xf32> to vector<1x16xf32>
        tpu.vector_store %arg10[%swap3A_1232, %swap3A_1233], %swap3A_1236 {strides = array<i32>} : memref<128x160xf32, #tpu.memory_space<vmem>>, vector<1x16xf32>,
        %get3A_1237 = arith.index_cast %add3A_1206 : i32 to index
        %get3A_1238 = arith.constant 48 : index
        %get3A_1239 = tpu.vector_load %arg10[%get3A_1237, %get3A_1238] {strides = array<i32>} : memref<128x160xf32, #tpu.memory_space<vmem>>, vector<1x16xf32>,
        %get3A_1240 = vector.shape_cast %get3A_1239 : vector<1x16xf32> to vector<16xf32>
        %mul3A_1241 = arith.mulf %get3A_1240, %broadcast_in_dim3A_1202 : vector<16xf32>
        %swap3A_1242 = arith.index_cast %add3A_1206 : i32 to index
        %swap3A_1243 = arith.constant 48 : index
        %swap3A_1244 = tpu.vector_load %arg10[%swap3A_1242, %swap3A_1243] {strides = array<i32>} : memref<128x160xf32, #tpu.memory_space<vmem>>, vector<1x16xf32>,
        %swap3A_1245 = vector.shape_cast %swap3A_1244 : vector<1x16xf32> to vector<16xf32>
        %swap3A_1246 = vector.shape_cast %mul3A_1241 : vector<16xf32> to vector<1x16xf32>
        tpu.vector_store %arg10[%swap3A_1242, %swap3A_1243], %swap3A_1246 {strides = array<i32>} : memref<128x160xf32, #tpu.memory_space<vmem>>, vector<1x16xf32>,
        %get3A_1247 = arith.index_cast %add3A_1206 : i32 to index
        %get3A_1248 = arith.constant 64 : index
        %get3A_1249 = tpu.vector_load %arg10[%get3A_1247, %get3A_1248] {strides = array<i32>} : memref<128x160xf32, #tpu.memory_space<vmem>>, vector<1x16xf32>,
        %get3A_1250 = vector.shape_cast %get3A_1249 : vector<1x16xf32> to vector<16xf32>
        %mul3A_1251 = arith.mulf %get3A_1250, %broadcast_in_dim3A_1202 : vector<16xf32>
        %swap3A_1252 = arith.index_cast %add3A_1206 : i32 to index
        %swap3A_1253 = arith.constant 64 : index
        %swap3A_1254 = tpu.vector_load %arg10[%swap3A_1252, %swap3A_1253] {strides = array<i32>} : memref<128x160xf32, #tpu.memory_space<vmem>>, vector<1x16xf32>,
        %swap3A_1255 = vector.shape_cast %swap3A_1254 : vector<1x16xf32> to vector<16xf32>
        %swap3A_1256 = vector.shape_cast %mul3A_1251 : vector<16xf32> to vector<1x16xf32>
        tpu.vector_store %arg10[%swap3A_1252, %swap3A_1253], %swap3A_1256 {strides = array<i32>} : memref<128x160xf32, #tpu.memory_space<vmem>>, vector<1x16xf32>,
        %get3A_1257 = arith.index_cast %add3A_1206 : i32 to index
        %get3A_1258 = arith.constant 80 : index
        %get3A_1259 = tpu.vector_load %arg10[%get3A_1257, %get3A_1258] {strides = array<i32>} : memref<128x160xf32, #tpu.memory_space<vmem>>, vector<1x16xf32>,
        %get3A_1260 = vector.shape_cast %get3A_1259 : vector<1x16xf32> to vector<16xf32>
        %mul3A_1261 = arith.mulf %get3A_1260, %broadcast_in_dim3A_1202 : vector<16xf32>
        %swap3A_1262 = arith.index_cast %add3A_1206 : i32 to index
        %swap3A_1263 = arith.constant 80 : index
        %swap3A_1264 = tpu.vector_load %arg10[%swap3A_1262, %swap3A_1263] {strides = array<i32>} : memref<128x160xf32, #tpu.memory_space<vmem>>, vector<1x16xf32>,
        %swap3A_1265 = vector.shape_cast %swap3A_1264 : vector<1x16xf32> to vector<16xf32>
        %swap3A_1266 = vector.shape_cast %mul3A_1261 : vector<16xf32> to vector<1x16xf32>
        tpu.vector_store %arg10[%swap3A_1262, %swap3A_1263], %swap3A_1266 {strides = array<i32>} : memref<128x160xf32, #tpu.memory_space<vmem>>, vector<1x16xf32>,
        %get3A_1267 = arith.index_cast %add3A_1206 : i32 to index
        %get3A_1268 = arith.constant 96 : index
        %get3A_1269 = tpu.vector_load %arg10[%get3A_1267, %get3A_1268] {strides = array<i32>} : memref<128x160xf32, #tpu.memory_space<vmem>>, vector<1x16xf32>,
        %get3A_1270 = vector.shape_cast %get3A_1269 : vector<1x16xf32> to vector<16xf32>
        %mul3A_1271 = arith.mulf %get3A_1270, %broadcast_in_dim3A_1202 : vector<16xf32>
        %swap3A_1272 = arith.index_cast %add3A_1206 : i32 to index
        %swap3A_1273 = arith.constant 96 : index
        %swap3A_1274 = tpu.vector_load %arg10[%swap3A_1272, %swap3A_1273] {strides = array<i32>} : memref<128x160xf32, #tpu.memory_space<vmem>>, vector<1x16xf32>,
        %swap3A_1275 = vector.shape_cast %swap3A_1274 : vector<1x16xf32> to vector<16xf32>
        %swap3A_1276 = vector.shape_cast %mul3A_1271 : vector<16xf32> to vector<1x16xf32>
        tpu.vector_store %arg10[%swap3A_1272, %swap3A_1273], %swap3A_1276 {strides = array<i32>} : memref<128x160xf32, #tpu.memory_space<vmem>>, vector<1x16xf32>,
        %get3A_1277 = arith.index_cast %add3A_1206 : i32 to index
        %get3A_1278 = arith.constant 112 : index
        %get3A_1279 = tpu.vector_load %arg10[%get3A_1277, %get3A_1278] {strides = array<i32>} : memref<128x160xf32, #tpu.memory_space<vmem>>, vector<1x16xf32>,
        %get3A_1280 = vector.shape_cast %get3A_1279 : vector<1x16xf32> to vector<16xf32>
        %mul3A_1281 = arith.mulf %get3A_1280, %broadcast_in_dim3A_1202 : vector<16xf32>
        %swap3A_1282 = arith.index_cast %add3A_1206 : i32 to index
        %swap3A_1283 = arith.constant 112 : index
        %swap3A_1284 = tpu.vector_load %arg10[%swap3A_1282, %swap3A_1283] {strides = array<i32>} : memref<128x160xf32, #tpu.memory_space<vmem>>, vector<1x16xf32>,
        %swap3A_1285 = vector.shape_cast %swap3A_1284 : vector<1x16xf32> to vector<16xf32>
        %swap3A_1286 = vector.shape_cast %mul3A_1281 : vector<16xf32> to vector<1x16xf32>
        tpu.vector_store %arg10[%swap3A_1282, %swap3A_1283], %swap3A_1286 {strides = array<i32>} : memref<128x160xf32, #tpu.memory_space<vmem>>, vector<1x16xf32>,
        %get3A_1287 = arith.index_cast %add3A_1206 : i32 to index
        %get3A_1288 = arith.constant 128 : index
        %get3A_1289 = tpu.vector_load %arg10[%get3A_1287, %get3A_1288] {strides = array<i32>} : memref<128x160xf32, #tpu.memory_space<vmem>>, vector<1x16xf32>,
        %get3A_1290 = vector.shape_cast %get3A_1289 : vector<1x16xf32> to vector<16xf32>
        %mul3A_1291 = arith.mulf %get3A_1290, %broadcast_in_dim3A_1202 : vector<16xf32>
        %swap3A_1292 = arith.index_cast %add3A_1206 : i32 to index
        %swap3A_1293 = arith.constant 128 : index
        %swap3A_1294 = tpu.vector_load %arg10[%swap3A_1292, %swap3A_1293] {strides = array<i32>} : memref<128x160xf32, #tpu.memory_space<vmem>>, vector<1x16xf32>,
        %swap3A_1295 = vector.shape_cast %swap3A_1294 : vector<1x16xf32> to vector<16xf32>
        %swap3A_1296 = vector.shape_cast %mul3A_1291 : vector<16xf32> to vector<1x16xf32>
        tpu.vector_store %arg10[%swap3A_1292, %swap3A_1293], %swap3A_1296 {strides = array<i32>} : memref<128x160xf32, #tpu.memory_space<vmem>>, vector<1x16xf32>,
        %get3A_1297 = arith.index_cast %add3A_1206 : i32 to index
        %get3A_1298 = arith.constant 144 : index
        %get3A_1299 = tpu.vector_load %arg10[%get3A_1297, %get3A_1298] {strides = array<i32>} : memref<128x160xf32, #tpu.memory_space<vmem>>, vector<1x16xf32>,
        %get3A_1300 = vector.shape_cast %get3A_1299 : vector<1x16xf32> to vector<16xf32>
        %mul3A_1301 = arith.mulf %get3A_1300, %broadcast_in_dim3A_1202 : vector<16xf32>
        %swap3A_1302 = arith.index_cast %add3A_1206 : i32 to index
        %swap3A_1303 = arith.constant 144 : index
        %swap3A_1304 = tpu.vector_load %arg10[%swap3A_1302, %swap3A_1303] {strides = array<i32>} : memref<128x160xf32, #tpu.memory_space<vmem>>, vector<1x16xf32>,
        %swap3A_1305 = vector.shape_cast %swap3A_1304 : vector<1x16xf32> to vector<16xf32>
        %swap3A_1306 = vector.shape_cast %mul3A_1301 : vector<16xf32> to vector<1x16xf32>
        tpu.vector_store %arg10[%swap3A_1302, %swap3A_1303], %swap3A_1306 {strides = array<i32>} : memref<128x160xf32, #tpu.memory_space<vmem>>, vector<1x16xf32>,
        %slice3A_1307 = vector.extract_strided_slice %get3A_133 {offsets = [11], sizes = [1], strides = [1]} : vector<16xf32> to vector<1xf32>
        %squeeze3A_1308 = vector.extract %slice3A_1307[0] : f32 from vector<1xf32>
        %broadcast_in_dim3A_1309 = vector.broadcast %squeeze3A_1308 : f32 to vector<16xf32>
        %mul3A_1310 = arith.constant 16 : i32
        %mul3A_1311 = arith.muli %scan3A_127, %mul3A_1310 : i32
        %add3A_1312 = arith.constant 11 : i32
        %add3A_1313 = arith.addi %mul3A_1311, %add3A_1312 : i32
        %get3A_1314 = arith.index_cast %add3A_1313 : i32 to index
        %get3A_1315 = arith.constant 0 : index
        %get3A_1316 = tpu.vector_load %arg10[%get3A_1314, %get3A_1315] {strides = array<i32>} : memref<128x160xf32, #tpu.memory_space<vmem>>, vector<1x16xf32>,
        %get3A_1317 = vector.shape_cast %get3A_1316 : vector<1x16xf32> to vector<16xf32>
        %mul3A_1318 = arith.mulf %get3A_1317, %broadcast_in_dim3A_1309 : vector<16xf32>
        %swap3A_1319 = arith.index_cast %add3A_1313 : i32 to index
        %swap3A_1320 = arith.constant 0 : index
        %swap3A_1321 = tpu.vector_load %arg10[%swap3A_1319, %swap3A_1320] {strides = array<i32>} : memref<128x160xf32, #tpu.memory_space<vmem>>, vector<1x16xf32>,
        %swap3A_1322 = vector.shape_cast %swap3A_1321 : vector<1x16xf32> to vector<16xf32>
        %swap3A_1323 = vector.shape_cast %mul3A_1318 : vector<16xf32> to vector<1x16xf32>
        tpu.vector_store %arg10[%swap3A_1319, %swap3A_1320], %swap3A_1323 {strides = array<i32>} : memref<128x160xf32, #tpu.memory_space<vmem>>, vector<1x16xf32>,
        %get3A_1324 = arith.index_cast %add3A_1313 : i32 to index
        %get3A_1325 = arith.constant 16 : index
        %get3A_1326 = tpu.vector_load %arg10[%get3A_1324, %get3A_1325] {strides = array<i32>} : memref<128x160xf32, #tpu.memory_space<vmem>>, vector<1x16xf32>,
        %get3A_1327 = vector.shape_cast %get3A_1326 : vector<1x16xf32> to vector<16xf32>
        %mul3A_1328 = arith.mulf %get3A_1327, %broadcast_in_dim3A_1309 : vector<16xf32>
        %swap3A_1329 = arith.index_cast %add3A_1313 : i32 to index
        %swap3A_1330 = arith.constant 16 : index
        %swap3A_1331 = tpu.vector_load %arg10[%swap3A_1329, %swap3A_1330] {strides = array<i32>} : memref<128x160xf32, #tpu.memory_space<vmem>>, vector<1x16xf32>,
        %swap3A_1332 = vector.shape_cast %swap3A_1331 : vector<1x16xf32> to vector<16xf32>
        %swap3A_1333 = vector.shape_cast %mul3A_1328 : vector<16xf32> to vector<1x16xf32>
        tpu.vector_store %arg10[%swap3A_1329, %swap3A_1330], %swap3A_1333 {strides = array<i32>} : memref<128x160xf32, #tpu.memory_space<vmem>>, vector<1x16xf32>,
        %get3A_1334 = arith.index_cast %add3A_1313 : i32 to index
        %get3A_1335 = arith.constant 32 : index
        %get3A_1336 = tpu.vector_load %arg10[%get3A_1334, %get3A_1335] {strides = array<i32>} : memref<128x160xf32, #tpu.memory_space<vmem>>, vector<1x16xf32>,
        %get3A_1337 = vector.shape_cast %get3A_1336 : vector<1x16xf32> to vector<16xf32>
        %mul3A_1338 = arith.mulf %get3A_1337, %broadcast_in_dim3A_1309 : vector<16xf32>
        %swap3A_1339 = arith.index_cast %add3A_1313 : i32 to index
        %swap3A_1340 = arith.constant 32 : index
        %swap3A_1341 = tpu.vector_load %arg10[%swap3A_1339, %swap3A_1340] {strides = array<i32>} : memref<128x160xf32, #tpu.memory_space<vmem>>, vector<1x16xf32>,
        %swap3A_1342 = vector.shape_cast %swap3A_1341 : vector<1x16xf32> to vector<16xf32>
        %swap3A_1343 = vector.shape_cast %mul3A_1338 : vector<16xf32> to vector<1x16xf32>
        tpu.vector_store %arg10[%swap3A_1339, %swap3A_1340], %swap3A_1343 {strides = array<i32>} : memref<128x160xf32, #tpu.memory_space<vmem>>, vector<1x16xf32>,
        %get3A_1344 = arith.index_cast %add3A_1313 : i32 to index
        %get3A_1345 = arith.constant 48 : index
        %get3A_1346 = tpu.vector_load %arg10[%get3A_1344, %get3A_1345] {strides = array<i32>} : memref<128x160xf32, #tpu.memory_space<vmem>>, vector<1x16xf32>,
        %get3A_1347 = vector.shape_cast %get3A_1346 : vector<1x16xf32> to vector<16xf32>
        %mul3A_1348 = arith.mulf %get3A_1347, %broadcast_in_dim3A_1309 : vector<16xf32>
        %swap3A_1349 = arith.index_cast %add3A_1313 : i32 to index
        %swap3A_1350 = arith.constant 48 : index
        %swap3A_1351 = tpu.vector_load %arg10[%swap3A_1349, %swap3A_1350] {strides = array<i32>} : memref<128x160xf32, #tpu.memory_space<vmem>>, vector<1x16xf32>,
        %swap3A_1352 = vector.shape_cast %swap3A_1351 : vector<1x16xf32> to vector<16xf32>
        %swap3A_1353 = vector.shape_cast %mul3A_1348 : vector<16xf32> to vector<1x16xf32>
        tpu.vector_store %arg10[%swap3A_1349, %swap3A_1350], %swap3A_1353 {strides = array<i32>} : memref<128x160xf32, #tpu.memory_space<vmem>>, vector<1x16xf32>,
        %get3A_1354 = arith.index_cast %add3A_1313 : i32 to index
        %get3A_1355 = arith.constant 64 : index
        %get3A_1356 = tpu.vector_load %arg10[%get3A_1354, %get3A_1355] {strides = array<i32>} : memref<128x160xf32, #tpu.memory_space<vmem>>, vector<1x16xf32>,
        %get3A_1357 = vector.shape_cast %get3A_1356 : vector<1x16xf32> to vector<16xf32>
        %mul3A_1358 = arith.mulf %get3A_1357, %broadcast_in_dim3A_1309 : vector<16xf32>
        %swap3A_1359 = arith.index_cast %add3A_1313 : i32 to index
        %swap3A_1360 = arith.constant 64 : index
        %swap3A_1361 = tpu.vector_load %arg10[%swap3A_1359, %swap3A_1360] {strides = array<i32>} : memref<128x160xf32, #tpu.memory_space<vmem>>, vector<1x16xf32>,
        %swap3A_1362 = vector.shape_cast %swap3A_1361 : vector<1x16xf32> to vector<16xf32>
        %swap3A_1363 = vector.shape_cast %mul3A_1358 : vector<16xf32> to vector<1x16xf32>
        tpu.vector_store %arg10[%swap3A_1359, %swap3A_1360], %swap3A_1363 {strides = array<i32>} : memref<128x160xf32, #tpu.memory_space<vmem>>, vector<1x16xf32>,
        %get3A_1364 = arith.index_cast %add3A_1313 : i32 to index
        %get3A_1365 = arith.constant 80 : index
        %get3A_1366 = tpu.vector_load %arg10[%get3A_1364, %get3A_1365] {strides = array<i32>} : memref<128x160xf32, #tpu.memory_space<vmem>>, vector<1x16xf32>,
        %get3A_1367 = vector.shape_cast %get3A_1366 : vector<1x16xf32> to vector<16xf32>
        %mul3A_1368 = arith.mulf %get3A_1367, %broadcast_in_dim3A_1309 : vector<16xf32>
        %swap3A_1369 = arith.index_cast %add3A_1313 : i32 to index
        %swap3A_1370 = arith.constant 80 : index
        %swap3A_1371 = tpu.vector_load %arg10[%swap3A_1369, %swap3A_1370] {strides = array<i32>} : memref<128x160xf32, #tpu.memory_space<vmem>>, vector<1x16xf32>,
        %swap3A_1372 = vector.shape_cast %swap3A_1371 : vector<1x16xf32> to vector<16xf32>
        %swap3A_1373 = vector.shape_cast %mul3A_1368 : vector<16xf32> to vector<1x16xf32>
        tpu.vector_store %arg10[%swap3A_1369, %swap3A_1370], %swap3A_1373 {strides = array<i32>} : memref<128x160xf32, #tpu.memory_space<vmem>>, vector<1x16xf32>,
        %get3A_1374 = arith.index_cast %add3A_1313 : i32 to index
        %get3A_1375 = arith.constant 96 : index
        %get3A_1376 = tpu.vector_load %arg10[%get3A_1374, %get3A_1375] {strides = array<i32>} : memref<128x160xf32, #tpu.memory_space<vmem>>, vector<1x16xf32>,
        %get3A_1377 = vector.shape_cast %get3A_1376 : vector<1x16xf32> to vector<16xf32>
        %mul3A_1378 = arith.mulf %get3A_1377, %broadcast_in_dim3A_1309 : vector<16xf32>
        %swap3A_1379 = arith.index_cast %add3A_1313 : i32 to index
        %swap3A_1380 = arith.constant 96 : index
        %swap3A_1381 = tpu.vector_load %arg10[%swap3A_1379, %swap3A_1380] {strides = array<i32>} : memref<128x160xf32, #tpu.memory_space<vmem>>, vector<1x16xf32>,
        %swap3A_1382 = vector.shape_cast %swap3A_1381 : vector<1x16xf32> to vector<16xf32>
        %swap3A_1383 = vector.shape_cast %mul3A_1378 : vector<16xf32> to vector<1x16xf32>
        tpu.vector_store %arg10[%swap3A_1379, %swap3A_1380], %swap3A_1383 {strides = array<i32>} : memref<128x160xf32, #tpu.memory_space<vmem>>, vector<1x16xf32>,
        %get3A_1384 = arith.index_cast %add3A_1313 : i32 to index
        %get3A_1385 = arith.constant 112 : index
        %get3A_1386 = tpu.vector_load %arg10[%get3A_1384, %get3A_1385] {strides = array<i32>} : memref<128x160xf32, #tpu.memory_space<vmem>>, vector<1x16xf32>,
        %get3A_1387 = vector.shape_cast %get3A_1386 : vector<1x16xf32> to vector<16xf32>
        %mul3A_1388 = arith.mulf %get3A_1387, %broadcast_in_dim3A_1309 : vector<16xf32>
        %swap3A_1389 = arith.index_cast %add3A_1313 : i32 to index
        %swap3A_1390 = arith.constant 112 : index
        %swap3A_1391 = tpu.vector_load %arg10[%swap3A_1389, %swap3A_1390] {strides = array<i32>} : memref<128x160xf32, #tpu.memory_space<vmem>>, vector<1x16xf32>,
        %swap3A_1392 = vector.shape_cast %swap3A_1391 : vector<1x16xf32> to vector<16xf32>
        %swap3A_1393 = vector.shape_cast %mul3A_1388 : vector<16xf32> to vector<1x16xf32>
        tpu.vector_store %arg10[%swap3A_1389, %swap3A_1390], %swap3A_1393 {strides = array<i32>} : memref<128x160xf32, #tpu.memory_space<vmem>>, vector<1x16xf32>,
        %get3A_1394 = arith.index_cast %add3A_1313 : i32 to index
        %get3A_1395 = arith.constant 128 : index
        %get3A_1396 = tpu.vector_load %arg10[%get3A_1394, %get3A_1395] {strides = array<i32>} : memref<128x160xf32, #tpu.memory_space<vmem>>, vector<1x16xf32>,
        %get3A_1397 = vector.shape_cast %get3A_1396 : vector<1x16xf32> to vector<16xf32>
        %mul3A_1398 = arith.mulf %get3A_1397, %broadcast_in_dim3A_1309 : vector<16xf32>
        %swap3A_1399 = arith.index_cast %add3A_1313 : i32 to index
        %swap3A_1400 = arith.constant 128 : index
        %swap3A_1401 = tpu.vector_load %arg10[%swap3A_1399, %swap3A_1400] {strides = array<i32>} : memref<128x160xf32, #tpu.memory_space<vmem>>, vector<1x16xf32>,
        %swap3A_1402 = vector.shape_cast %swap3A_1401 : vector<1x16xf32> to vector<16xf32>
        %swap3A_1403 = vector.shape_cast %mul3A_1398 : vector<16xf32> to vector<1x16xf32>
        tpu.vector_store %arg10[%swap3A_1399, %swap3A_1400], %swap3A_1403 {strides = array<i32>} : memref<128x160xf32, #tpu.memory_space<vmem>>, vector<1x16xf32>,
        %get3A_1404 = arith.index_cast %add3A_1313 : i32 to index
        %get3A_1405 = arith.constant 144 : index
        %get3A_1406 = tpu.vector_load %arg10[%get3A_1404, %get3A_1405] {strides = array<i32>} : memref<128x160xf32, #tpu.memory_space<vmem>>, vector<1x16xf32>,
        %get3A_1407 = vector.shape_cast %get3A_1406 : vector<1x16xf32> to vector<16xf32>
        %mul3A_1408 = arith.mulf %get3A_1407, %broadcast_in_dim3A_1309 : vector<16xf32>
        %swap3A_1409 = arith.index_cast %add3A_1313 : i32 to index
        %swap3A_1410 = arith.constant 144 : index
        %swap3A_1411 = tpu.vector_load %arg10[%swap3A_1409, %swap3A_1410] {strides = array<i32>} : memref<128x160xf32, #tpu.memory_space<vmem>>, vector<1x16xf32>,
        %swap3A_1412 = vector.shape_cast %swap3A_1411 : vector<1x16xf32> to vector<16xf32>
        %swap3A_1413 = vector.shape_cast %mul3A_1408 : vector<16xf32> to vector<1x16xf32>
        tpu.vector_store %arg10[%swap3A_1409, %swap3A_1410], %swap3A_1413 {strides = array<i32>} : memref<128x160xf32, #tpu.memory_space<vmem>>, vector<1x16xf32>,
        %slice3A_1414 = vector.extract_strided_slice %get3A_133 {offsets = [12], sizes = [1], strides = [1]} : vector<16xf32> to vector<1xf32>
        %squeeze3A_1415 = vector.extract %slice3A_1414[0] : f32 from vector<1xf32>
        %broadcast_in_dim3A_1416 = vector.broadcast %squeeze3A_1415 : f32 to vector<16xf32>
        %mul3A_1417 = arith.constant 16 : i32
        %mul3A_1418 = arith.muli %scan3A_127, %mul3A_1417 : i32
        %add3A_1419 = arith.constant 12 : i32
        %add3A_1420 = arith.addi %mul3A_1418, %add3A_1419 : i32
        %get3A_1421 = arith.index_cast %add3A_1420 : i32 to index
        %get3A_1422 = arith.constant 0 : index
        %get3A_1423 = tpu.vector_load %arg10[%get3A_1421, %get3A_1422] {strides = array<i32>} : memref<128x160xf32, #tpu.memory_space<vmem>>, vector<1x16xf32>,
        %get3A_1424 = vector.shape_cast %get3A_1423 : vector<1x16xf32> to vector<16xf32>
        %mul3A_1425 = arith.mulf %get3A_1424, %broadcast_in_dim3A_1416 : vector<16xf32>
        %swap3A_1426 = arith.index_cast %add3A_1420 : i32 to index
        %swap3A_1427 = arith.constant 0 : index
        %swap3A_1428 = tpu.vector_load %arg10[%swap3A_1426, %swap3A_1427] {strides = array<i32>} : memref<128x160xf32, #tpu.memory_space<vmem>>, vector<1x16xf32>,
        %swap3A_1429 = vector.shape_cast %swap3A_1428 : vector<1x16xf32> to vector<16xf32>
        %swap3A_1430 = vector.shape_cast %mul3A_1425 : vector<16xf32> to vector<1x16xf32>
        tpu.vector_store %arg10[%swap3A_1426, %swap3A_1427], %swap3A_1430 {strides = array<i32>} : memref<128x160xf32, #tpu.memory_space<vmem>>, vector<1x16xf32>,
        %get3A_1431 = arith.index_cast %add3A_1420 : i32 to index
        %get3A_1432 = arith.constant 16 : index
        %get3A_1433 = tpu.vector_load %arg10[%get3A_1431, %get3A_1432] {strides = array<i32>} : memref<128x160xf32, #tpu.memory_space<vmem>>, vector<1x16xf32>,
        %get3A_1434 = vector.shape_cast %get3A_1433 : vector<1x16xf32> to vector<16xf32>
        %mul3A_1435 = arith.mulf %get3A_1434, %broadcast_in_dim3A_1416 : vector<16xf32>
        %swap3A_1436 = arith.index_cast %add3A_1420 : i32 to index
        %swap3A_1437 = arith.constant 16 : index
        %swap3A_1438 = tpu.vector_load %arg10[%swap3A_1436, %swap3A_1437] {strides = array<i32>} : memref<128x160xf32, #tpu.memory_space<vmem>>, vector<1x16xf32>,
        %swap3A_1439 = vector.shape_cast %swap3A_1438 : vector<1x16xf32> to vector<16xf32>
        %swap3A_1440 = vector.shape_cast %mul3A_1435 : vector<16xf32> to vector<1x16xf32>
        tpu.vector_store %arg10[%swap3A_1436, %swap3A_1437], %swap3A_1440 {strides = array<i32>} : memref<128x160xf32, #tpu.memory_space<vmem>>, vector<1x16xf32>,
        %get3A_1441 = arith.index_cast %add3A_1420 : i32 to index
        %get3A_1442 = arith.constant 32 : index
        %get3A_1443 = tpu.vector_load %arg10[%get3A_1441, %get3A_1442] {strides = array<i32>} : memref<128x160xf32, #tpu.memory_space<vmem>>, vector<1x16xf32>,
        %get3A_1444 = vector.shape_cast %get3A_1443 : vector<1x16xf32> to vector<16xf32>
        %mul3A_1445 = arith.mulf %get3A_1444, %broadcast_in_dim3A_1416 : vector<16xf32>
        %swap3A_1446 = arith.index_cast %add3A_1420 : i32 to index
        %swap3A_1447 = arith.constant 32 : index
        %swap3A_1448 = tpu.vector_load %arg10[%swap3A_1446, %swap3A_1447] {strides = array<i32>} : memref<128x160xf32, #tpu.memory_space<vmem>>, vector<1x16xf32>,
        %swap3A_1449 = vector.shape_cast %swap3A_1448 : vector<1x16xf32> to vector<16xf32>
        %swap3A_1450 = vector.shape_cast %mul3A_1445 : vector<16xf32> to vector<1x16xf32>
        tpu.vector_store %arg10[%swap3A_1446, %swap3A_1447], %swap3A_1450 {strides = array<i32>} : memref<128x160xf32, #tpu.memory_space<vmem>>, vector<1x16xf32>,
        %get3A_1451 = arith.index_cast %add3A_1420 : i32 to index
        %get3A_1452 = arith.constant 48 : index
        %get3A_1453 = tpu.vector_load %arg10[%get3A_1451, %get3A_1452] {strides = array<i32>} : memref<128x160xf32, #tpu.memory_space<vmem>>, vector<1x16xf32>,
        %get3A_1454 = vector.shape_cast %get3A_1453 : vector<1x16xf32> to vector<16xf32>
        %mul3A_1455 = arith.mulf %get3A_1454, %broadcast_in_dim3A_1416 : vector<16xf32>
        %swap3A_1456 = arith.index_cast %add3A_1420 : i32 to index
        %swap3A_1457 = arith.constant 48 : index
        %swap3A_1458 = tpu.vector_load %arg10[%swap3A_1456, %swap3A_1457] {strides = array<i32>} : memref<128x160xf32, #tpu.memory_space<vmem>>, vector<1x16xf32>,
        %swap3A_1459 = vector.shape_cast %swap3A_1458 : vector<1x16xf32> to vector<16xf32>
        %swap3A_1460 = vector.shape_cast %mul3A_1455 : vector<16xf32> to vector<1x16xf32>
        tpu.vector_store %arg10[%swap3A_1456, %swap3A_1457], %swap3A_1460 {strides = array<i32>} : memref<128x160xf32, #tpu.memory_space<vmem>>, vector<1x16xf32>,
        %get3A_1461 = arith.index_cast %add3A_1420 : i32 to index
        %get3A_1462 = arith.constant 64 : index
        %get3A_1463 = tpu.vector_load %arg10[%get3A_1461, %get3A_1462] {strides = array<i32>} : memref<128x160xf32, #tpu.memory_space<vmem>>, vector<1x16xf32>,
        %get3A_1464 = vector.shape_cast %get3A_1463 : vector<1x16xf32> to vector<16xf32>
        %mul3A_1465 = arith.mulf %get3A_1464, %broadcast_in_dim3A_1416 : vector<16xf32>
        %swap3A_1466 = arith.index_cast %add3A_1420 : i32 to index
        %swap3A_1467 = arith.constant 64 : index
        %swap3A_1468 = tpu.vector_load %arg10[%swap3A_1466, %swap3A_1467] {strides = array<i32>} : memref<128x160xf32, #tpu.memory_space<vmem>>, vector<1x16xf32>,
        %swap3A_1469 = vector.shape_cast %swap3A_1468 : vector<1x16xf32> to vector<16xf32>
        %swap3A_1470 = vector.shape_cast %mul3A_1465 : vector<16xf32> to vector<1x16xf32>
        tpu.vector_store %arg10[%swap3A_1466, %swap3A_1467], %swap3A_1470 {strides = array<i32>} : memref<128x160xf32, #tpu.memory_space<vmem>>, vector<1x16xf32>,
        %get3A_1471 = arith.index_cast %add3A_1420 : i32 to index
        %get3A_1472 = arith.constant 80 : index
        %get3A_1473 = tpu.vector_load %arg10[%get3A_1471, %get3A_1472] {strides = array<i32>} : memref<128x160xf32, #tpu.memory_space<vmem>>, vector<1x16xf32>,
        %get3A_1474 = vector.shape_cast %get3A_1473 : vector<1x16xf32> to vector<16xf32>
        %mul3A_1475 = arith.mulf %get3A_1474, %broadcast_in_dim3A_1416 : vector<16xf32>
        %swap3A_1476 = arith.index_cast %add3A_1420 : i32 to index
        %swap3A_1477 = arith.constant 80 : index
        %swap3A_1478 = tpu.vector_load %arg10[%swap3A_1476, %swap3A_1477] {strides = array<i32>} : memref<128x160xf32, #tpu.memory_space<vmem>>, vector<1x16xf32>,
        %swap3A_1479 = vector.shape_cast %swap3A_1478 : vector<1x16xf32> to vector<16xf32>
        %swap3A_1480 = vector.shape_cast %mul3A_1475 : vector<16xf32> to vector<1x16xf32>
        tpu.vector_store %arg10[%swap3A_1476, %swap3A_1477], %swap3A_1480 {strides = array<i32>} : memref<128x160xf32, #tpu.memory_space<vmem>>, vector<1x16xf32>,
        %get3A_1481 = arith.index_cast %add3A_1420 : i32 to index
        %get3A_1482 = arith.constant 96 : index
        %get3A_1483 = tpu.vector_load %arg10[%get3A_1481, %get3A_1482] {strides = array<i32>} : memref<128x160xf32, #tpu.memory_space<vmem>>, vector<1x16xf32>,
        %get3A_1484 = vector.shape_cast %get3A_1483 : vector<1x16xf32> to vector<16xf32>
        %mul3A_1485 = arith.mulf %get3A_1484, %broadcast_in_dim3A_1416 : vector<16xf32>
        %swap3A_1486 = arith.index_cast %add3A_1420 : i32 to index
        %swap3A_1487 = arith.constant 96 : index
        %swap3A_1488 = tpu.vector_load %arg10[%swap3A_1486, %swap3A_1487] {strides = array<i32>} : memref<128x160xf32, #tpu.memory_space<vmem>>, vector<1x16xf32>,
        %swap3A_1489 = vector.shape_cast %swap3A_1488 : vector<1x16xf32> to vector<16xf32>
        %swap3A_1490 = vector.shape_cast %mul3A_1485 : vector<16xf32> to vector<1x16xf32>
        tpu.vector_store %arg10[%swap3A_1486, %swap3A_1487], %swap3A_1490 {strides = array<i32>} : memref<128x160xf32, #tpu.memory_space<vmem>>, vector<1x16xf32>,
        %get3A_1491 = arith.index_cast %add3A_1420 : i32 to index
        %get3A_1492 = arith.constant 112 : index
        %get3A_1493 = tpu.vector_load %arg10[%get3A_1491, %get3A_1492] {strides = array<i32>} : memref<128x160xf32, #tpu.memory_space<vmem>>, vector<1x16xf32>,
        %get3A_1494 = vector.shape_cast %get3A_1493 : vector<1x16xf32> to vector<16xf32>
        %mul3A_1495 = arith.mulf %get3A_1494, %broadcast_in_dim3A_1416 : vector<16xf32>
        %swap3A_1496 = arith.index_cast %add3A_1420 : i32 to index
        %swap3A_1497 = arith.constant 112 : index
        %swap3A_1498 = tpu.vector_load %arg10[%swap3A_1496, %swap3A_1497] {strides = array<i32>} : memref<128x160xf32, #tpu.memory_space<vmem>>, vector<1x16xf32>,
        %swap3A_1499 = vector.shape_cast %swap3A_1498 : vector<1x16xf32> to vector<16xf32>
        %swap3A_1500 = vector.shape_cast %mul3A_1495 : vector<16xf32> to vector<1x16xf32>
        tpu.vector_store %arg10[%swap3A_1496, %swap3A_1497], %swap3A_1500 {strides = array<i32>} : memref<128x160xf32, #tpu.memory_space<vmem>>, vector<1x16xf32>,
        %get3A_1501 = arith.index_cast %add3A_1420 : i32 to index
        %get3A_1502 = arith.constant 128 : index
        %get3A_1503 = tpu.vector_load %arg10[%get3A_1501, %get3A_1502] {strides = array<i32>} : memref<128x160xf32, #tpu.memory_space<vmem>>, vector<1x16xf32>,
        %get3A_1504 = vector.shape_cast %get3A_1503 : vector<1x16xf32> to vector<16xf32>
        %mul3A_1505 = arith.mulf %get3A_1504, %broadcast_in_dim3A_1416 : vector<16xf32>
        %swap3A_1506 = arith.index_cast %add3A_1420 : i32 to index
        %swap3A_1507 = arith.constant 128 : index
        %swap3A_1508 = tpu.vector_load %arg10[%swap3A_1506, %swap3A_1507] {strides = array<i32>} : memref<128x160xf32, #tpu.memory_space<vmem>>, vector<1x16xf32>,
        %swap3A_1509 = vector.shape_cast %swap3A_1508 : vector<1x16xf32> to vector<16xf32>
        %swap3A_1510 = vector.shape_cast %mul3A_1505 : vector<16xf32> to vector<1x16xf32>
        tpu.vector_store %arg10[%swap3A_1506, %swap3A_1507], %swap3A_1510 {strides = array<i32>} : memref<128x160xf32, #tpu.memory_space<vmem>>, vector<1x16xf32>,
        %get3A_1511 = arith.index_cast %add3A_1420 : i32 to index
        %get3A_1512 = arith.constant 144 : index
        %get3A_1513 = tpu.vector_load %arg10[%get3A_1511, %get3A_1512] {strides = array<i32>} : memref<128x160xf32, #tpu.memory_space<vmem>>, vector<1x16xf32>,
        %get3A_1514 = vector.shape_cast %get3A_1513 : vector<1x16xf32> to vector<16xf32>
        %mul3A_1515 = arith.mulf %get3A_1514, %broadcast_in_dim3A_1416 : vector<16xf32>
        %swap3A_1516 = arith.index_cast %add3A_1420 : i32 to index
        %swap3A_1517 = arith.constant 144 : index
        %swap3A_1518 = tpu.vector_load %arg10[%swap3A_1516, %swap3A_1517] {strides = array<i32>} : memref<128x160xf32, #tpu.memory_space<vmem>>, vector<1x16xf32>,
        %swap3A_1519 = vector.shape_cast %swap3A_1518 : vector<1x16xf32> to vector<16xf32>
        %swap3A_1520 = vector.shape_cast %mul3A_1515 : vector<16xf32> to vector<1x16xf32>
        tpu.vector_store %arg10[%swap3A_1516, %swap3A_1517], %swap3A_1520 {strides = array<i32>} : memref<128x160xf32, #tpu.memory_space<vmem>>, vector<1x16xf32>,
        %slice3A_1521 = vector.extract_strided_slice %get3A_133 {offsets = [13], sizes = [1], strides = [1]} : vector<16xf32> to vector<1xf32>
        %squeeze3A_1522 = vector.extract %slice3A_1521[0] : f32 from vector<1xf32>
        %broadcast_in_dim3A_1523 = vector.broadcast %squeeze3A_1522 : f32 to vector<16xf32>
        %mul3A_1524 = arith.constant 16 : i32
        %mul3A_1525 = arith.muli %scan3A_127, %mul3A_1524 : i32
        %add3A_1526 = arith.constant 13 : i32
        %add3A_1527 = arith.addi %mul3A_1525, %add3A_1526 : i32
        %get3A_1528 = arith.index_cast %add3A_1527 : i32 to index
        %get3A_1529 = arith.constant 0 : index
        %get3A_1530 = tpu.vector_load %arg10[%get3A_1528, %get3A_1529] {strides = array<i32>} : memref<128x160xf32, #tpu.memory_space<vmem>>, vector<1x16xf32>,
        %get3A_1531 = vector.shape_cast %get3A_1530 : vector<1x16xf32> to vector<16xf32>
        %mul3A_1532 = arith.mulf %get3A_1531, %broadcast_in_dim3A_1523 : vector<16xf32>
        %swap3A_1533 = arith.index_cast %add3A_1527 : i32 to index
        %swap3A_1534 = arith.constant 0 : index
        %swap3A_1535 = tpu.vector_load %arg10[%swap3A_1533, %swap3A_1534] {strides = array<i32>} : memref<128x160xf32, #tpu.memory_space<vmem>>, vector<1x16xf32>,
        %swap3A_1536 = vector.shape_cast %swap3A_1535 : vector<1x16xf32> to vector<16xf32>
        %swap3A_1537 = vector.shape_cast %mul3A_1532 : vector<16xf32> to vector<1x16xf32>
        tpu.vector_store %arg10[%swap3A_1533, %swap3A_1534], %swap3A_1537 {strides = array<i32>} : memref<128x160xf32, #tpu.memory_space<vmem>>, vector<1x16xf32>,
        %get3A_1538 = arith.index_cast %add3A_1527 : i32 to index
        %get3A_1539 = arith.constant 16 : index
        %get3A_1540 = tpu.vector_load %arg10[%get3A_1538, %get3A_1539] {strides = array<i32>} : memref<128x160xf32, #tpu.memory_space<vmem>>, vector<1x16xf32>,
        %get3A_1541 = vector.shape_cast %get3A_1540 : vector<1x16xf32> to vector<16xf32>
        %mul3A_1542 = arith.mulf %get3A_1541, %broadcast_in_dim3A_1523 : vector<16xf32>
        %swap3A_1543 = arith.index_cast %add3A_1527 : i32 to index
        %swap3A_1544 = arith.constant 16 : index
        %swap3A_1545 = tpu.vector_load %arg10[%swap3A_1543, %swap3A_1544] {strides = array<i32>} : memref<128x160xf32, #tpu.memory_space<vmem>>, vector<1x16xf32>,
        %swap3A_1546 = vector.shape_cast %swap3A_1545 : vector<1x16xf32> to vector<16xf32>
        %swap3A_1547 = vector.shape_cast %mul3A_1542 : vector<16xf32> to vector<1x16xf32>
        tpu.vector_store %arg10[%swap3A_1543, %swap3A_1544], %swap3A_1547 {strides = array<i32>} : memref<128x160xf32, #tpu.memory_space<vmem>>, vector<1x16xf32>,
        %get3A_1548 = arith.index_cast %add3A_1527 : i32 to index
        %get3A_1549 = arith.constant 32 : index
        %get3A_1550 = tpu.vector_load %arg10[%get3A_1548, %get3A_1549] {strides = array<i32>} : memref<128x160xf32, #tpu.memory_space<vmem>>, vector<1x16xf32>,
        %get3A_1551 = vector.shape_cast %get3A_1550 : vector<1x16xf32> to vector<16xf32>
        %mul3A_1552 = arith.mulf %get3A_1551, %broadcast_in_dim3A_1523 : vector<16xf32>
        %swap3A_1553 = arith.index_cast %add3A_1527 : i32 to index
        %swap3A_1554 = arith.constant 32 : index
        %swap3A_1555 = tpu.vector_load %arg10[%swap3A_1553, %swap3A_1554] {strides = array<i32>} : memref<128x160xf32, #tpu.memory_space<vmem>>, vector<1x16xf32>,
        %swap3A_1556 = vector.shape_cast %swap3A_1555 : vector<1x16xf32> to vector<16xf32>
        %swap3A_1557 = vector.shape_cast %mul3A_1552 : vector<16xf32> to vector<1x16xf32>
        tpu.vector_store %arg10[%swap3A_1553, %swap3A_1554], %swap3A_1557 {strides = array<i32>} : memref<128x160xf32, #tpu.memory_space<vmem>>, vector<1x16xf32>,
        %get3A_1558 = arith.index_cast %add3A_1527 : i32 to index
        %get3A_1559 = arith.constant 48 : index
        %get3A_1560 = tpu.vector_load %arg10[%get3A_1558, %get3A_1559] {strides = array<i32>} : memref<128x160xf32, #tpu.memory_space<vmem>>, vector<1x16xf32>,
        %get3A_1561 = vector.shape_cast %get3A_1560 : vector<1x16xf32> to vector<16xf32>
        %mul3A_1562 = arith.mulf %get3A_1561, %broadcast_in_dim3A_1523 : vector<16xf32>
        %swap3A_1563 = arith.index_cast %add3A_1527 : i32 to index
        %swap3A_1564 = arith.constant 48 : index
        %swap3A_1565 = tpu.vector_load %arg10[%swap3A_1563, %swap3A_1564] {strides = array<i32>} : memref<128x160xf32, #tpu.memory_space<vmem>>, vector<1x16xf32>,
        %swap3A_1566 = vector.shape_cast %swap3A_1565 : vector<1x16xf32> to vector<16xf32>
        %swap3A_1567 = vector.shape_cast %mul3A_1562 : vector<16xf32> to vector<1x16xf32>
        tpu.vector_store %arg10[%swap3A_1563, %swap3A_1564], %swap3A_1567 {strides = array<i32>} : memref<128x160xf32, #tpu.memory_space<vmem>>, vector<1x16xf32>,
        %get3A_1568 = arith.index_cast %add3A_1527 : i32 to index
        %get3A_1569 = arith.constant 64 : index
        %get3A_1570 = tpu.vector_load %arg10[%get3A_1568, %get3A_1569] {strides = array<i32>} : memref<128x160xf32, #tpu.memory_space<vmem>>, vector<1x16xf32>,
        %get3A_1571 = vector.shape_cast %get3A_1570 : vector<1x16xf32> to vector<16xf32>
        %mul3A_1572 = arith.mulf %get3A_1571, %broadcast_in_dim3A_1523 : vector<16xf32>
        %swap3A_1573 = arith.index_cast %add3A_1527 : i32 to index
        %swap3A_1574 = arith.constant 64 : index
        %swap3A_1575 = tpu.vector_load %arg10[%swap3A_1573, %swap3A_1574] {strides = array<i32>} : memref<128x160xf32, #tpu.memory_space<vmem>>, vector<1x16xf32>,
        %swap3A_1576 = vector.shape_cast %swap3A_1575 : vector<1x16xf32> to vector<16xf32>
        %swap3A_1577 = vector.shape_cast %mul3A_1572 : vector<16xf32> to vector<1x16xf32>
        tpu.vector_store %arg10[%swap3A_1573, %swap3A_1574], %swap3A_1577 {strides = array<i32>} : memref<128x160xf32, #tpu.memory_space<vmem>>, vector<1x16xf32>,
        %get3A_1578 = arith.index_cast %add3A_1527 : i32 to index
        %get3A_1579 = arith.constant 80 : index
        %get3A_1580 = tpu.vector_load %arg10[%get3A_1578, %get3A_1579] {strides = array<i32>} : memref<128x160xf32, #tpu.memory_space<vmem>>, vector<1x16xf32>,
        %get3A_1581 = vector.shape_cast %get3A_1580 : vector<1x16xf32> to vector<16xf32>
        %mul3A_1582 = arith.mulf %get3A_1581, %broadcast_in_dim3A_1523 : vector<16xf32>
        %swap3A_1583 = arith.index_cast %add3A_1527 : i32 to index
        %swap3A_1584 = arith.constant 80 : index
        %swap3A_1585 = tpu.vector_load %arg10[%swap3A_1583, %swap3A_1584] {strides = array<i32>} : memref<128x160xf32, #tpu.memory_space<vmem>>, vector<1x16xf32>,
        %swap3A_1586 = vector.shape_cast %swap3A_1585 : vector<1x16xf32> to vector<16xf32>
        %swap3A_1587 = vector.shape_cast %mul3A_1582 : vector<16xf32> to vector<1x16xf32>
        tpu.vector_store %arg10[%swap3A_1583, %swap3A_1584], %swap3A_1587 {strides = array<i32>} : memref<128x160xf32, #tpu.memory_space<vmem>>, vector<1x16xf32>,
        %get3A_1588 = arith.index_cast %add3A_1527 : i32 to index
        %get3A_1589 = arith.constant 96 : index
        %get3A_1590 = tpu.vector_load %arg10[%get3A_1588, %get3A_1589] {strides = array<i32>} : memref<128x160xf32, #tpu.memory_space<vmem>>, vector<1x16xf32>,
        %get3A_1591 = vector.shape_cast %get3A_1590 : vector<1x16xf32> to vector<16xf32>
        %mul3A_1592 = arith.mulf %get3A_1591, %broadcast_in_dim3A_1523 : vector<16xf32>
        %swap3A_1593 = arith.index_cast %add3A_1527 : i32 to index
        %swap3A_1594 = arith.constant 96 : index
        %swap3A_1595 = tpu.vector_load %arg10[%swap3A_1593, %swap3A_1594] {strides = array<i32>} : memref<128x160xf32, #tpu.memory_space<vmem>>, vector<1x16xf32>,
        %swap3A_1596 = vector.shape_cast %swap3A_1595 : vector<1x16xf32> to vector<16xf32>
        %swap3A_1597 = vector.shape_cast %mul3A_1592 : vector<16xf32> to vector<1x16xf32>
        tpu.vector_store %arg10[%swap3A_1593, %swap3A_1594], %swap3A_1597 {strides = array<i32>} : memref<128x160xf32, #tpu.memory_space<vmem>>, vector<1x16xf32>,
        %get3A_1598 = arith.index_cast %add3A_1527 : i32 to index
        %get3A_1599 = arith.constant 112 : index
        %get3A_1600 = tpu.vector_load %arg10[%get3A_1598, %get3A_1599] {strides = array<i32>} : memref<128x160xf32, #tpu.memory_space<vmem>>, vector<1x16xf32>,
        %get3A_1601 = vector.shape_cast %get3A_1600 : vector<1x16xf32> to vector<16xf32>
        %mul3A_1602 = arith.mulf %get3A_1601, %broadcast_in_dim3A_1523 : vector<16xf32>
        %swap3A_1603 = arith.index_cast %add3A_1527 : i32 to index
        %swap3A_1604 = arith.constant 112 : index
        %swap3A_1605 = tpu.vector_load %arg10[%swap3A_1603, %swap3A_1604] {strides = array<i32>} : memref<128x160xf32, #tpu.memory_space<vmem>>, vector<1x16xf32>,
        %swap3A_1606 = vector.shape_cast %swap3A_1605 : vector<1x16xf32> to vector<16xf32>
        %swap3A_1607 = vector.shape_cast %mul3A_1602 : vector<16xf32> to vector<1x16xf32>
        tpu.vector_store %arg10[%swap3A_1603, %swap3A_1604], %swap3A_1607 {strides = array<i32>} : memref<128x160xf32, #tpu.memory_space<vmem>>, vector<1x16xf32>,
        %get3A_1608 = arith.index_cast %add3A_1527 : i32 to index
        %get3A_1609 = arith.constant 128 : index
        %get3A_1610 = tpu.vector_load %arg10[%get3A_1608, %get3A_1609] {strides = array<i32>} : memref<128x160xf32, #tpu.memory_space<vmem>>, vector<1x16xf32>,
        %get3A_1611 = vector.shape_cast %get3A_1610 : vector<1x16xf32> to vector<16xf32>
        %mul3A_1612 = arith.mulf %get3A_1611, %broadcast_in_dim3A_1523 : vector<16xf32>
        %swap3A_1613 = arith.index_cast %add3A_1527 : i32 to index
        %swap3A_1614 = arith.constant 128 : index
        %swap3A_1615 = tpu.vector_load %arg10[%swap3A_1613, %swap3A_1614] {strides = array<i32>} : memref<128x160xf32, #tpu.memory_space<vmem>>, vector<1x16xf32>,
        %swap3A_1616 = vector.shape_cast %swap3A_1615 : vector<1x16xf32> to vector<16xf32>
        %swap3A_1617 = vector.shape_cast %mul3A_1612 : vector<16xf32> to vector<1x16xf32>
        tpu.vector_store %arg10[%swap3A_1613, %swap3A_1614], %swap3A_1617 {strides = array<i32>} : memref<128x160xf32, #tpu.memory_space<vmem>>, vector<1x16xf32>,
        %get3A_1618 = arith.index_cast %add3A_1527 : i32 to index
        %get3A_1619 = arith.constant 144 : index
        %get3A_1620 = tpu.vector_load %arg10[%get3A_1618, %get3A_1619] {strides = array<i32>} : memref<128x160xf32, #tpu.memory_space<vmem>>, vector<1x16xf32>,
        %get3A_1621 = vector.shape_cast %get3A_1620 : vector<1x16xf32> to vector<16xf32>
        %mul3A_1622 = arith.mulf %get3A_1621, %broadcast_in_dim3A_1523 : vector<16xf32>
        %swap3A_1623 = arith.index_cast %add3A_1527 : i32 to index
        %swap3A_1624 = arith.constant 144 : index
        %swap3A_1625 = tpu.vector_load %arg10[%swap3A_1623, %swap3A_1624] {strides = array<i32>} : memref<128x160xf32, #tpu.memory_space<vmem>>, vector<1x16xf32>,
        %swap3A_1626 = vector.shape_cast %swap3A_1625 : vector<1x16xf32> to vector<16xf32>
        %swap3A_1627 = vector.shape_cast %mul3A_1622 : vector<16xf32> to vector<1x16xf32>
        tpu.vector_store %arg10[%swap3A_1623, %swap3A_1624], %swap3A_1627 {strides = array<i32>} : memref<128x160xf32, #tpu.memory_space<vmem>>, vector<1x16xf32>,
        %slice3A_1628 = vector.extract_strided_slice %get3A_133 {offsets = [14], sizes = [1], strides = [1]} : vector<16xf32> to vector<1xf32>
        %squeeze3A_1629 = vector.extract %slice3A_1628[0] : f32 from vector<1xf32>
        %broadcast_in_dim3A_1630 = vector.broadcast %squeeze3A_1629 : f32 to vector<16xf32>
        %mul3A_1631 = arith.constant 16 : i32
        %mul3A_1632 = arith.muli %scan3A_127, %mul3A_1631 : i32
        %add3A_1633 = arith.constant 14 : i32
        %add3A_1634 = arith.addi %mul3A_1632, %add3A_1633 : i32
        %get3A_1635 = arith.index_cast %add3A_1634 : i32 to index
        %get3A_1636 = arith.constant 0 : index
        %get3A_1637 = tpu.vector_load %arg10[%get3A_1635, %get3A_1636] {strides = array<i32>} : memref<128x160xf32, #tpu.memory_space<vmem>>, vector<1x16xf32>,
        %get3A_1638 = vector.shape_cast %get3A_1637 : vector<1x16xf32> to vector<16xf32>
        %mul3A_1639 = arith.mulf %get3A_1638, %broadcast_in_dim3A_1630 : vector<16xf32>
        %swap3A_1640 = arith.index_cast %add3A_1634 : i32 to index
        %swap3A_1641 = arith.constant 0 : index
        %swap3A_1642 = tpu.vector_load %arg10[%swap3A_1640, %swap3A_1641] {strides = array<i32>} : memref<128x160xf32, #tpu.memory_space<vmem>>, vector<1x16xf32>,
        %swap3A_1643 = vector.shape_cast %swap3A_1642 : vector<1x16xf32> to vector<16xf32>
        %swap3A_1644 = vector.shape_cast %mul3A_1639 : vector<16xf32> to vector<1x16xf32>
        tpu.vector_store %arg10[%swap3A_1640, %swap3A_1641], %swap3A_1644 {strides = array<i32>} : memref<128x160xf32, #tpu.memory_space<vmem>>, vector<1x16xf32>,
        %get3A_1645 = arith.index_cast %add3A_1634 : i32 to index
        %get3A_1646 = arith.constant 16 : index
        %get3A_1647 = tpu.vector_load %arg10[%get3A_1645, %get3A_1646] {strides = array<i32>} : memref<128x160xf32, #tpu.memory_space<vmem>>, vector<1x16xf32>,
        %get3A_1648 = vector.shape_cast %get3A_1647 : vector<1x16xf32> to vector<16xf32>
        %mul3A_1649 = arith.mulf %get3A_1648, %broadcast_in_dim3A_1630 : vector<16xf32>
        %swap3A_1650 = arith.index_cast %add3A_1634 : i32 to index
        %swap3A_1651 = arith.constant 16 : index
        %swap3A_1652 = tpu.vector_load %arg10[%swap3A_1650, %swap3A_1651] {strides = array<i32>} : memref<128x160xf32, #tpu.memory_space<vmem>>, vector<1x16xf32>,
        %swap3A_1653 = vector.shape_cast %swap3A_1652 : vector<1x16xf32> to vector<16xf32>
        %swap3A_1654 = vector.shape_cast %mul3A_1649 : vector<16xf32> to vector<1x16xf32>
        tpu.vector_store %arg10[%swap3A_1650, %swap3A_1651], %swap3A_1654 {strides = array<i32>} : memref<128x160xf32, #tpu.memory_space<vmem>>, vector<1x16xf32>,
        %get3A_1655 = arith.index_cast %add3A_1634 : i32 to index
        %get3A_1656 = arith.constant 32 : index
        %get3A_1657 = tpu.vector_load %arg10[%get3A_1655, %get3A_1656] {strides = array<i32>} : memref<128x160xf32, #tpu.memory_space<vmem>>, vector<1x16xf32>,
        %get3A_1658 = vector.shape_cast %get3A_1657 : vector<1x16xf32> to vector<16xf32>
        %mul3A_1659 = arith.mulf %get3A_1658, %broadcast_in_dim3A_1630 : vector<16xf32>
        %swap3A_1660 = arith.index_cast %add3A_1634 : i32 to index
        %swap3A_1661 = arith.constant 32 : index
        %swap3A_1662 = tpu.vector_load %arg10[%swap3A_1660, %swap3A_1661] {strides = array<i32>} : memref<128x160xf32, #tpu.memory_space<vmem>>, vector<1x16xf32>,
        %swap3A_1663 = vector.shape_cast %swap3A_1662 : vector<1x16xf32> to vector<16xf32>
        %swap3A_1664 = vector.shape_cast %mul3A_1659 : vector<16xf32> to vector<1x16xf32>
        tpu.vector_store %arg10[%swap3A_1660, %swap3A_1661], %swap3A_1664 {strides = array<i32>} : memref<128x160xf32, #tpu.memory_space<vmem>>, vector<1x16xf32>,
        %get3A_1665 = arith.index_cast %add3A_1634 : i32 to index
        %get3A_1666 = arith.constant 48 : index
        %get3A_1667 = tpu.vector_load %arg10[%get3A_1665, %get3A_1666] {strides = array<i32>} : memref<128x160xf32, #tpu.memory_space<vmem>>, vector<1x16xf32>,
        %get3A_1668 = vector.shape_cast %get3A_1667 : vector<1x16xf32> to vector<16xf32>
        %mul3A_1669 = arith.mulf %get3A_1668, %broadcast_in_dim3A_1630 : vector<16xf32>
        %swap3A_1670 = arith.index_cast %add3A_1634 : i32 to index
        %swap3A_1671 = arith.constant 48 : index
        %swap3A_1672 = tpu.vector_load %arg10[%swap3A_1670, %swap3A_1671] {strides = array<i32>} : memref<128x160xf32, #tpu.memory_space<vmem>>, vector<1x16xf32>,
        %swap3A_1673 = vector.shape_cast %swap3A_1672 : vector<1x16xf32> to vector<16xf32>
        %swap3A_1674 = vector.shape_cast %mul3A_1669 : vector<16xf32> to vector<1x16xf32>
        tpu.vector_store %arg10[%swap3A_1670, %swap3A_1671], %swap3A_1674 {strides = array<i32>} : memref<128x160xf32, #tpu.memory_space<vmem>>, vector<1x16xf32>,
        %get3A_1675 = arith.index_cast %add3A_1634 : i32 to index
        %get3A_1676 = arith.constant 64 : index
        %get3A_1677 = tpu.vector_load %arg10[%get3A_1675, %get3A_1676] {strides = array<i32>} : memref<128x160xf32, #tpu.memory_space<vmem>>, vector<1x16xf32>,
        %get3A_1678 = vector.shape_cast %get3A_1677 : vector<1x16xf32> to vector<16xf32>
        %mul3A_1679 = arith.mulf %get3A_1678, %broadcast_in_dim3A_1630 : vector<16xf32>
        %swap3A_1680 = arith.index_cast %add3A_1634 : i32 to index
        %swap3A_1681 = arith.constant 64 : index
        %swap3A_1682 = tpu.vector_load %arg10[%swap3A_1680, %swap3A_1681] {strides = array<i32>} : memref<128x160xf32, #tpu.memory_space<vmem>>, vector<1x16xf32>,
        %swap3A_1683 = vector.shape_cast %swap3A_1682 : vector<1x16xf32> to vector<16xf32>
        %swap3A_1684 = vector.shape_cast %mul3A_1679 : vector<16xf32> to vector<1x16xf32>
        tpu.vector_store %arg10[%swap3A_1680, %swap3A_1681], %swap3A_1684 {strides = array<i32>} : memref<128x160xf32, #tpu.memory_space<vmem>>, vector<1x16xf32>,
        %get3A_1685 = arith.index_cast %add3A_1634 : i32 to index
        %get3A_1686 = arith.constant 80 : index
        %get3A_1687 = tpu.vector_load %arg10[%get3A_1685, %get3A_1686] {strides = array<i32>} : memref<128x160xf32, #tpu.memory_space<vmem>>, vector<1x16xf32>,
        %get3A_1688 = vector.shape_cast %get3A_1687 : vector<1x16xf32> to vector<16xf32>
        %mul3A_1689 = arith.mulf %get3A_1688, %broadcast_in_dim3A_1630 : vector<16xf32>
        %swap3A_1690 = arith.index_cast %add3A_1634 : i32 to index
        %swap3A_1691 = arith.constant 80 : index
        %swap3A_1692 = tpu.vector_load %arg10[%swap3A_1690, %swap3A_1691] {strides = array<i32>} : memref<128x160xf32, #tpu.memory_space<vmem>>, vector<1x16xf32>,
        %swap3A_1693 = vector.shape_cast %swap3A_1692 : vector<1x16xf32> to vector<16xf32>
        %swap3A_1694 = vector.shape_cast %mul3A_1689 : vector<16xf32> to vector<1x16xf32>
        tpu.vector_store %arg10[%swap3A_1690, %swap3A_1691], %swap3A_1694 {strides = array<i32>} : memref<128x160xf32, #tpu.memory_space<vmem>>, vector<1x16xf32>,
        %get3A_1695 = arith.index_cast %add3A_1634 : i32 to index
        %get3A_1696 = arith.constant 96 : index
        %get3A_1697 = tpu.vector_load %arg10[%get3A_1695, %get3A_1696] {strides = array<i32>} : memref<128x160xf32, #tpu.memory_space<vmem>>, vector<1x16xf32>,
        %get3A_1698 = vector.shape_cast %get3A_1697 : vector<1x16xf32> to vector<16xf32>
        %mul3A_1699 = arith.mulf %get3A_1698, %broadcast_in_dim3A_1630 : vector<16xf32>
        %swap3A_1700 = arith.index_cast %add3A_1634 : i32 to index
        %swap3A_1701 = arith.constant 96 : index
        %swap3A_1702 = tpu.vector_load %arg10[%swap3A_1700, %swap3A_1701] {strides = array<i32>} : memref<128x160xf32, #tpu.memory_space<vmem>>, vector<1x16xf32>,
        %swap3A_1703 = vector.shape_cast %swap3A_1702 : vector<1x16xf32> to vector<16xf32>
        %swap3A_1704 = vector.shape_cast %mul3A_1699 : vector<16xf32> to vector<1x16xf32>
        tpu.vector_store %arg10[%swap3A_1700, %swap3A_1701], %swap3A_1704 {strides = array<i32>} : memref<128x160xf32, #tpu.memory_space<vmem>>, vector<1x16xf32>,
        %get3A_1705 = arith.index_cast %add3A_1634 : i32 to index
        %get3A_1706 = arith.constant 112 : index
        %get3A_1707 = tpu.vector_load %arg10[%get3A_1705, %get3A_1706] {strides = array<i32>} : memref<128x160xf32, #tpu.memory_space<vmem>>, vector<1x16xf32>,
        %get3A_1708 = vector.shape_cast %get3A_1707 : vector<1x16xf32> to vector<16xf32>
        %mul3A_1709 = arith.mulf %get3A_1708, %broadcast_in_dim3A_1630 : vector<16xf32>
        %swap3A_1710 = arith.index_cast %add3A_1634 : i32 to index
        %swap3A_1711 = arith.constant 112 : index
        %swap3A_1712 = tpu.vector_load %arg10[%swap3A_1710, %swap3A_1711] {strides = array<i32>} : memref<128x160xf32, #tpu.memory_space<vmem>>, vector<1x16xf32>,
        %swap3A_1713 = vector.shape_cast %swap3A_1712 : vector<1x16xf32> to vector<16xf32>
        %swap3A_1714 = vector.shape_cast %mul3A_1709 : vector<16xf32> to vector<1x16xf32>
        tpu.vector_store %arg10[%swap3A_1710, %swap3A_1711], %swap3A_1714 {strides = array<i32>} : memref<128x160xf32, #tpu.memory_space<vmem>>, vector<1x16xf32>,
        %get3A_1715 = arith.index_cast %add3A_1634 : i32 to index
        %get3A_1716 = arith.constant 128 : index
        %get3A_1717 = tpu.vector_load %arg10[%get3A_1715, %get3A_1716] {strides = array<i32>} : memref<128x160xf32, #tpu.memory_space<vmem>>, vector<1x16xf32>,
        %get3A_1718 = vector.shape_cast %get3A_1717 : vector<1x16xf32> to vector<16xf32>
        %mul3A_1719 = arith.mulf %get3A_1718, %broadcast_in_dim3A_1630 : vector<16xf32>
        %swap3A_1720 = arith.index_cast %add3A_1634 : i32 to index
        %swap3A_1721 = arith.constant 128 : index
        %swap3A_1722 = tpu.vector_load %arg10[%swap3A_1720, %swap3A_1721] {strides = array<i32>} : memref<128x160xf32, #tpu.memory_space<vmem>>, vector<1x16xf32>,
        %swap3A_1723 = vector.shape_cast %swap3A_1722 : vector<1x16xf32> to vector<16xf32>
        %swap3A_1724 = vector.shape_cast %mul3A_1719 : vector<16xf32> to vector<1x16xf32>
        tpu.vector_store %arg10[%swap3A_1720, %swap3A_1721], %swap3A_1724 {strides = array<i32>} : memref<128x160xf32, #tpu.memory_space<vmem>>, vector<1x16xf32>,
        %get3A_1725 = arith.index_cast %add3A_1634 : i32 to index
        %get3A_1726 = arith.constant 144 : index
        %get3A_1727 = tpu.vector_load %arg10[%get3A_1725, %get3A_1726] {strides = array<i32>} : memref<128x160xf32, #tpu.memory_space<vmem>>, vector<1x16xf32>,
        %get3A_1728 = vector.shape_cast %get3A_1727 : vector<1x16xf32> to vector<16xf32>
        %mul3A_1729 = arith.mulf %get3A_1728, %broadcast_in_dim3A_1630 : vector<16xf32>
        %swap3A_1730 = arith.index_cast %add3A_1634 : i32 to index
        %swap3A_1731 = arith.constant 144 : index
        %swap3A_1732 = tpu.vector_load %arg10[%swap3A_1730, %swap3A_1731] {strides = array<i32>} : memref<128x160xf32, #tpu.memory_space<vmem>>, vector<1x16xf32>,
        %swap3A_1733 = vector.shape_cast %swap3A_1732 : vector<1x16xf32> to vector<16xf32>
        %swap3A_1734 = vector.shape_cast %mul3A_1729 : vector<16xf32> to vector<1x16xf32>
        tpu.vector_store %arg10[%swap3A_1730, %swap3A_1731], %swap3A_1734 {strides = array<i32>} : memref<128x160xf32, #tpu.memory_space<vmem>>, vector<1x16xf32>,
        %slice3A_1735 = vector.extract_strided_slice %get3A_133 {offsets = [15], sizes = [1], strides = [1]} : vector<16xf32> to vector<1xf32>
        %squeeze3A_1736 = vector.extract %slice3A_1735[0] : f32 from vector<1xf32>
        %broadcast_in_dim3A_1737 = vector.broadcast %squeeze3A_1736 : f32 to vector<16xf32>
        %mul3A_1738 = arith.constant 16 : i32
        %mul3A_1739 = arith.muli %scan3A_127, %mul3A_1738 : i32
        %add3A_1740 = arith.constant 15 : i32
        %add3A_1741 = arith.addi %mul3A_1739, %add3A_1740 : i32
        %get3A_1742 = arith.index_cast %add3A_1741 : i32 to index
        %get3A_1743 = arith.constant 0 : index
        %get3A_1744 = tpu.vector_load %arg10[%get3A_1742, %get3A_1743] {strides = array<i32>} : memref<128x160xf32, #tpu.memory_space<vmem>>, vector<1x16xf32>,
        %get3A_1745 = vector.shape_cast %get3A_1744 : vector<1x16xf32> to vector<16xf32>
        %mul3A_1746 = arith.mulf %get3A_1745, %broadcast_in_dim3A_1737 : vector<16xf32>
        %swap3A_1747 = arith.index_cast %add3A_1741 : i32 to index
        %swap3A_1748 = arith.constant 0 : index
        %swap3A_1749 = tpu.vector_load %arg10[%swap3A_1747, %swap3A_1748] {strides = array<i32>} : memref<128x160xf32, #tpu.memory_space<vmem>>, vector<1x16xf32>,
        %swap3A_1750 = vector.shape_cast %swap3A_1749 : vector<1x16xf32> to vector<16xf32>
        %swap3A_1751 = vector.shape_cast %mul3A_1746 : vector<16xf32> to vector<1x16xf32>
        tpu.vector_store %arg10[%swap3A_1747, %swap3A_1748], %swap3A_1751 {strides = array<i32>} : memref<128x160xf32, #tpu.memory_space<vmem>>, vector<1x16xf32>,
        %get3A_1752 = arith.index_cast %add3A_1741 : i32 to index
        %get3A_1753 = arith.constant 16 : index
        %get3A_1754 = tpu.vector_load %arg10[%get3A_1752, %get3A_1753] {strides = array<i32>} : memref<128x160xf32, #tpu.memory_space<vmem>>, vector<1x16xf32>,
        %get3A_1755 = vector.shape_cast %get3A_1754 : vector<1x16xf32> to vector<16xf32>
        %mul3A_1756 = arith.mulf %get3A_1755, %broadcast_in_dim3A_1737 : vector<16xf32>
        %swap3A_1757 = arith.index_cast %add3A_1741 : i32 to index
        %swap3A_1758 = arith.constant 16 : index
        %swap3A_1759 = tpu.vector_load %arg10[%swap3A_1757, %swap3A_1758] {strides = array<i32>} : memref<128x160xf32, #tpu.memory_space<vmem>>, vector<1x16xf32>,
        %swap3A_1760 = vector.shape_cast %swap3A_1759 : vector<1x16xf32> to vector<16xf32>
        %swap3A_1761 = vector.shape_cast %mul3A_1756 : vector<16xf32> to vector<1x16xf32>
        tpu.vector_store %arg10[%swap3A_1757, %swap3A_1758], %swap3A_1761 {strides = array<i32>} : memref<128x160xf32, #tpu.memory_space<vmem>>, vector<1x16xf32>,
        %get3A_1762 = arith.index_cast %add3A_1741 : i32 to index
        %get3A_1763 = arith.constant 32 : index
        %get3A_1764 = tpu.vector_load %arg10[%get3A_1762, %get3A_1763] {strides = array<i32>} : memref<128x160xf32, #tpu.memory_space<vmem>>, vector<1x16xf32>,
        %get3A_1765 = vector.shape_cast %get3A_1764 : vector<1x16xf32> to vector<16xf32>
        %mul3A_1766 = arith.mulf %get3A_1765, %broadcast_in_dim3A_1737 : vector<16xf32>
        %swap3A_1767 = arith.index_cast %add3A_1741 : i32 to index
        %swap3A_1768 = arith.constant 32 : index
        %swap3A_1769 = tpu.vector_load %arg10[%swap3A_1767, %swap3A_1768] {strides = array<i32>} : memref<128x160xf32, #tpu.memory_space<vmem>>, vector<1x16xf32>,
        %swap3A_1770 = vector.shape_cast %swap3A_1769 : vector<1x16xf32> to vector<16xf32>
        %swap3A_1771 = vector.shape_cast %mul3A_1766 : vector<16xf32> to vector<1x16xf32>
        tpu.vector_store %arg10[%swap3A_1767, %swap3A_1768], %swap3A_1771 {strides = array<i32>} : memref<128x160xf32, #tpu.memory_space<vmem>>, vector<1x16xf32>,
        %get3A_1772 = arith.index_cast %add3A_1741 : i32 to index
        %get3A_1773 = arith.constant 48 : index
        %get3A_1774 = tpu.vector_load %arg10[%get3A_1772, %get3A_1773] {strides = array<i32>} : memref<128x160xf32, #tpu.memory_space<vmem>>, vector<1x16xf32>,
        %get3A_1775 = vector.shape_cast %get3A_1774 : vector<1x16xf32> to vector<16xf32>
        %mul3A_1776 = arith.mulf %get3A_1775, %broadcast_in_dim3A_1737 : vector<16xf32>
        %swap3A_1777 = arith.index_cast %add3A_1741 : i32 to index
        %swap3A_1778 = arith.constant 48 : index
        %swap3A_1779 = tpu.vector_load %arg10[%swap3A_1777, %swap3A_1778] {strides = array<i32>} : memref<128x160xf32, #tpu.memory_space<vmem>>, vector<1x16xf32>,
        %swap3A_1780 = vector.shape_cast %swap3A_1779 : vector<1x16xf32> to vector<16xf32>
        %swap3A_1781 = vector.shape_cast %mul3A_1776 : vector<16xf32> to vector<1x16xf32>
        tpu.vector_store %arg10[%swap3A_1777, %swap3A_1778], %swap3A_1781 {strides = array<i32>} : memref<128x160xf32, #tpu.memory_space<vmem>>, vector<1x16xf32>,
        %get3A_1782 = arith.index_cast %add3A_1741 : i32 to index
        %get3A_1783 = arith.constant 64 : index
        %get3A_1784 = tpu.vector_load %arg10[%get3A_1782, %get3A_1783] {strides = array<i32>} : memref<128x160xf32, #tpu.memory_space<vmem>>, vector<1x16xf32>,
        %get3A_1785 = vector.shape_cast %get3A_1784 : vector<1x16xf32> to vector<16xf32>
        %mul3A_1786 = arith.mulf %get3A_1785, %broadcast_in_dim3A_1737 : vector<16xf32>
        %swap3A_1787 = arith.index_cast %add3A_1741 : i32 to index
        %swap3A_1788 = arith.constant 64 : index
        %swap3A_1789 = tpu.vector_load %arg10[%swap3A_1787, %swap3A_1788] {strides = array<i32>} : memref<128x160xf32, #tpu.memory_space<vmem>>, vector<1x16xf32>,
        %swap3A_1790 = vector.shape_cast %swap3A_1789 : vector<1x16xf32> to vector<16xf32>
        %swap3A_1791 = vector.shape_cast %mul3A_1786 : vector<16xf32> to vector<1x16xf32>
        tpu.vector_store %arg10[%swap3A_1787, %swap3A_1788], %swap3A_1791 {strides = array<i32>} : memref<128x160xf32, #tpu.memory_space<vmem>>, vector<1x16xf32>,
        %get3A_1792 = arith.index_cast %add3A_1741 : i32 to index
        %get3A_1793 = arith.constant 80 : index
        %get3A_1794 = tpu.vector_load %arg10[%get3A_1792, %get3A_1793] {strides = array<i32>} : memref<128x160xf32, #tpu.memory_space<vmem>>, vector<1x16xf32>,
        %get3A_1795 = vector.shape_cast %get3A_1794 : vector<1x16xf32> to vector<16xf32>
        %mul3A_1796 = arith.mulf %get3A_1795, %broadcast_in_dim3A_1737 : vector<16xf32>
        %swap3A_1797 = arith.index_cast %add3A_1741 : i32 to index
        %swap3A_1798 = arith.constant 80 : index
        %swap3A_1799 = tpu.vector_load %arg10[%swap3A_1797, %swap3A_1798] {strides = array<i32>} : memref<128x160xf32, #tpu.memory_space<vmem>>, vector<1x16xf32>,
        %swap3A_1800 = vector.shape_cast %swap3A_1799 : vector<1x16xf32> to vector<16xf32>
        %swap3A_1801 = vector.shape_cast %mul3A_1796 : vector<16xf32> to vector<1x16xf32>
        tpu.vector_store %arg10[%swap3A_1797, %swap3A_1798], %swap3A_1801 {strides = array<i32>} : memref<128x160xf32, #tpu.memory_space<vmem>>, vector<1x16xf32>,
        %get3A_1802 = arith.index_cast %add3A_1741 : i32 to index
        %get3A_1803 = arith.constant 96 : index
        %get3A_1804 = tpu.vector_load %arg10[%get3A_1802, %get3A_1803] {strides = array<i32>} : memref<128x160xf32, #tpu.memory_space<vmem>>, vector<1x16xf32>,
        %get3A_1805 = vector.shape_cast %get3A_1804 : vector<1x16xf32> to vector<16xf32>
        %mul3A_1806 = arith.mulf %get3A_1805, %broadcast_in_dim3A_1737 : vector<16xf32>
        %swap3A_1807 = arith.index_cast %add3A_1741 : i32 to index
        %swap3A_1808 = arith.constant 96 : index
        %swap3A_1809 = tpu.vector_load %arg10[%swap3A_1807, %swap3A_1808] {strides = array<i32>} : memref<128x160xf32, #tpu.memory_space<vmem>>, vector<1x16xf32>,
        %swap3A_1810 = vector.shape_cast %swap3A_1809 : vector<1x16xf32> to vector<16xf32>
        %swap3A_1811 = vector.shape_cast %mul3A_1806 : vector<16xf32> to vector<1x16xf32>
        tpu.vector_store %arg10[%swap3A_1807, %swap3A_1808], %swap3A_1811 {strides = array<i32>} : memref<128x160xf32, #tpu.memory_space<vmem>>, vector<1x16xf32>,
        %get3A_1812 = arith.index_cast %add3A_1741 : i32 to index
        %get3A_1813 = arith.constant 112 : index
        %get3A_1814 = tpu.vector_load %arg10[%get3A_1812, %get3A_1813] {strides = array<i32>} : memref<128x160xf32, #tpu.memory_space<vmem>>, vector<1x16xf32>,
        %get3A_1815 = vector.shape_cast %get3A_1814 : vector<1x16xf32> to vector<16xf32>
        %mul3A_1816 = arith.mulf %get3A_1815, %broadcast_in_dim3A_1737 : vector<16xf32>
        %swap3A_1817 = arith.index_cast %add3A_1741 : i32 to index
        %swap3A_1818 = arith.constant 112 : index
        %swap3A_1819 = tpu.vector_load %arg10[%swap3A_1817, %swap3A_1818] {strides = array<i32>} : memref<128x160xf32, #tpu.memory_space<vmem>>, vector<1x16xf32>,
        %swap3A_1820 = vector.shape_cast %swap3A_1819 : vector<1x16xf32> to vector<16xf32>
        %swap3A_1821 = vector.shape_cast %mul3A_1816 : vector<16xf32> to vector<1x16xf32>
        tpu.vector_store %arg10[%swap3A_1817, %swap3A_1818], %swap3A_1821 {strides = array<i32>} : memref<128x160xf32, #tpu.memory_space<vmem>>, vector<1x16xf32>,
        %get3A_1822 = arith.index_cast %add3A_1741 : i32 to index
        %get3A_1823 = arith.constant 128 : index
        %get3A_1824 = tpu.vector_load %arg10[%get3A_1822, %get3A_1823] {strides = array<i32>} : memref<128x160xf32, #tpu.memory_space<vmem>>, vector<1x16xf32>,
        %get3A_1825 = vector.shape_cast %get3A_1824 : vector<1x16xf32> to vector<16xf32>
        %mul3A_1826 = arith.mulf %get3A_1825, %broadcast_in_dim3A_1737 : vector<16xf32>
        %swap3A_1827 = arith.index_cast %add3A_1741 : i32 to index
        %swap3A_1828 = arith.constant 128 : index
        %swap3A_1829 = tpu.vector_load %arg10[%swap3A_1827, %swap3A_1828] {strides = array<i32>} : memref<128x160xf32, #tpu.memory_space<vmem>>, vector<1x16xf32>,
        %swap3A_1830 = vector.shape_cast %swap3A_1829 : vector<1x16xf32> to vector<16xf32>
        %swap3A_1831 = vector.shape_cast %mul3A_1826 : vector<16xf32> to vector<1x16xf32>
        tpu.vector_store %arg10[%swap3A_1827, %swap3A_1828], %swap3A_1831 {strides = array<i32>} : memref<128x160xf32, #tpu.memory_space<vmem>>, vector<1x16xf32>,
        %get3A_1832 = arith.index_cast %add3A_1741 : i32 to index
        %get3A_1833 = arith.constant 144 : index
        %get3A_1834 = tpu.vector_load %arg10[%get3A_1832, %get3A_1833] {strides = array<i32>} : memref<128x160xf32, #tpu.memory_space<vmem>>, vector<1x16xf32>,
        %get3A_1835 = vector.shape_cast %get3A_1834 : vector<1x16xf32> to vector<16xf32>
        %mul3A_1836 = arith.mulf %get3A_1835, %broadcast_in_dim3A_1737 : vector<16xf32>
        %swap3A_1837 = arith.index_cast %add3A_1741 : i32 to index
        %swap3A_1838 = arith.constant 144 : index
        %swap3A_1839 = tpu.vector_load %arg10[%swap3A_1837, %swap3A_1838] {strides = array<i32>} : memref<128x160xf32, #tpu.memory_space<vmem>>, vector<1x16xf32>,
        %swap3A_1840 = vector.shape_cast %swap3A_1839 : vector<1x16xf32> to vector<16xf32>
        %swap3A_1841 = vector.shape_cast %mul3A_1836 : vector<16xf32> to vector<1x16xf32>
        tpu.vector_store %arg10[%swap3A_1837, %swap3A_1838], %swap3A_1841 {strides = array<i32>} : memref<128x160xf32, #tpu.memory_space<vmem>>, vector<1x16xf32>,
        %scan3A_1842 = arith.constant 0 : i32
        scf.yield %scan3A_1842 : i32
      }
      %scan3A_125 = arith.constant 8 : i32
      "tpu.region"() ({
        %run_scoped3A = tpu.sem_alloc : memref<!tpu.dma_semaphore, #tpu.memory_space<semaphore_mem>>
        %dma_start3A_127 = arith.constant 0 : i32
        %dma_start3A_128 = tpu.memref_slice %arg8[%rem3A_67, %dma_start3A_127] : memref<2x128xi32, #tpu.memory_space<vmem>> -> memref<1x128xi32, #tpu.memory_space<vmem>>
        %dma_start3A_129 = tpu.memref_squeeze %dma_start3A_128 : memref<1x128xi32, #tpu.memory_space<vmem>> -> memref<128xi32, #tpu.memory_space<vmem>>
        %dma_start3A_130 = arith.constant 0 : i32
        %dma_start3A_131 = arith.constant 0 : i32
        %dma_start3A_132 = tpu.memref_slice %arg11[%dma_start3A_130, %dma_start3A_131] : memref<10240x160xf32, #tpu.memory_space<vmem_shared>> -> memref<10240x160xf32, #tpu.memory_space<vmem_shared>>
        tpu.enqueue_indirect_dma source(%arg10 : memref<128x160xf32, #tpu.memory_space<vmem>>) target(%dma_start3A_132 : memref<10240x160xf32, #tpu.memory_space<vmem_shared>>) offsets(%dma_start3A_129 : memref<128xi32, #tpu.memory_space<vmem>>) semaphore(%run_scoped3A : memref<!tpu.dma_semaphore, #tpu.memory_space<semaphore_mem>>) {add = true}
        %dma_wait3A_133 = arith.constant 0 : i32
        %dma_wait3A_134 = tpu.memref_slice %arg8[%rem3A_67, %dma_wait3A_133] : memref<2x128xi32, #tpu.memory_space<vmem>> -> memref<1x128xi32, #tpu.memory_space<vmem>>
        %dma_wait3A_135 = tpu.memref_squeeze %dma_wait3A_134 : memref<1x128xi32, #tpu.memory_space<vmem>> -> memref<128xi32, #tpu.memory_space<vmem>>
        %dma_wait3A_136 = arith.constant 0 : i32
        %dma_wait3A_137 = arith.constant 0 : i32
        %dma_wait3A_138 = tpu.memref_slice %arg11[%dma_wait3A_136, %dma_wait3A_137] : memref<10240x160xf32, #tpu.memory_space<vmem_shared>> -> memref<10240x160xf32, #tpu.memory_space<vmem_shared>>
        tpu.wait_indirect_dma semaphore(%run_scoped3A : memref<!tpu.dma_semaphore, #tpu.memory_space<semaphore_mem>>) src(%arg10 : memref<128x160xf32, #tpu.memory_space<vmem>>) dst(%dma_wait3A_138 : memref<10240x160xf32, #tpu.memory_space<vmem_shared>>)
        tpu.yield
      }) : () -> ()
      %scan3A_126 = arith.constant 0 : i32
      scf.yield %scan3A_126 : i32
    }
    %scan3A_63 = arith.constant 157 : i32
    %barrier3A_64 = arith.constant 0 : index
    tpu.barrier barrier_id(%barrier3A_64)
    "tpu.region"() ({
      %run_scoped3A = tpu.sem_alloc : memref<!tpu.dma_semaphore, #tpu.memory_space<semaphore_mem>>
      %dma_start3A_65 = arith.constant 0 : i32
      %dma_start3A_66 = tpu.memref_slice %arg6[%arg0, %mul3A_47, %dma_start3A_65] : memref<2x10240x160xf32, #tpu.memory_space<hbm>> -> memref<1x640x160xf32, #tpu.memory_space<hbm>>
      %dma_start3A_67 = tpu.memref_squeeze %dma_start3A_66 : memref<1x640x160xf32, #tpu.memory_space<hbm>> -> memref<640x160xf32, #tpu.memory_space<hbm>>
      %dma_start3A_68 = arith.constant 0 : i32
      %dma_start3A_69 = tpu.memref_slice %arg11[%mul3A_47, %dma_start3A_68] : memref<10240x160xf32, #tpu.memory_space<vmem_shared>> -> memref<640x160xf32, #tpu.memory_space<vmem_shared>>
      tpu.enqueue_dma source(%dma_start3A_69 : memref<640x160xf32, #tpu.memory_space<vmem_shared>>) target(%dma_start3A_67 : memref<640x160xf32, #tpu.memory_space<hbm>>) target_semaphore(%run_scoped3A : memref<!tpu.dma_semaphore, #tpu.memory_space<semaphore_mem>>)
      %dma_wait3A = arith.constant 0 : i32
      %dma_wait3A_70 = tpu.memref_slice %arg6[%arg0, %mul3A_47, %dma_wait3A] : memref<2x10240x160xf32, #tpu.memory_space<hbm>> -> memref<1x640x160xf32, #tpu.memory_space<hbm>>
      %dma_wait3A_71 = tpu.memref_squeeze %dma_wait3A_70 : memref<1x640x160xf32, #tpu.memory_space<hbm>> -> memref<640x160xf32, #tpu.memory_space<hbm>>
      %dma_wait3A_72 = arith.constant 0 : i32
      %dma_wait3A_73 = tpu.memref_slice %arg11[%mul3A_47, %dma_wait3A_72] : memref<10240x160xf32, #tpu.memory_space<vmem_shared>> -> memref<640x160xf32, #tpu.memory_space<vmem_shared>>
      tpu.wait_dma2 semaphore(%run_scoped3A : memref<!tpu.dma_semaphore, #tpu.memory_space<semaphore_mem>>) src(%dma_wait3A_73 : memref<640x160xf32, #tpu.memory_space<vmem_shared>>) dst(%dma_wait3A_71 : memref<640x160xf32, #tpu.memory_space<hbm>>)
      tpu.yield
    }) : () -> ()
    return
  }
}

module attributes {stable_mosaic.version = 14 : i64} {
  func.func @_pre_body(%arg0: i32, %arg1: memref<2000x128xf32, #tpu.memory_space<vmem>>, %arg2: memref<2000x16xf32, #tpu.memory_space<vmem>>, %arg3: memref<128x128xf32, #tpu.memory_space<vmem>>, %arg4: memref<128x16xf32, #tpu.memory_space<vmem>>, %arg5: memref<128x768xf32, #tpu.memory_space<vmem>>, %arg6: memref<16x384xf32, #tpu.memory_space<vmem>>, %arg7: memref<2x2000x160xf32, #tpu.memory_space<vmem>>, %arg8: memref<2000x128xf32, #tpu.memory_space<vmem>>, %arg9: memref<2000x32xf32, #tpu.memory_space<vmem>>) attributes {dimension_semantics = [#tpu.dimension_semantics<arbitrary>], iteration_bounds = array<i64: 5>, scalar_prefetch = 0 : i64, scratch_operands = 0 : i64, tpu.core_type = #tpu.core_type<tc>, window_params = [{transform_indices = @transform_0, window_bounds = array<i64: 2000, 128>}, {transform_indices = @transform_1, window_bounds = array<i64: 2000, 16>}, {pipeline_mode = #tpu.pipeline_mode<synchronous>, transform_indices = @transform_2, window_bounds = array<i64: 128, 128>}, {pipeline_mode = #tpu.pipeline_mode<synchronous>, transform_indices = @transform_3, window_bounds = array<i64: 128, 16>}, {pipeline_mode = #tpu.pipeline_mode<synchronous>, transform_indices = @transform_4, window_bounds = array<i64: 128, 768>}, {pipeline_mode = #tpu.pipeline_mode<synchronous>, transform_indices = @transform_5, window_bounds = array<i64: 16, 384>}, {transform_indices = @transform_6, window_bounds = array<i64: 2, 2000, 160>}, {transform_indices = @transform_7, window_bounds = array<i64: 2000, 128>}, {transform_indices = @transform_8, window_bounds = array<i64: 2000, 32>}]} {
    %get3A = arith.constant 0 : index
    %get3A_0 = arith.constant 0 : index
    %get3A_1 = vector.load %arg1[%get3A, %get3A_0] : memref<2000x128xf32, #tpu.memory_space<vmem>>, vector<2000x128xf32>
    %get3A_2 = arith.constant 0 : index
    %get3A_3 = arith.constant 0 : index
    %get3A_4 = vector.load %arg3[%get3A_2, %get3A_3] : memref<128x128xf32, #tpu.memory_space<vmem>>, vector<128x128xf32>
    %dot_general3A = arith.constant dense<0.000000e+00> : vector<2000x128xf32>
    %dot_general3A_5 = tpu.matmul %get3A_1, %get3A_4, %dot_general3A {dimension_numbers = #tpu.dot_dimension_numbers<[1], [1], [0], [0], [0, 0, 1, 0], [], []>, transpose_lhs_hint = false} : vector<2000x128xf32>, vector<128x128xf32>, vector<2000x128xf32> -> vector<2000x128xf32>
    %get3A_6 = arith.constant 0 : index
    %get3A_7 = arith.constant 0 : index
    %get3A_8 = vector.load %arg2[%get3A_6, %get3A_7] : memref<2000x16xf32, #tpu.memory_space<vmem>>, vector<2000x16xf32>
    %get3A_9 = arith.constant 0 : index
    %get3A_10 = arith.constant 0 : index
    %get3A_11 = vector.load %arg4[%get3A_9, %get3A_10] : memref<128x16xf32, #tpu.memory_space<vmem>>, vector<128x16xf32>
    %dot_general3A_12 = arith.constant dense<0.000000e+00> : vector<2000x128xf32>
    %dot_general3A_13 = tpu.matmul %get3A_8, %get3A_11, %dot_general3A_12 {dimension_numbers = #tpu.dot_dimension_numbers<[1], [1], [0], [0], [0, 0, 1, 0], [], []>, transpose_lhs_hint = false} : vector<2000x16xf32>, vector<128x16xf32>, vector<2000x128xf32> -> vector<2000x128xf32>
    %get3A_14 = arith.constant 0 : index
    %get3A_15 = arith.constant 0 : index
    %get3A_16 = vector.load %arg5[%get3A_14, %get3A_15] : memref<128x768xf32, #tpu.memory_space<vmem>>, vector<128x768xf32>
    %get3A_17 = arith.constant 0 : index
    %get3A_18 = arith.constant 0 : index
    %get3A_19 = vector.load %arg6[%get3A_17, %get3A_18] : memref<16x384xf32, #tpu.memory_space<vmem>>, vector<16x384xf32>
    %slice3A = vector.extract_strided_slice %get3A_16 {offsets = [0, 128], sizes = [128, 128], strides = [1, 1]} : vector<128x768xf32> to vector<128x128xf32>
    %dot_general3A_20 = arith.constant dense<0.000000e+00> : vector<2000x128xf32>
    %dot_general3A_21 = tpu.matmul %dot_general3A_5, %slice3A, %dot_general3A_20 {dimension_numbers = #tpu.dot_dimension_numbers<[1], [1], [0], [0], [0, 0, 1, 0], [], []>, transpose_lhs_hint = false} : vector<2000x128xf32>, vector<128x128xf32>, vector<2000x128xf32> -> vector<2000x128xf32>
    %slice3A_22 = vector.extract_strided_slice %get3A_16 {offsets = [0, 512], sizes = [128, 128], strides = [1, 1]} : vector<128x768xf32> to vector<128x128xf32>
    %dot_general3A_23 = arith.constant dense<0.000000e+00> : vector<2000x128xf32>
    %dot_general3A_24 = tpu.matmul %dot_general3A_13, %slice3A_22, %dot_general3A_23 {dimension_numbers = #tpu.dot_dimension_numbers<[1], [1], [0], [0], [0, 0, 1, 0], [], []>, transpose_lhs_hint = false} : vector<2000x128xf32>, vector<128x128xf32>, vector<2000x128xf32> -> vector<2000x128xf32>
    %add3A = arith.addf %dot_general3A_21, %dot_general3A_24 : vector<2000x128xf32>
    %slice3A_25 = vector.extract_strided_slice %get3A_19 {offsets = [0, 128], sizes = [16, 128], strides = [1, 1]} : vector<16x384xf32> to vector<16x128xf32>
    %dot_general3A_26 = arith.constant dense<0.000000e+00> : vector<2000x16xf32>
    %dot_general3A_27 = tpu.matmul %dot_general3A_5, %slice3A_25, %dot_general3A_26 {dimension_numbers = #tpu.dot_dimension_numbers<[1], [1], [0], [0], [0, 0, 1, 0], [], []>, transpose_lhs_hint = false} : vector<2000x128xf32>, vector<16x128xf32>, vector<2000x16xf32> -> vector<2000x16xf32>
    %slice3A_28 = vector.extract_strided_slice %get3A_19 {offsets = [0, 128], sizes = [16, 128], strides = [1, 1]} : vector<16x384xf32> to vector<16x128xf32>
    %dot_general3A_29 = arith.constant dense<0.000000e+00> : vector<2000x16xf32>
    %dot_general3A_30 = tpu.matmul %dot_general3A_13, %slice3A_28, %dot_general3A_29 {dimension_numbers = #tpu.dot_dimension_numbers<[1], [1], [0], [0], [0, 0, 1, 0], [], []>, transpose_lhs_hint = false} : vector<2000x128xf32>, vector<16x128xf32>, vector<2000x16xf32> -> vector<2000x16xf32>
    %concatenate3A = tpu.concatenate %add3A, %dot_general3A_27, %dot_general3A_30 in 1 : vector<2000x128xf32>, vector<2000x16xf32>, vector<2000x16xf32> -> vector<2000x160xf32>
    %slice3A_31 = vector.extract_strided_slice %get3A_16 {offsets = [0, 256], sizes = [128, 128], strides = [1, 1]} : vector<128x768xf32> to vector<128x128xf32>
    %dot_general3A_32 = arith.constant dense<0.000000e+00> : vector<2000x128xf32>
    %dot_general3A_33 = tpu.matmul %dot_general3A_5, %slice3A_31, %dot_general3A_32 {dimension_numbers = #tpu.dot_dimension_numbers<[1], [1], [0], [0], [0, 0, 1, 0], [], []>, transpose_lhs_hint = false} : vector<2000x128xf32>, vector<128x128xf32>, vector<2000x128xf32> -> vector<2000x128xf32>
    %slice3A_34 = vector.extract_strided_slice %get3A_16 {offsets = [0, 640], sizes = [128, 128], strides = [1, 1]} : vector<128x768xf32> to vector<128x128xf32>
    %dot_general3A_35 = arith.constant dense<0.000000e+00> : vector<2000x128xf32>
    %dot_general3A_36 = tpu.matmul %dot_general3A_13, %slice3A_34, %dot_general3A_35 {dimension_numbers = #tpu.dot_dimension_numbers<[1], [1], [0], [0], [0, 0, 1, 0], [], []>, transpose_lhs_hint = false} : vector<2000x128xf32>, vector<128x128xf32>, vector<2000x128xf32> -> vector<2000x128xf32>
    %add3A_37 = arith.addf %dot_general3A_33, %dot_general3A_36 : vector<2000x128xf32>
    %slice3A_38 = vector.extract_strided_slice %get3A_19 {offsets = [0, 256], sizes = [16, 128], strides = [1, 1]} : vector<16x384xf32> to vector<16x128xf32>
    %dot_general3A_39 = arith.constant dense<0.000000e+00> : vector<2000x16xf32>
    %dot_general3A_40 = tpu.matmul %dot_general3A_5, %slice3A_38, %dot_general3A_39 {dimension_numbers = #tpu.dot_dimension_numbers<[1], [1], [0], [0], [0, 0, 1, 0], [], []>, transpose_lhs_hint = false} : vector<2000x128xf32>, vector<16x128xf32>, vector<2000x16xf32> -> vector<2000x16xf32>
    %slice3A_41 = vector.extract_strided_slice %get3A_19 {offsets = [0, 256], sizes = [16, 128], strides = [1, 1]} : vector<16x384xf32> to vector<16x128xf32>
    %dot_general3A_42 = arith.constant dense<0.000000e+00> : vector<2000x16xf32>
    %dot_general3A_43 = tpu.matmul %dot_general3A_13, %slice3A_41, %dot_general3A_42 {dimension_numbers = #tpu.dot_dimension_numbers<[1], [1], [0], [0], [0, 0, 1, 0], [], []>, transpose_lhs_hint = false} : vector<2000x128xf32>, vector<16x128xf32>, vector<2000x16xf32> -> vector<2000x16xf32>
    %concatenate3A_44 = tpu.concatenate %add3A_37, %dot_general3A_40, %dot_general3A_43 in 1 : vector<2000x128xf32>, vector<2000x16xf32>, vector<2000x16xf32> -> vector<2000x160xf32>
    %swap3A = arith.constant 0 : index
    %swap3A_45 = arith.constant 0 : index
    %swap3A_46 = arith.constant 0 : index
    %swap3A_47 = vector.load %arg7[%swap3A, %swap3A_45, %swap3A_46] : memref<2x2000x160xf32, #tpu.memory_space<vmem>>, vector<1x2000x160xf32>
    %swap3A_48 = vector.shape_cast %swap3A_47 : vector<1x2000x160xf32> to vector<2000x160xf32>
    %swap3A_49 = vector.shape_cast %concatenate3A : vector<2000x160xf32> to vector<1x2000x160xf32>
    tpu.vector_store %arg7[%swap3A, %swap3A_45, %swap3A_46], %swap3A_49 {strides = array<i32>} : memref<2x2000x160xf32, #tpu.memory_space<vmem>>, vector<1x2000x160xf32>,
    %swap3A_50 = arith.constant 1 : index
    %swap3A_51 = arith.constant 0 : index
    %swap3A_52 = arith.constant 0 : index
    %swap3A_53 = vector.load %arg7[%swap3A_50, %swap3A_51, %swap3A_52] : memref<2x2000x160xf32, #tpu.memory_space<vmem>>, vector<1x2000x160xf32>
    %swap3A_54 = vector.shape_cast %swap3A_53 : vector<1x2000x160xf32> to vector<2000x160xf32>
    %swap3A_55 = vector.shape_cast %concatenate3A_44 : vector<2000x160xf32> to vector<1x2000x160xf32>
    tpu.vector_store %arg7[%swap3A_50, %swap3A_51, %swap3A_52], %swap3A_55 {strides = array<i32>} : memref<2x2000x160xf32, #tpu.memory_space<vmem>>, vector<1x2000x160xf32>,
    %slice3A_56 = vector.extract_strided_slice %get3A_16 {offsets = [0, 0], sizes = [128, 128], strides = [1, 1]} : vector<128x768xf32> to vector<128x128xf32>
    %dot_general3A_57 = arith.constant dense<0.000000e+00> : vector<2000x128xf32>
    %dot_general3A_58 = tpu.matmul %dot_general3A_5, %slice3A_56, %dot_general3A_57 {dimension_numbers = #tpu.dot_dimension_numbers<[1], [1], [0], [0], [0, 0, 1, 0], [], []>, transpose_lhs_hint = false} : vector<2000x128xf32>, vector<128x128xf32>, vector<2000x128xf32> -> vector<2000x128xf32>
    %slice3A_59 = vector.extract_strided_slice %get3A_16 {offsets = [0, 384], sizes = [128, 128], strides = [1, 1]} : vector<128x768xf32> to vector<128x128xf32>
    %dot_general3A_60 = arith.constant dense<0.000000e+00> : vector<2000x128xf32>
    %dot_general3A_61 = tpu.matmul %dot_general3A_13, %slice3A_59, %dot_general3A_60 {dimension_numbers = #tpu.dot_dimension_numbers<[1], [1], [0], [0], [0, 0, 1, 0], [], []>, transpose_lhs_hint = false} : vector<2000x128xf32>, vector<128x128xf32>, vector<2000x128xf32> -> vector<2000x128xf32>
    %add3A_62 = arith.addf %dot_general3A_58, %dot_general3A_61 : vector<2000x128xf32>
    %swap3A_63 = arith.constant 0 : index
    %swap3A_64 = arith.constant 0 : index
    %swap3A_65 = vector.load %arg8[%swap3A_63, %swap3A_64] : memref<2000x128xf32, #tpu.memory_space<vmem>>, vector<2000x128xf32>
    tpu.vector_store %arg8[%swap3A_63, %swap3A_64], %add3A_62 {strides = array<i32>} : memref<2000x128xf32, #tpu.memory_space<vmem>>, vector<2000x128xf32>,
    %slice3A_66 = vector.extract_strided_slice %get3A_19 {offsets = [0, 0], sizes = [16, 128], strides = [1, 1]} : vector<16x384xf32> to vector<16x128xf32>
    %dot_general3A_67 = arith.constant dense<0.000000e+00> : vector<2000x16xf32>
    %dot_general3A_68 = tpu.matmul %dot_general3A_5, %slice3A_66, %dot_general3A_67 {dimension_numbers = #tpu.dot_dimension_numbers<[1], [1], [0], [0], [0, 0, 1, 0], [], []>, transpose_lhs_hint = false} : vector<2000x128xf32>, vector<16x128xf32>, vector<2000x16xf32> -> vector<2000x16xf32>
    %slice3A_69 = vector.extract_strided_slice %get3A_19 {offsets = [0, 0], sizes = [16, 128], strides = [1, 1]} : vector<16x384xf32> to vector<16x128xf32>
    %dot_general3A_70 = arith.constant dense<0.000000e+00> : vector<2000x16xf32>
    %dot_general3A_71 = tpu.matmul %dot_general3A_13, %slice3A_69, %dot_general3A_70 {dimension_numbers = #tpu.dot_dimension_numbers<[1], [1], [0], [0], [0, 0, 1, 0], [], []>, transpose_lhs_hint = false} : vector<2000x128xf32>, vector<16x128xf32>, vector<2000x16xf32> -> vector<2000x16xf32>
    %concatenate3A_72 = tpu.concatenate %dot_general3A_68, %dot_general3A_71 in 1 : vector<2000x16xf32>, vector<2000x16xf32> -> vector<2000x32xf32>
    %swap3A_73 = arith.constant 0 : index
    %swap3A_74 = arith.constant 0 : index
    %swap3A_75 = vector.load %arg9[%swap3A_73, %swap3A_74] : memref<2000x32xf32, #tpu.memory_space<vmem>>, vector<2000x32xf32>
    tpu.vector_store %arg9[%swap3A_73, %swap3A_74], %concatenate3A_72 {strides = array<i32>} : memref<2000x32xf32, #tpu.memory_space<vmem>>, vector<2000x32xf32>,
    return
  }
  func.func @transform_0(%arg0: i32) -> (i32, i32) {
    %c0_i32 = arith.constant 0 : i32
    %c0_i32_0 = arith.constant 0 : i32
    return %arg0, %c0_i32 : i32, i32
  }
  func.func @transform_1(%arg0: i32) -> (i32, i32) {
    %c0_i32 = arith.constant 0 : i32
    %c0_i32_0 = arith.constant 0 : i32
    return %arg0, %c0_i32 : i32, i32
  }
  func.func @transform_2(%arg0: i32) -> (i32, i32) {
    %c0_i32 = arith.constant 0 : i32
    %c0_i32_0 = arith.constant 0 : i32
    %c0_i32_1 = arith.constant 0 : i32
    return %c0_i32, %c0_i32_0 : i32, i32
  }
  func.func @transform_3(%arg0: i32) -> (i32, i32) {
    %c0_i32 = arith.constant 0 : i32
    %c0_i32_0 = arith.constant 0 : i32
    %c0_i32_1 = arith.constant 0 : i32
    return %c0_i32, %c0_i32_0 : i32, i32
  }
  func.func @transform_4(%arg0: i32) -> (i32, i32) {
    %c0_i32 = arith.constant 0 : i32
    %c0_i32_0 = arith.constant 0 : i32
    %c0_i32_1 = arith.constant 0 : i32
    return %c0_i32, %c0_i32_0 : i32, i32
  }
  func.func @transform_5(%arg0: i32) -> (i32, i32) {
    %c0_i32 = arith.constant 0 : i32
    %c0_i32_0 = arith.constant 0 : i32
    %c0_i32_1 = arith.constant 0 : i32
    return %c0_i32, %c0_i32_0 : i32, i32
  }
  func.func @transform_6(%arg0: i32) -> (i32, i32, i32) {
    %c0_i32 = arith.constant 0 : i32
    %c0_i32_0 = arith.constant 0 : i32
    %c0_i32_1 = arith.constant 0 : i32
    return %c0_i32, %arg0, %c0_i32_0 : i32, i32, i32
  }
  func.func @transform_7(%arg0: i32) -> (i32, i32) {
    %c0_i32 = arith.constant 0 : i32
    %c0_i32_0 = arith.constant 0 : i32
    return %arg0, %c0_i32 : i32, i32
  }
  func.func @transform_8(%arg0: i32) -> (i32, i32) {
    %c0_i32 = arith.constant 0 : i32
    %c0_i32_0 = arith.constant 0 : i32
    return %arg0, %c0_i32 : i32, i32
  }
}

module attributes {stable_mosaic.version = 14 : i64} {
  func.func @_prep_body(%arg0: memref<2x2500x128xi32, #tpu.memory_space<vmem>>, %arg1: memref<2500x128xf32, #tpu.memory_space<vmem>>, %arg2: memref<2x2500x128xi32, #tpu.memory_space<vmem>>, %arg3: memref<2500x128xf32, #tpu.memory_space<vmem>>, %arg4: memref<2x2512x128xi32, #tpu.memory_space<vmem>>, %arg5: memref<2x2512x128xi32, #tpu.memory_space<vmem>>, %arg6: memref<2x2512x128xf32, #tpu.memory_space<vmem>>) attributes {dimension_semantics = [], scalar_prefetch = 0 : i64, scratch_operands = 0 : i64, tpu.core_type = #tpu.core_type<tc>} {
    %broadcast_in_dim3A = arith.constant 0 : i32
    %broadcast_in_dim3A_0 = vector.broadcast %broadcast_in_dim3A : i32 to vector<12x128xi32>
    %broadcast_in_dim3A_1 = arith.constant 0.000000e+00 : f32
    %broadcast_in_dim3A_2 = vector.broadcast %broadcast_in_dim3A_1 : f32 to vector<12x128xf32>
    %get3A = arith.constant 1 : index
    %get3A_3 = arith.constant 0 : index
    %get3A_4 = arith.constant 0 : index
    %get3A_5 = vector.load %arg0[%get3A, %get3A_3, %get3A_4] : memref<2x2500x128xi32, #tpu.memory_space<vmem>>, vector<1x2500x128xi32>
    %get3A_6 = vector.shape_cast %get3A_5 : vector<1x2500x128xi32> to vector<2500x128xi32>
    %concatenate3A = tpu.concatenate %get3A_6, %broadcast_in_dim3A_0 in 0 : vector<2500x128xi32>, vector<12x128xi32> -> vector<2512x128xi32>
    %swap3A = arith.constant 0 : index
    %swap3A_7 = arith.constant 0 : index
    %swap3A_8 = arith.constant 0 : index
    %swap3A_9 = vector.load %arg4[%swap3A, %swap3A_7, %swap3A_8] : memref<2x2512x128xi32, #tpu.memory_space<vmem>>, vector<1x2512x128xi32>
    %swap3A_10 = vector.shape_cast %swap3A_9 : vector<1x2512x128xi32> to vector<2512x128xi32>
    %swap3A_11 = vector.shape_cast %concatenate3A : vector<2512x128xi32> to vector<1x2512x128xi32>
    tpu.vector_store %arg4[%swap3A, %swap3A_7, %swap3A_8], %swap3A_11 {strides = array<i32>} : memref<2x2512x128xi32, #tpu.memory_space<vmem>>, vector<1x2512x128xi32>,
    %get3A_12 = arith.constant 1 : index
    %get3A_13 = arith.constant 0 : index
    %get3A_14 = arith.constant 0 : index
    %get3A_15 = vector.load %arg2[%get3A_12, %get3A_13, %get3A_14] : memref<2x2500x128xi32, #tpu.memory_space<vmem>>, vector<1x2500x128xi32>
    %get3A_16 = vector.shape_cast %get3A_15 : vector<1x2500x128xi32> to vector<2500x128xi32>
    %add3A = arith.constant 10000 : i32
    %add3A_17 = vector.broadcast %add3A : i32 to vector<2500x128xi32>
    %add3A_18 = arith.addi %get3A_16, %add3A_17 : vector<2500x128xi32>
    %concatenate3A_19 = tpu.concatenate %add3A_18, %broadcast_in_dim3A_0 in 0 : vector<2500x128xi32>, vector<12x128xi32> -> vector<2512x128xi32>
    %swap3A_20 = arith.constant 1 : index
    %swap3A_21 = arith.constant 0 : index
    %swap3A_22 = arith.constant 0 : index
    %swap3A_23 = vector.load %arg4[%swap3A_20, %swap3A_21, %swap3A_22] : memref<2x2512x128xi32, #tpu.memory_space<vmem>>, vector<1x2512x128xi32>
    %swap3A_24 = vector.shape_cast %swap3A_23 : vector<1x2512x128xi32> to vector<2512x128xi32>
    %swap3A_25 = vector.shape_cast %concatenate3A_19 : vector<2512x128xi32> to vector<1x2512x128xi32>
    tpu.vector_store %arg4[%swap3A_20, %swap3A_21, %swap3A_22], %swap3A_25 {strides = array<i32>} : memref<2x2512x128xi32, #tpu.memory_space<vmem>>, vector<1x2512x128xi32>,
    %get3A_26 = arith.constant 0 : index
    %get3A_27 = arith.constant 0 : index
    %get3A_28 = arith.constant 0 : index
    %get3A_29 = vector.load %arg0[%get3A_26, %get3A_27, %get3A_28] : memref<2x2500x128xi32, #tpu.memory_space<vmem>>, vector<1x2500x128xi32>
    %get3A_30 = vector.shape_cast %get3A_29 : vector<1x2500x128xi32> to vector<2500x128xi32>
    %concatenate3A_31 = tpu.concatenate %get3A_30, %broadcast_in_dim3A_0 in 0 : vector<2500x128xi32>, vector<12x128xi32> -> vector<2512x128xi32>
    %swap3A_32 = arith.constant 0 : index
    %swap3A_33 = arith.constant 0 : index
    %swap3A_34 = arith.constant 0 : index
    %swap3A_35 = vector.load %arg5[%swap3A_32, %swap3A_33, %swap3A_34] : memref<2x2512x128xi32, #tpu.memory_space<vmem>>, vector<1x2512x128xi32>
    %swap3A_36 = vector.shape_cast %swap3A_35 : vector<1x2512x128xi32> to vector<2512x128xi32>
    %swap3A_37 = vector.shape_cast %concatenate3A_31 : vector<2512x128xi32> to vector<1x2512x128xi32>
    tpu.vector_store %arg5[%swap3A_32, %swap3A_33, %swap3A_34], %swap3A_37 {strides = array<i32>} : memref<2x2512x128xi32, #tpu.memory_space<vmem>>, vector<1x2512x128xi32>,
    %get3A_38 = arith.constant 0 : index
    %get3A_39 = arith.constant 0 : index
    %get3A_40 = arith.constant 0 : index
    %get3A_41 = vector.load %arg2[%get3A_38, %get3A_39, %get3A_40] : memref<2x2500x128xi32, #tpu.memory_space<vmem>>, vector<1x2500x128xi32>
    %get3A_42 = vector.shape_cast %get3A_41 : vector<1x2500x128xi32> to vector<2500x128xi32>
    %concatenate3A_43 = tpu.concatenate %get3A_42, %broadcast_in_dim3A_0 in 0 : vector<2500x128xi32>, vector<12x128xi32> -> vector<2512x128xi32>
    %swap3A_44 = arith.constant 1 : index
    %swap3A_45 = arith.constant 0 : index
    %swap3A_46 = arith.constant 0 : index
    %swap3A_47 = vector.load %arg5[%swap3A_44, %swap3A_45, %swap3A_46] : memref<2x2512x128xi32, #tpu.memory_space<vmem>>, vector<1x2512x128xi32>
    %swap3A_48 = vector.shape_cast %swap3A_47 : vector<1x2512x128xi32> to vector<2512x128xi32>
    %swap3A_49 = vector.shape_cast %concatenate3A_43 : vector<2512x128xi32> to vector<1x2512x128xi32>
    tpu.vector_store %arg5[%swap3A_44, %swap3A_45, %swap3A_46], %swap3A_49 {strides = array<i32>} : memref<2x2512x128xi32, #tpu.memory_space<vmem>>, vector<1x2512x128xi32>,
    %get3A_50 = arith.constant 0 : index
    %get3A_51 = arith.constant 0 : index
    %get3A_52 = vector.load %arg1[%get3A_50, %get3A_51] : memref<2500x128xf32, #tpu.memory_space<vmem>>, vector<2500x128xf32>
    %concatenate3A_53 = tpu.concatenate %get3A_52, %broadcast_in_dim3A_2 in 0 : vector<2500x128xf32>, vector<12x128xf32> -> vector<2512x128xf32>
    %swap3A_54 = arith.constant 0 : index
    %swap3A_55 = arith.constant 0 : index
    %swap3A_56 = arith.constant 0 : index
    %swap3A_57 = vector.load %arg6[%swap3A_54, %swap3A_55, %swap3A_56] : memref<2x2512x128xf32, #tpu.memory_space<vmem>>, vector<1x2512x128xf32>
    %swap3A_58 = vector.shape_cast %swap3A_57 : vector<1x2512x128xf32> to vector<2512x128xf32>
    %swap3A_59 = vector.shape_cast %concatenate3A_53 : vector<2512x128xf32> to vector<1x2512x128xf32>
    tpu.vector_store %arg6[%swap3A_54, %swap3A_55, %swap3A_56], %swap3A_59 {strides = array<i32>} : memref<2x2512x128xf32, #tpu.memory_space<vmem>>, vector<1x2512x128xf32>,
    %get3A_60 = arith.constant 0 : index
    %get3A_61 = arith.constant 0 : index
    %get3A_62 = vector.load %arg3[%get3A_60, %get3A_61] : memref<2500x128xf32, #tpu.memory_space<vmem>>, vector<2500x128xf32>
    %concatenate3A_63 = tpu.concatenate %get3A_62, %broadcast_in_dim3A_2 in 0 : vector<2500x128xf32>, vector<12x128xf32> -> vector<2512x128xf32>
    %swap3A_64 = arith.constant 1 : index
    %swap3A_65 = arith.constant 0 : index
    %swap3A_66 = arith.constant 0 : index
    %swap3A_67 = vector.load %arg6[%swap3A_64, %swap3A_65, %swap3A_66] : memref<2x2512x128xf32, #tpu.memory_space<vmem>>, vector<1x2512x128xf32>
    %swap3A_68 = vector.shape_cast %swap3A_67 : vector<1x2512x128xf32> to vector<2512x128xf32>
    %swap3A_69 = vector.shape_cast %concatenate3A_63 : vector<2512x128xf32> to vector<1x2512x128xf32>
    tpu.vector_store %arg6[%swap3A_64, %swap3A_65, %swap3A_66], %swap3A_69 {strides = array<i32>} : memref<2x2512x128xf32, #tpu.memory_space<vmem>>, vector<1x2512x128xf32>,
    return
  }
}

module attributes {stable_mosaic.version = 14 : i64} {
  func.func @_post_body(%arg0: i32, %arg1: memref<2x2000x160xf32, #tpu.memory_space<vmem>>, %arg2: memref<2000x128xf32, #tpu.memory_space<vmem>>, %arg3: memref<2000x32xf32, #tpu.memory_space<vmem>>, %arg4: memref<1x128xf32, #tpu.memory_space<vmem>>, %arg5: memref<8x128xf32, #tpu.memory_space<vmem>>, %arg6: memref<1x1xf32, #tpu.memory_space<smem>>, %arg7: memref<1x16xf32, #tpu.memory_space<vmem>>, %arg8: memref<2000x16xf32, #tpu.memory_space<vmem>>, %arg9: memref<2000x384xf32, #tpu.memory_space<vmem>>) attributes {dimension_semantics = [#tpu.dimension_semantics<arbitrary>], iteration_bounds = array<i64: 5>, scalar_prefetch = 0 : i64, scratch_operands = 0 : i64, tpu.core_type = #tpu.core_type<tc>, window_params = [{transform_indices = @transform_0, window_bounds = array<i64: 2, 2000, 160>}, {transform_indices = @transform_1, window_bounds = array<i64: 2000, 128>}, {transform_indices = @transform_2, window_bounds = array<i64: 2000, 32>}, {pipeline_mode = #tpu.pipeline_mode<synchronous>, transform_indices = @transform_3, window_bounds = array<i64: 1, 128>}, {pipeline_mode = #tpu.pipeline_mode<synchronous>, transform_indices = @transform_4, window_bounds = array<i64: 8, 128>}, {transform_indices = @transform_5, window_bounds = array<i64: 1, 1>}, {pipeline_mode = #tpu.pipeline_mode<synchronous>, transform_indices = @transform_6, window_bounds = array<i64: 1, 16>}, {transform_indices = @transform_7, window_bounds = array<i64: 2000, 16>}, {transform_indices = @transform_8, window_bounds = array<i64: 2000, 384>}]} {
    %get3A = arith.constant 0 : index
    %get3A_0 = arith.constant 0 : index
    %get3A_1 = arith.constant 0 : index
    %get3A_2 = vector.load %arg1[%get3A, %get3A_0, %get3A_1] : memref<2x2000x160xf32, #tpu.memory_space<vmem>>, vector<1x2000x160xf32>
    %get3A_3 = vector.shape_cast %get3A_2 : vector<1x2000x160xf32> to vector<2000x160xf32>
    %get3A_4 = arith.constant 1 : index
    %get3A_5 = arith.constant 0 : index
    %get3A_6 = arith.constant 0 : index
    %get3A_7 = vector.load %arg1[%get3A_4, %get3A_5, %get3A_6] : memref<2x2000x160xf32, #tpu.memory_space<vmem>>, vector<1x2000x160xf32>
    %get3A_8 = vector.shape_cast %get3A_7 : vector<1x2000x160xf32> to vector<2000x160xf32>
    %get3A_9 = arith.constant 0 : index
    %get3A_10 = arith.constant 0 : index
    %get3A_11 = vector.load %arg2[%get3A_9, %get3A_10] : memref<2000x128xf32, #tpu.memory_space<vmem>>, vector<2000x128xf32>
    %slice3A = vector.extract_strided_slice %get3A_3 {offsets = [0, 0], sizes = [2000, 128], strides = [1, 1]} : vector<2000x160xf32> to vector<2000x128xf32>
    %add3A = arith.addf %get3A_11, %slice3A : vector<2000x128xf32>
    %slice3A_12 = vector.extract_strided_slice %get3A_8 {offsets = [0, 0], sizes = [2000, 128], strides = [1, 1]} : vector<2000x160xf32> to vector<2000x128xf32>
    %add3A_13 = arith.addf %add3A, %slice3A_12 : vector<2000x128xf32>
    %get3A_14 = arith.constant 0 : index
    %get3A_15 = arith.constant 0 : index
    %get3A_16 = vector.load %arg4[%get3A_14, %get3A_15] : memref<1x128xf32, #tpu.memory_space<vmem>>, vector<1x128xf32>
    %add3A_17 = vector.broadcast %get3A_16 : vector<1x128xf32> to vector<2000x128xf32>
    %add3A_18 = arith.addf %add3A_13, %add3A_17 : vector<2000x128xf32>
    %max3A = arith.constant 0.000000e+00 : f32
    %max3A_19 = vector.broadcast %max3A : f32 to vector<2000x128xf32>
    %max3A_20 = arith.maximumf %add3A_18, %max3A_19 : vector<2000x128xf32>
    %get3A_21 = arith.constant 0 : index
    %get3A_22 = arith.constant 0 : index
    %get3A_23 = vector.load %arg5[%get3A_21, %get3A_22] : memref<8x128xf32, #tpu.memory_space<vmem>>, vector<8x128xf32>
    %dot_general3A = arith.constant dense<0.000000e+00> : vector<2000x8xf32>
    %dot_general3A_24 = tpu.matmul %max3A_20, %get3A_23, %dot_general3A {dimension_numbers = #tpu.dot_dimension_numbers<[1], [1], [0], [0], [0, 0, 1, 0], [], []>, transpose_lhs_hint = false} : vector<2000x128xf32>, vector<8x128xf32>, vector<2000x8xf32> -> vector<2000x8xf32>
    %get3A_25 = arith.constant 0 : index
    %get3A_26 = arith.constant 0 : index
    %get3A_27 = memref.load %arg6[%get3A_25, %get3A_26] : memref<1x1xf32, #tpu.memory_space<smem>>
    %add3A_28 = vector.broadcast %get3A_27 : f32 to vector<2000x8xf32>
    %add3A_29 = arith.addf %dot_general3A_24, %add3A_28 : vector<2000x8xf32>
    %logistic3A = arith.negf %add3A_29 : vector<2000x8xf32>
    %logistic3A_30 = math.exp %logistic3A : vector<2000x8xf32>
    %logistic3A_31 = arith.constant 1.000000e+00 : f32
    %logistic3A_32 = vector.broadcast %logistic3A_31 : f32 to vector<2000x8xf32>
    %logistic3A_33 = arith.addf %logistic3A_32, %logistic3A_30 : vector<2000x8xf32>
    %logistic3A_34 = arith.divf %logistic3A_32, %logistic3A_33 : vector<2000x8xf32>
    %iota3A = tpu.iota {dimensions = array<i32: 1>} : vector<384x8xi32>
    %eq3A = arith.constant 0 : i32
    %eq3A_35 = vector.broadcast %eq3A : i32 to vector<384x8xi32>
    %eq3A_36 = arith.cmpi eq, %iota3A, %eq3A_35 : vector<384x8xi32>
    %convert_element_type3A = arith.extui %eq3A_36 : vector<384x8xi1> to vector<384x8xi32>
    %convert_element_type3A_37 = arith.sitofp %convert_element_type3A : vector<384x8xi32> to vector<384x8xf32>
    %dot_general3A_38 = arith.constant dense<0.000000e+00> : vector<2000x384xf32>
    %dot_general3A_39 = tpu.matmul %logistic3A_34, %convert_element_type3A_37, %dot_general3A_38 {dimension_numbers = #tpu.dot_dimension_numbers<[1], [1], [0], [0], [0, 0, 1, 0], [], []>, transpose_lhs_hint = false} : vector<2000x8xf32>, vector<384x8xf32>, vector<2000x384xf32> -> vector<2000x384xf32>
    %slice3A_40 = vector.extract_strided_slice %dot_general3A_39 {offsets = [0, 0], sizes = [2000, 16], strides = [1, 1]} : vector<2000x384xf32> to vector<2000x16xf32>
    %get3A_41 = arith.constant 0 : index
    %get3A_42 = arith.constant 0 : index
    %get3A_43 = vector.load %arg3[%get3A_41, %get3A_42] : memref<2000x32xf32, #tpu.memory_space<vmem>>, vector<2000x16xf32>
    %slice3A_44 = vector.extract_strided_slice %get3A_3 {offsets = [0, 128], sizes = [2000, 16], strides = [1, 1]} : vector<2000x160xf32> to vector<2000x16xf32>
    %add3A_45 = arith.addf %get3A_43, %slice3A_44 : vector<2000x16xf32>
    %slice3A_46 = vector.extract_strided_slice %get3A_8 {offsets = [0, 128], sizes = [2000, 16], strides = [1, 1]} : vector<2000x160xf32> to vector<2000x16xf32>
    %add3A_47 = arith.addf %add3A_45, %slice3A_46 : vector<2000x16xf32>
    %get3A_48 = arith.constant 0 : index
    %get3A_49 = arith.constant 16 : index
    %get3A_50 = vector.load %arg3[%get3A_48, %get3A_49] : memref<2000x32xf32, #tpu.memory_space<vmem>>, vector<2000x16xf32>
    %slice3A_51 = vector.extract_strided_slice %get3A_3 {offsets = [0, 144], sizes = [2000, 16], strides = [1, 1]} : vector<2000x160xf32> to vector<2000x16xf32>
    %add3A_52 = arith.addf %get3A_50, %slice3A_51 : vector<2000x16xf32>
    %slice3A_53 = vector.extract_strided_slice %get3A_8 {offsets = [0, 144], sizes = [2000, 16], strides = [1, 1]} : vector<2000x160xf32> to vector<2000x16xf32>
    %add3A_54 = arith.addf %add3A_52, %slice3A_53 : vector<2000x16xf32>
    %mul3A = arith.mulf %slice3A_40, %add3A_47 : vector<2000x16xf32>
    %sub3A = arith.constant 1.000000e+00 : f32
    %sub3A_55 = vector.broadcast %sub3A : f32 to vector<2000x16xf32>
    %sub3A_56 = arith.subf %sub3A_55, %slice3A_40 : vector<2000x16xf32>
    %mul3A_57 = arith.mulf %sub3A_56, %add3A_54 : vector<2000x16xf32>
    %add3A_58 = arith.addf %mul3A, %mul3A_57 : vector<2000x16xf32>
    %get3A_59 = arith.constant 0 : index
    %get3A_60 = arith.constant 0 : index
    %get3A_61 = vector.load %arg7[%get3A_59, %get3A_60] : memref<1x16xf32, #tpu.memory_space<vmem>>, vector<1x16xf32>
    %add3A_62 = vector.broadcast %get3A_61 : vector<1x16xf32> to vector<2000x16xf32>
    %add3A_63 = arith.addf %add3A_58, %add3A_62 : vector<2000x16xf32>
    %swap3A = arith.constant 0 : index
    %swap3A_64 = arith.constant 0 : index
    %swap3A_65 = vector.load %arg8[%swap3A, %swap3A_64] : memref<2000x16xf32, #tpu.memory_space<vmem>>, vector<2000x16xf32>
    tpu.vector_store %arg8[%swap3A, %swap3A_64], %add3A_63 {strides = array<i32>} : memref<2000x16xf32, #tpu.memory_space<vmem>>, vector<2000x16xf32>,
    %swap3A_66 = arith.constant 0 : index
    %swap3A_67 = arith.constant 0 : index
    %swap3A_68 = vector.load %arg9[%swap3A_66, %swap3A_67] : memref<2000x384xf32, #tpu.memory_space<vmem>>, vector<2000x384xf32>
    tpu.vector_store %arg9[%swap3A_66, %swap3A_67], %dot_general3A_39 {strides = array<i32>} : memref<2000x384xf32, #tpu.memory_space<vmem>>, vector<2000x384xf32>,
    return
  }
  func.func @transform_0(%arg0: i32) -> (i32, i32, i32) {
    %c0_i32 = arith.constant 0 : i32
    %c0_i32_0 = arith.constant 0 : i32
    %c0_i32_1 = arith.constant 0 : i32
    return %c0_i32, %arg0, %c0_i32_0 : i32, i32, i32
  }
  func.func @transform_1(%arg0: i32) -> (i32, i32) {
    %c0_i32 = arith.constant 0 : i32
    %c0_i32_0 = arith.constant 0 : i32
    return %arg0, %c0_i32 : i32, i32
  }
  func.func @transform_2(%arg0: i32) -> (i32, i32) {
    %c0_i32 = arith.constant 0 : i32
    %c0_i32_0 = arith.constant 0 : i32
    return %arg0, %c0_i32 : i32, i32
  }
  func.func @transform_3(%arg0: i32) -> (i32, i32) {
    %c0_i32 = arith.constant 0 : i32
    %c0_i32_0 = arith.constant 0 : i32
    %c0_i32_1 = arith.constant 0 : i32
    return %c0_i32, %c0_i32_0 : i32, i32
  }
  func.func @transform_4(%arg0: i32) -> (i32, i32) {
    %c0_i32 = arith.constant 0 : i32
    %c0_i32_0 = arith.constant 0 : i32
    %c0_i32_1 = arith.constant 0 : i32
    return %c0_i32, %c0_i32_0 : i32, i32
  }
  func.func @transform_5(%arg0: i32) -> (i32, i32) {
    %c0_i32 = arith.constant 0 : i32
    %c0_i32_0 = arith.constant 0 : i32
    %c0_i32_1 = arith.constant 0 : i32
    return %c0_i32, %c0_i32_0 : i32, i32
  }
  func.func @transform_6(%arg0: i32) -> (i32, i32) {
    %c0_i32 = arith.constant 0 : i32
    %c0_i32_0 = arith.constant 0 : i32
    %c0_i32_1 = arith.constant 0 : i32
    return %c0_i32, %c0_i32_0 : i32, i32
  }
  func.func @transform_7(%arg0: i32) -> (i32, i32) {
    %c0_i32 = arith.constant 0 : i32
    %c0_i32_0 = arith.constant 0 : i32
    return %arg0, %c0_i32 : i32, i32
  }
  func.func @transform_8(%arg0: i32) -> (i32, i32) {
    %c0_i32 = arith.constant 0 : i32
    %c0_i32_0 = arith.constant 0 : i32
    return %arg0, %c0_i32 : i32, i32
  }
}

</mosaic_0001>

<sc_bundles>
// kernel: kernel.6.cloned.1.call-start
scs
__scs_entry_jumppad:
0x0: {  	(pc) =	sbr.rel $0x88, $3  }
0x1: {  	(tag) =	ssettag $0x0;
	lr =	simm.s32 $0x1  }
0x2: {  	[smem:$0x3F93] =	sst lr;
	_ =	strace $0xD0000000  }
0x3: {  	_ = 	snop  }
0x4: {  	_ = 	snop  }
0x5: {  	_ = 	snop  }
0x6: {  	_ = 	snop  }
0x7: {  	_ = 	snop  }
__scs_overlays_trampoline_lowered:
0x8: {  	[smem:$0x3FA2] =	sst s0  }
0x9: {  	[smem:$0x3FA3] =	sst s1  }
0xa: {  	[smem:$0x3FA4] =	sst s2  }
0xb: {  	[smem:$0x3FA5] =	sst s3  }
0xc: {  	[smem:$0x3FA6] =	sst s4  }
0xd: {  	[smem:$0x3FA7] =	sst s5  }
0xe: {  	[smem:$0x3FA8] =	sst s6  }
0xf: {  	[smem:$0x3FA9] =	sst s7  }
0x10: {  	[smem:$0x3FAA] =	sst s8  }
0x11: {  	[smem:$0x3FAB] =	sst s9;
	s0 =	simm.s32 @!p0 $0x0  }
0x12: {  	s1 =	sld [smem:$0x3F91];
	s0 =	simm.s32 @p0 $0x1  }
0x13: {  	[smem:$0x3FAC] =	sst s0;
	s0 =	simm.s32 @!p1 $0x0  }
0x14: {  	s2 =	sld [smem:$0x3F90];
	s0 =	simm.s32 @p1 $0x1  }
0x15: {  	[smem:$0x3FAD] =	sst s0;
	s0 =	simm.s32 @!p2 $0x0  }
0x16: {  	s3 =	sld [smem:$0x3FDB];
	s0 =	simm.s32 @p2 $0x1  }
0x17: {  	s4 =	simm.s32 $0x1BF5;
	[smem:$0x3FAF] =	sst s0  }
0x18: {  	s0 =	sld [smem:$0x3F92];
	_ =	swait.ge [sflag:s4], $0x0  }
0x19: {  	s7 =	sld [smem:$0x3F93]  }
0x1a: {  	s8 =	sadd.s32 $0xFFFFE003, lr  }
0x1b: {  	s9 =	sadd.s32 $0xFFFFFEF7, lr;
	s5 =	simm.s32 $0xFFFFFFFF;
	p2 =	slt.u32 s8, $0xFFFFF086  }
0x1c: {  	p1 =	slt.u32 s9, $0xF7A;
	s5 =	simm.s32 @!p2 $0x0  }
0x1d: {  	s5 =	simm.s32 @p1 $0x1;
	p0 =	seq.s32 s7, s2  }
0x1e: {  	s7 =	smul.u32 @!p0 $0xF7A, s2;
	p2 =	seq.s32 @!p0 s5, $0x0  }
0x1f: {  	s9 =	smul.u32 $0xF7A, s1;
	s8 =	simm.s32 @!p0 $0x1BF5;
	p2 =	por !p2, p0  }
0x20: {  	[sflag:s8] =	ssyncset.s32 @!p0 $0xFFFFF086;
	s6 =	sadd.s32 @!p0 s3, s7;
	s7 =	simm.s32 @!p0 $0x108  }
0x21: {  	s3 =	sadd.s32 s3, s9;
	s6 =	sadd.s32 @!p0 $0x88, s6;
	s7 =	simm.s32 @p2 $0x1082  }
0x22: {  	[simem:s7], [sflag:s8] =	dma.local @!p0 [hbm:s6], $0xF7A  }
0x23: {  	s9 =	sor.u32 $0xD0000000, s2;
	s6 =	simm.s32 $0x108;
	_ =	swait.ge @!p0 [sflag:s8], $0x0  }
0x24: {  	s3 =	sadd.s32 $0x88, s3;
	s6 =	simm.s32 @!p1 $0x1082;
	[sflag:s4] =	ssyncset.s32 $0xFFFFF086  }
0x25: {  	[simem:s6], [sflag:s4] =	dma.local [hbm:s3], $0xF7A  }
0x26: {  	[smem:$0x3F93] =	sst s1;
	(tag) =	ssettag s2;
	_ =	strace s9  }
0x27: {  	s1 =	sld [smem:$0x3FA3]  }
0x28: {  	s2 =	sld [smem:$0x3FA4]  }
0x29: {  	s4 =	sld [smem:$0x3FA6]  }
0x2a: {  	p0 =	seq.s32 s5, $0x0;
	s5 =	sld [smem:$0x3FA7]  }
0x2b: {  	s6 =	sld [smem:$0x3FA8]  }
0x2c: {  	s7 =	sld [smem:$0x3FA9]  }
0x2d: {  	s3 =	simm.s32 $0x108;
	s8 =	sld [smem:$0x3FAA]  }
0x2e: {  	s3 =	simm.s32 @!p0 $0x1082;
	s9 =	sld [smem:$0x3FAB]  }
0x2f: {  	lr =	sadd.s32 s0, s3;
	s0 =	sld [smem:$0x3FA2]  }
0x30: {  	s3 =	sld [smem:$0x3FA5]  }
0x31: {  	[smem:$0x3FAE] =	sst s10  }
0x32: {  	s10 =	sld [smem:$0x3FAC];
	_ =	sdelay $0x3  }
0x33: {  	p0 =	seq.s32 s10, $0x1;
	s10 =	sld [smem:$0x3FAE];
	_ =	sdelay $0x3  }
0x34: {  	[smem:$0x3FAE] =	sst s10  }
0x35: {  	s10 =	sld [smem:$0x3FAD];
	_ =	sdelay $0x3  }
0x36: {  	p1 =	seq.s32 s10, $0x1;
	s10 =	sld [smem:$0x3FAE];
	_ =	sdelay $0x3  }
0x37: {  	[smem:$0x3FAE] =	sst s10  }
0x38: {  	s10 =	sld [smem:$0x3FAF]  }
0x39: {  	_ = 	snop;
	(pc) =	sbr.ind lr, $3  }
0x3a: {  	_ = 	snop  }
0x3b: {  	_ = 	snop  }
0x3c: {  	p2 =	seq.s32 s10, $0x1;
	s10 =	sld [smem:$0x3FAE]  }
0x3d: {  	_ =	shalt  }
0x3e: {  	_ =	shalt  }
0x3f: {  	_ =	shalt  }
0x40: {  	_ =	shalt  }
0x41: {  	_ =	shalt  }
0x42: {  	_ =	shalt  }
0x43: {  	_ =	shalt  }
0x44: {  	_ =	shalt  }
0x45: {  	_ =	shalt  }
0x46: {  	_ =	shalt  }
0x47: {  	_ =	shalt  }
0x48: {  	_ =	shalt  }
0x49: {  	_ =	shalt  }
0x4a: {  	_ =	shalt  }
0x4b: {  	_ =	shalt  }
0x4c: {  	_ =	shalt  }
0x4d: {  	_ =	shalt  }
0x4e: {  	_ =	shalt  }
0x4f: {  	_ =	shalt  }
0x50: {  	_ =	shalt  }
0x51: {  	_ =	shalt  }
0x52: {  	_ =	shalt  }
0x53: {  	_ =	shalt  }
0x54: {  	_ =	shalt  }
0x55: {  	_ =	shalt  }
0x56: {  	_ =	shalt  }
0x57: {  	_ =	shalt  }
0x58: {  	_ =	shalt  }
0x59: {  	_ =	shalt  }
0x5a: {  	_ =	shalt  }
0x5b: {  	_ =	shalt  }
0x5c: {  	_ =	shalt  }
0x5d: {  	_ =	shalt  }
0x5e: {  	_ =	shalt  }
0x5f: {  	_ =	shalt  }
0x60: {  	_ =	shalt  }
0x61: {  	_ =	shalt  }
0x62: {  	_ =	shalt  }
0x63: {  	_ =	shalt  }
0x64: {  	_ =	shalt  }
0x65: {  	_ =	shalt  }
0x66: {  	_ =	shalt  }
0x67: {  	_ =	shalt  }
0x68: {  	_ =	shalt  }
0x69: {  	_ =	shalt  }
0x6a: {  	_ =	shalt  }
0x6b: {  	_ =	shalt  }
0x6c: {  	_ =	shalt  }
0x6d: {  	_ =	shalt  }
0x6e: {  	_ =	shalt  }
0x6f: {  	_ =	shalt  }
0x70: {  	_ =	shalt  }
0x71: {  	_ =	shalt  }
0x72: {  	_ =	shalt  }
0x73: {  	_ =	shalt  }
0x74: {  	_ =	shalt  }
0x75: {  	_ =	shalt  }
0x76: {  	_ =	shalt  }
0x77: {  	_ =	shalt  }
0x78: {  	_ =	shalt  }
0x79: {  	_ =	shalt  }
0x7a: {  	_ =	shalt  }
0x7b: {  	_ =	shalt  }
0x7c: {  	_ =	shalt  }
0x7d: {  	_ =	shalt  }
0x7e: {  	_ =	shalt  }
0x7f: {  	_ =	shalt  }
0x80: {  	_ =	shalt  }
0x81: {  	_ =	shalt  }
0x82: {  	_ =	shalt  }
0x83: {  	_ =	shalt  }
0x84: {  	_ =	shalt  }
0x85: {  	_ =	shalt  }
0x86: {  	_ =	shalt  }
0x87: {  	_ =	shalt  }
.Lfunc_end0:
.L_simem_size_0:
called_computation_lowered:
.L_overlay_start_0:
0x88: {  	s2 =	sld [smem:$0x3FD9]  }
0x89: {  	s3 =	sld [smem:$0x3FFE];
	_ =	sdelay $0x1  }
0x8a: {  	s1 =	srdreg.scid  }
0x8b: {  	s0 =	sand.u32 $0x1, s1  }
0x8c: {  	s14 =	sshll.u32 s0, $0xA;
	s2 =	sadd.s32 s3, s2  }
0x8d: {  	s2 =	sadd.s32 s2, s14  }
0x8e: {  	[smem:$0x3FBA] =	sst s2  }
0x8f: {  	_ = 	snop  }
0x90: {  	s2 =	sld [smem:$0x3FD0];
	_ =	sdelay $0x2  }
0x91: {  	s15 =	simm.s32 $0xA;
	s4 =	simm.s32 $0x10  }
0x92: {  	[smem:s4], [sflag:s15] =	dma.local [hbm:s2], $0x1  }
0x93: {  	_ =	swait.eq [sflag:s15], $0x1  }
0x94: {  	[sflag:s15] =	ssyncset.done $0x0  }
0x95: {  	[sflag:s15] =	ssyncadd.s32 $0xFFFFFFFF  }
0x96: {  	s16 =	sld [smem:$0x11];
	(tm) =	ssettm $0x1  }
0x97: {  	s17 =	sld [smem:$0x3FFB];
	_ =	sdelay $0x3  }
0x98: {  	_ =	strace s17  }
0x99: {  	s3 =	sld [smem:$0x3FFC];
	_ =	sdelay $0x3  }
0x9a: {  	_ =	strace s3  }
0x9b: {  	s3 =	sld [smem:$0x3FFD];
	_ =	sdelay $0x3  }
0x9c: {  	_ =	strace s3  }
0x9d: {  	_ =	strace $0x8FFFFFFF  }
0x9e: {  	s18 =	sld [smem:$0x3FDB];
	_ =	sdelay $0x1  }
0x9f: {  	s19 =	simm.s32 $_scs_section_size  }
0xa0: {  	s5 =	simm.s32 $_size__tile_overlayer_lowered;
	s6 =	simm.s32 $_tile_overlayer_lowered  }
0xa1: {  	s22 =	simm.s32 $0x1BFF;
	s21 =	sshll.u32 s6, $0x1;
	s3 =	sadd.s32 s19, s18  }
0xa2: {  	s7 =	simm.s32 $0x0;
	s20 =	sshll.u32 s5, $0x1;
	s5 =	sadd.s32 s21, s3  }
0xa3: {  	[timem:s7], [sflag:s22] =	dma.local [hbm:s5], s20  }
0xa4: {  	_ =	swait.ge [sflag:s22], s20  }
0xa5: {  	s4 =	ssub.s32 $0x0, s20;
	[sflag:s22] =	ssyncset.done $0x0  }
0xa6: {  	[sflag:s22] =	ssyncadd.s32 s4;
	_ =	sdelay $0x1  }
0xa7: {  	s23 =	simm.s32 $0x1B8B  }
0xa8: {  	_ =	swait.ge [sflag:s23], $0x1  }
0xa9: {  	[sflag:s23] =	ssyncset.done $0x0  }
0xaa: {  	s25 =	simm.s32 $0x1B8E;
	s24 =	sld [smem:$0x3FFE];
	[sflag:s23] =	ssyncadd.s32 $0xFFFFFFFF  }
0xab: {  	s26 =	simm.s32 $execute0_lowered;
	[smem:$0x3FD2] =	sst s25  }
0xac: {  	s5 =	sshll.u32 s26, $0x1;
	_ =	strace $0x80000046;
	[dreg:$0x1] =	wrdreg $0xFFFFFFFF  }
0xad: {  	s28 =	simm.s32 $_size_execute0_lowered;
	s3 =	sadd.s32 s3, s5;
	[dreg:$0x0] =	wrdreg $0x0  }
0xae: {  	s5 =	sshll.u32 s28, $0x1;
	[dreg:$0x2] =	wrdreg s3  }
0xaf: {  	[dreg:$0x3] =	wrdreg s5  }
0xb0: {  	[dreg:$0x4] =	wrdreg $0xC0  }
0xb1: {  	_ =	task [dreg:s7], $0x5FFFF  }
0xb2: {  	[dreg:$0x1] =	wrdreg $0xFFFFFFFF  }
0xb3: {  	[dreg:$0x0] =	wrdreg $0x60  }
0xb4: {  	[dreg:$0x2] =	wrdreg s24  }
0xb5: {  	[dreg:$0x3] =	wrdreg s16  }
0xb6: {  	[dreg:$0x4] =	wrdreg $0x53000  }
0xb7: {  	[dreg:$0x5] =	wrdreg $0x9  }
0xb8: {  	_ =	task.clear_ibuf [dreg:s7], $0x6FFFF;
	_ =	strace $0x90000046  }
0xb9: {  	s29 =	simm.s32 $0x9;
	_ =	strace $0x80000048  }
0xba: {  	_ =	swait.ge [sflag:s29], $0x1  }
0xbb: {  	[sflag:s29] =	ssyncadd.s32 $0xFFFFFFFF  }
0xbc: {  	_ =	strace $0x90000048  }
0xbd: {  	_ =	sfence  }
0xbe: {  	s30 =	sld [smem:$0x0];
	_ =	sdelay $0x2  }
0xbf: {  	s31 =	sshll.u32 s1, $0xD;
	s1 =	sshrl.u32 s1, $0x2  }
0xc0: {  	s3 =	sand.u32 $0x4000, s31;
	s1 =	sadd.s32 s1, s30  }
0xc1: {  	s0 =	sor.u32 s3, s0;
	s1 =	sshll.u32 s1, $0x11  }
0xc2: {  	s0 =	sor.u32 s1, s0  }
0xc3: {  	s0 =	sadd.s32 $0x8F2B, s0  }
0xc4: {  	[sflag:s0] =	ssyncadd.remote.s32 $0x1  }
0xc5: {  	_ =	sfence.sel $0xFFFF  }
0xc6: {  	[dreg:$0x0] =	wrdreg $0xFFFFFFFF;
	(pc) =	sbr.abs _section_cstart, $3  }
0xc7: {  	[dreg:$0x1] =	wrdreg $0xFFFFFFFF  }
0xc8: {  	_ =	task.clear_ibuf [dreg:s7], $0x2FFFF;
	_ =	strace $0x9FFFFFFF  }
0xc9: {  	(tm) =	ssettm $0x7FFFFFFF  }
tec
execute0_lowered:
.L_overlay_start_1:
0x0: {  	(tag) =	ssettag $0x1  }
0x1: {  	s7 =	rddreg [dreg:$0x0]  }
0x2: {  	s17 =	rddreg [dreg:$0x1]  }
0x3: {  	s1 =	rddreg [dreg:$0x2];
	s3 =	simm.s32 $0x0;
	s2 =	srdreg.scid  }
0x4: {  	s20 =	simm.s32 $0x200;
	s21 =	simm.s32 $0x300;
	s22 =	simm.s32 $0x3  }
0x5: {  	s23 =	simm.s32 $0x1;
	s24 =	simm.s32 $0x80;
	s10 =	sand.u32 $0x1, s2  }
0x6: {  	s25 =	simm.s32 $0x2;
	s2 =	stileid.u32;
	s8 =	smul.u32 $0x4E800, s10  }
0x7: {  	s26 =	simm.s32 $0x0;
	[smem:$0x7FF] =	sst s3;
	s9 =	smul.u32 $0x4E80, s2  }
0x8: {  	s4 =	sadd.s32 $0x9F000, s7;
	s5 =	sadd.s32 $0x2C00, s7;
	s13 =	smul.u32 $0x19000, s2  }
0x9: {  	s6 =	sadd.s32 $0x16600, s7;
	s11 =	ssub.s32 $0x2, s10;
	s14 =	smul.u32 $0x64000, s2  }
0xa: {  	s7 =	sadd.s32 $0x2A000, s7;
	s15 =	smul.u32 $0x190000, s10;
	s31 =	sshrl.u32 s11, $0x1  }
0xb: {  	_ =	strace $0x80000047;
	s8 =	sadd.s32 s9, s8;
	s18 =	ssub.s32 s11, s31  }
0xc: {  	s14 =	sshrl.u32 s14, $0x2;
	s15 =	sadd.s32 s13, s15;
	s12 =	sshrl.u32 s8, $0x3  }
0xd: {  	s16 =	sadd.s32 s14, s1;
	s19 =	sshrl.u32 s15, $0x3;
	s18 =	smax.u32 s18, $0x1  }
0xe: {  	s9 =	sadd.s32 s5, s12;
	s10 =	sadd.s32 s6, s12;
	s11 =	sadd.s32 s7, s12  }
0xf: {  	s12 =	sadd.s32 s13, s1;
	s13 =	sadd.s32 $0x5000, s16;
	s14 =	sadd.s32 $0xA000, s16  }
0x10: {  	v0 =	vimm.f32 $0.0e+00;
	s15 =	sadd.s32 $0xF000, s16;
	s16 =	sadd.s32 $0x14000, s16;
	s17 =	sadd.s32 s17, s19  }
.LBB2_1:
0x11: {  	[tilespmem:s3], [sflag:$0x1] =	stream.linear.gather [hbm4b:s9+s3], $0x80, $0x38;
	[tilespmem:$0x1E300] =	vst v63  }
0x12: {  	s0 =	simm.s32 $0x100  }
0x13: {  	[tilespmem:s0], [sflag:$0x1] =	stream.linear.gather [hbm4b:s10+s3], $0x80, $0x38;
	[tilespmem:$0x1E300] =	vst v63  }
0x14: {  	s28 =	simm.s32 $0x0;
	s29 =	simm.s32 $0x280  }
0x15: {  	[tilespmem:s20], [sflag:$0x1] =	stream.linear.gather [hbm4b:s11+s3], $0x80, $0x38;
	[tilespmem:$0x1E300] =	vst v63  }
.LBB2_2:
0x16: {  	p0 =	sne.s32 s29, $0x13D80;
	[tilespmem:s28+$0x390] =	vst v0  }
0x17: {  	[tilespmem:s28+$0x300] =	vst v0  }
0x18: {  	[tilespmem:s28+$0x310] =	vst v0  }
0x19: {  	[tilespmem:s28+$0x320] =	vst v0  }
0x1a: {  	[tilespmem:s28+$0x330] =	vst v0  }
.Ltmp0:
0x1b: {  	[tilespmem:s28+$0x340] =	vst v0;
	(pc) =	sbr.rel @p0 .LBB2_2-.Ltmp0, $4  }
0x1c: {  	[tilespmem:s28+$0x350] =	vst v0  }
0x1d: {  	[tilespmem:s28+$0x360] =	vst v0  }
0x1e: {  	[tilespmem:s28+$0x370] =	vst v0  }
0x1f: {  	[tilespmem:s28+$0x380] =	vst v0;
	s28 =	sshra.s32 s29, $0x2;
	s29 =	sadd.s32 $0x280, s29  }
0x20: {  	[tilespmem:s28+$0x390] =	vst v0  }
0x21: {  	[tilespmem:s28+$0x300] =	vst v0  }
0x22: {  	[tilespmem:s28+$0x310] =	vst v0  }
0x23: {  	[tilespmem:s28+$0x320] =	vst v0  }
0x24: {  	[tilespmem:s28+$0x330] =	vst v0  }
0x25: {  	[tilespmem:s28+$0x340] =	vst v0  }
0x26: {  	[tilespmem:s28+$0x350] =	vst v0  }
0x27: {  	[tilespmem:s28+$0x360] =	vst v0  }
0x28: {  	[tilespmem:s28+$0x370] =	vst v0  }
0x29: {  	[tilespmem:s28+$0x380] =	vst v0  }
0x2a: {  	[spmem:s12] =	stream.linear.scatter [tilespmem:s21], [sflag:$0x3], $0x5000, $0x38;
	[tilespmem:$0x1E300] =	vst v63  }
0x2b: {  	_ =	swait.ge [sflag:s22], $0x5000  }
0x2c: {  	[sflag:s22] =	ssyncset.done $0x0  }
0x2d: {  	[sflag:s22] =	ssyncadd.s32 $0xFFFFB000  }
0x2e: {  	[spmem:s13] =	stream.linear.scatter [tilespmem:s21], [sflag:$0x3], $0x5000, $0x38;
	[tilespmem:$0x1E300] =	vst v63  }
0x2f: {  	_ =	swait.ge [sflag:s22], $0x5000  }
0x30: {  	[sflag:s22] =	ssyncset.done $0x0  }
0x31: {  	[sflag:s22] =	ssyncadd.s32 $0xFFFFB000  }
0x32: {  	[spmem:s14] =	stream.linear.scatter [tilespmem:s21], [sflag:$0x3], $0x5000, $0x38;
	[tilespmem:$0x1E300] =	vst v63  }
0x33: {  	_ =	swait.ge [sflag:s22], $0x5000  }
0x34: {  	[sflag:s22] =	ssyncset.done $0x0  }
0x35: {  	[sflag:s22] =	ssyncadd.s32 $0xFFFFB000  }
0x36: {  	[spmem:s15] =	stream.linear.scatter [tilespmem:s21], [sflag:$0x3], $0x5000, $0x38;
	[tilespmem:$0x1E300] =	vst v63  }
0x37: {  	_ =	swait.ge [sflag:s22], $0x5000  }
0x38: {  	[sflag:s22] =	ssyncset.done $0x0  }
0x39: {  	[sflag:s22] =	ssyncadd.s32 $0xFFFFB000  }
0x3a: {  	[spmem:s16] =	stream.linear.scatter [tilespmem:s21], [sflag:$0x3], $0x5000, $0x38;
	[tilespmem:$0x1E300] =	vst v63  }
0x3b: {  	_ =	swait.ge [sflag:s22], $0x5000  }
0x3c: {  	[sflag:s22] =	ssyncset.done $0x0  }
0x3d: {  	[sflag:s22] =	ssyncadd.s32 $0xFFFFB000  }
0x3e: {  	s28 =	simm.s32 $0x0;
	[bflag:$0x0] =	sbarrier.arrive $0xFFFF  }
.LBB2_4:
0x3f: {  	_ =	swait.ge [sflag:s23], $0x80  }
0x40: {  	[sflag:s23] =	ssyncset.done $0x0  }
0x41: {  	[sflag:s23] =	ssyncadd.s32 $0xFFFFFF80  }
0x42: {  	s29 =	smov.u32 s28;
	_ =	swait.ge [sflag:s23], $0x80  }
0x43: {  	s28 =	sadd.s32 $0x1, s28;
	p0 =	seq.s32 s29, $0x9C;
	[sflag:s23] =	ssyncset.done $0x0  }
0x44: {  	s29 =	sshll.u32 s29, $0x7;
	s30 =	sshll.u32 @!p0 s28, $0x7;
	[sflag:s23] =	ssyncadd.s32 $0xFFFFFF80  }
0x45: {  	s29 =	sand.u32 $0x80, s29;
	s30 =	sadd.s32 @!p0 s8, s30;
	_ =	swait.ge [sflag:s23], $0x80  }
0x46: {  	s19 =	simm.s32 @!p0 $0x0;
	s30 =	sshrl.u32 @!p0 s30, $0x3;
	[sflag:s23] =	ssyncset.done $0x0  }
0x47: {  	s31 =	ssub.s32 @!p0 $0x80, s29;
	s0 =	sadd.s32 @!p0 s5, s30;
	[sflag:s23] =	ssyncadd.s32 $0xFFFFFF80  }
0x48: {  	[tilespmem:s31], [sflag:$0x1] =	stream.linear.gather @!p0 [hbm4b:s0+s19], $0x80, $0x38;
	[tilespmem:$0x1E300] =	vst v63  }
0x49: {  	s0 =	ssub.s32 @!p0 $0x180, s29;
	s31 =	sadd.s32 @!p0 s6, s30  }
0x4a: {  	[tilespmem:s0], [sflag:$0x1] =	stream.linear.gather @!p0 [hbm4b:s31+s19], $0x80, $0x38;
	[tilespmem:$0x1E300] =	vst v63  }
0x4b: {  	s30 =	sadd.s32 @!p0 s7, s30;
	s0 =	ssub.s32 @!p0 $0x280, s29  }
0x4c: {  	[tilespmem:s0], [sflag:$0x1] =	stream.linear.gather @!p0 [hbm4b:s30+s19], $0x80, $0x38;
	[tilespmem:$0x1E300] =	vst v63  }
0x4d: {  	s31 =	sor.u32 $0x200, s29  }
0x4e: {  	[tilespmem:s21], [sflag:$0x2] =	stream.indirect.gather [hbm4b:s4+s24], $0xA0, s29, s24, $0xb8;
	[tilespmem:$0x1E300] =	vst v63  }
0x4f: {  	v1 =	vmov s31;
	_ =	swait.ge [sflag:s25], $0x5000  }
0x50: {  	[sflag:s25] =	ssyncset.done $0x0  }
0x51: {  	s30 =	simm.s32 $0x0;
	s29 =	sor.u32 $0x100, s29;
	[sflag:s25] =	ssyncadd.s32 $0xFFFFB000  }
.LBB2_5:
0x52: {  	s0 =	sshll.u32 s30, $0x4  }
0x53: {  	s19 =	smul.u32 $0x2800, s30;
	s0 =	sand.u32 $0x3FFFFFF0, s0  }
0x54: {  	v2 =	vld.idx.msk [tilespmem:v1+s0+$0x0 ss:$0x1], $0xffff  }
0x55: {  	s31 =	sshra.s32 s19, $0x2  }
0x56: {  	v3 =	vld [tilespmem:s31+$0x300]  }
0x57: {  	v4 =	vld [tilespmem:s31+$0x310]  }
0x58: {  	v5 =	vld [tilespmem:s31+$0x320]  }
0x59: {  	v7 =	vld [tilespmem:s31+$0x330];
	v6 =	vbroadcast v2, $0x0  }
0x5a: {  	v8 =	vld [tilespmem:s31+$0x340]  }
0x5b: {  	v9 =	vld [tilespmem:s31+$0x350];
	v3 =	vmul.f32 v6, v3  }
0x5c: {  	v10 =	vld [tilespmem:s31+$0x360];
	v4 =	vmul.f32 v4, v6  }
0x5d: {  	v28 =	vld [tilespmem:s31+$0x370];
	[tilespmem:s31+$0x300] =	vst v3;
	v3 =	vmul.f32 v5, v6  }
0x5e: {  	v30 =	vld [tilespmem:s31+$0x380];
	v29 =	vmul.f32 v7, v6;
	[tilespmem:s31+$0x310] =	vst v4  }
0x5f: {  	v31 =	vld [tilespmem:s31+$0x390];
	[tilespmem:s31+$0x320] =	vst v3;
	v3 =	vmul.f32 v8, v6  }
0x60: {  	v33 =	vld [tilespmem:s31+$0x3A0];
	v32 =	vmul.f32 v9, v6;
	[tilespmem:s31+$0x330] =	vst v29  }
0x61: {  	v34 =	vld [tilespmem:s31+$0x3B0];
	[tilespmem:s31+$0x340] =	vst v3;
	v3 =	vmul.f32 v10, v6  }
0x62: {  	v36 =	vld [tilespmem:s31+$0x3C0];
	v35 =	vmul.f32 v28, v6;
	[tilespmem:s31+$0x350] =	vst v32  }
0x63: {  	v11 =	vld [tilespmem:s31+$0x3D0];
	v37 =	vbroadcast v2, $0x1;
	[tilespmem:s31+$0x360] =	vst v3;
	v3 =	vmul.f32 v30, v6  }
0x64: {  	v39 =	vld [tilespmem:s31+$0x3E0];
	v38 =	vmul.f32 v31, v6;
	[tilespmem:s31+$0x370] =	vst v35  }
0x65: {  	v40 =	vld [tilespmem:s31+$0x3F0];
	[tilespmem:s31+$0x380] =	vst v3;
	v3 =	vmul.f32 v33, v37  }
0x66: {  	v42 =	vld [tilespmem:s31+$0x400];
	v41 =	vmul.f32 v34, v37;
	[tilespmem:s31+$0x390] =	vst v38  }
0x67: {  	v43 =	vld [tilespmem:s31+$0x410];
	[tilespmem:s31+$0x3A0] =	vst v3;
	v3 =	vmul.f32 v36, v37  }
0x68: {  	v45 =	vld [tilespmem:s31+$0x420];
	v44 =	vmul.f32 v11, v37;
	[tilespmem:s31+$0x3B0] =	vst v41  }
0x69: {  	v46 =	vld [tilespmem:s31+$0x430];
	[tilespmem:s31+$0x3C0] =	vst v3;
	v3 =	vmul.f32 v39, v37  }
0x6a: {  	v48 =	vld [tilespmem:s31+$0x440];
	v47 =	vmul.f32 v40, v37;
	[tilespmem:s31+$0x3D0] =	vst v44  }
0x6b: {  	v49 =	vld [tilespmem:s31+$0x450];
	[tilespmem:s31+$0x3E0] =	vst v3;
	v3 =	vmul.f32 v42, v37  }
0x6c: {  	v51 =	vld [tilespmem:s31+$0x460];
	v50 =	vmul.f32 v43, v37;
	[tilespmem:s31+$0x3F0] =	vst v47  }
0x6d: {  	v53 =	vld [tilespmem:s31+$0x470];
	v52 =	vbroadcast v2, $0x2;
	[tilespmem:s31+$0x400] =	vst v3;
	v3 =	vmul.f32 v45, v37  }
0x6e: {  	v55 =	vld [tilespmem:s31+$0x480];
	v54 =	vmul.f32 v46, v37;
	[tilespmem:s31+$0x410] =	vst v50  }
0x6f: {  	v56 =	vld [tilespmem:s31+$0x490];
	[tilespmem:s31+$0x420] =	vst v3;
	v3 =	vmul.f32 v48, v52  }
0x70: {  	v58 =	vld [tilespmem:s31+$0x4A0];
	v57 =	vmul.f32 v49, v52;
	[tilespmem:s31+$0x430] =	vst v54  }
0x71: {  	v59 =	vld [tilespmem:s31+$0x4B0];
	[tilespmem:s31+$0x440] =	vst v3;
	v3 =	vmul.f32 v51, v52  }
0x72: {  	v61 =	vld [tilespmem:s31+$0x4C0];
	v60 =	vmul.f32 v53, v52;
	[tilespmem:s31+$0x450] =	vst v57  }
0x73: {  	v62 =	vld [tilespmem:s31+$0x4D0];
	[tilespmem:s31+$0x460] =	vst v3;
	v3 =	vmul.f32 v55, v52  }
0x74: {  	v12 =	vld [tilespmem:s31+$0x4E0];
	v63 =	vmul.f32 v56, v52;
	[tilespmem:s31+$0x470] =	vst v60  }
0x75: {  	v13 =	vld [tilespmem:s31+$0x4F0];
	[tilespmem:s31+$0x480] =	vst v3;
	v3 =	vmul.f32 v58, v52  }
0x76: {  	v15 =	vld [tilespmem:s31+$0x500];
	v14 =	vmul.f32 v59, v52;
	[tilespmem:s31+$0x490] =	vst v63  }
0x77: {  	v17 =	vld [tilespmem:s31+$0x510];
	v16 =	vbroadcast v2, $0x3;
	[tilespmem:s31+$0x4A0] =	vst v3;
	v3 =	vmul.f32 v61, v52  }
0x78: {  	v19 =	vld [tilespmem:s31+$0x520];
	v18 =	vmul.f32 v62, v52;
	[tilespmem:s31+$0x4B0] =	vst v14  }
0x79: {  	v20 =	vld [tilespmem:s31+$0x530];
	[tilespmem:s31+$0x4C0] =	vst v3;
	v3 =	vmul.f32 v12, v16  }
0x7a: {  	v22 =	vld [tilespmem:s31+$0x540];
	v21 =	vmul.f32 v13, v16;
	[tilespmem:s31+$0x4D0] =	vst v18  }
0x7b: {  	v26 =	vld [tilespmem:s31+$0x570];
	[tilespmem:s31+$0x4E0] =	vst v3;
	v3 =	vmul.f32 v15, v16  }
0x7c: {  	v25 =	vld [tilespmem:s31+$0x560];
	v24 =	vmul.f32 v17, v16;
	[tilespmem:s31+$0x4F0] =	vst v21  }
0x7d: {  	v23 =	vld [tilespmem:s31+$0x550];
	[tilespmem:s31+$0x500] =	vst v3;
	v3 =	vmul.f32 v19, v16  }
0x7e: {  	v27 =	vmul.f32 v20, v16;
	v28 =	vld [tilespmem:s31+$0x580];
	[tilespmem:s31+$0x510] =	vst v24  }
0x7f: {  	v33 =	vld [tilespmem:s31+$0x5B0];
	[tilespmem:s31+$0x520] =	vst v3;
	v3 =	vmul.f32 v22, v16  }
0x80: {  	v31 =	vld [tilespmem:s31+$0x5A0];
	v34 =	vmul.f32 v26, v16;
	[tilespmem:s31+$0x530] =	vst v27  }
0x81: {  	v32 =	vbroadcast v2, $0x4;
	v36 =	vld [tilespmem:s31+$0x5D0];
	[tilespmem:s31+$0x540] =	vst v3;
	v3 =	vmul.f32 v25, v16  }
0x82: {  	v35 =	vld [tilespmem:s31+$0x5C0];
	[tilespmem:s31+$0x570] =	vst v34;
	v30 =	vmul.f32 v23, v16  }
0x83: {  	v29 =	vld [tilespmem:s31+$0x590];
	[tilespmem:s31+$0x560] =	vst v3;
	v3 =	vmul.f32 v28, v32  }
0x84: {  	v38 =	vld [tilespmem:s31+$0x5E0];
	[tilespmem:s31+$0x550] =	vst v30;
	v40 =	vmul.f32 v33, v32  }
0x85: {  	v39 =	vld [tilespmem:s31+$0x5F0];
	[tilespmem:s31+$0x580] =	vst v3;
	v3 =	vmul.f32 v31, v32  }
0x86: {  	v41 =	vld [tilespmem:s31+$0x600];
	[tilespmem:s31+$0x5B0] =	vst v40;
	v43 =	vmul.f32 v36, v32  }
0x87: {  	v42 =	vld [tilespmem:s31+$0x610];
	[tilespmem:s31+$0x5A0] =	vst v3;
	v3 =	vmul.f32 v35, v32  }
0x88: {  	v44 =	vld [tilespmem:s31+$0x620];
	v37 =	vmul.f32 v29, v32;
	[tilespmem:s31+$0x5D0] =	vst v43  }
0x89: {  	v49 =	vld [tilespmem:s31+$0x650];
	[tilespmem:s31+$0x5C0] =	vst v3;
	v3 =	vmul.f32 v38, v32  }
0x8a: {  	v47 =	vld [tilespmem:s31+$0x640];
	v46 =	vmul.f32 v39, v32;
	[tilespmem:s31+$0x590] =	vst v37  }
0x8b: {  	v45 =	vld [tilespmem:s31+$0x630];
	v48 =	vbroadcast v2, $0x5;
	[tilespmem:s31+$0x5E0] =	vst v3;
	v3 =	vmul.f32 v41, v32  }
0x8c: {  	[tilespmem:s31+$0x5F0] =	vst v46;
	v50 =	vmul.f32 v42, v32;
	v51 =	vld [tilespmem:s31+$0x660]  }
0x8d: {  	v55 =	vld [tilespmem:s31+$0x690];
	[tilespmem:s31+$0x600] =	vst v3;
	v3 =	vmul.f32 v44, v48  }
0x8e: {  	v54 =	vld [tilespmem:s31+$0x680];
	v56 =	vmul.f32 v49, v48;
	[tilespmem:s31+$0x610] =	vst v50  }
0x8f: {  	v58 =	vld [tilespmem:s31+$0x6B0];
	[tilespmem:s31+$0x620] =	vst v3;
	v3 =	vmul.f32 v47, v48  }
0x90: {  	v57 =	vld [tilespmem:s31+$0x6A0];
	v53 =	vmul.f32 v45, v48;
	[tilespmem:s31+$0x650] =	vst v56  }
0x91: {  	v13 =	vld [tilespmem:s31+$0x6F0];
	[tilespmem:s31+$0x640] =	vst v3;
	v3 =	vmul.f32 v51, v48  }
0x92: {  	v60 =	vld [tilespmem:s31+$0x6C0];
	[tilespmem:s31+$0x630] =	vst v53;
	v62 =	vmul.f32 v55, v48  }
0x93: {  	v52 =	vld [tilespmem:s31+$0x670];
	[tilespmem:s31+$0x660] =	vst v3;
	v3 =	vmul.f32 v54, v48  }
0x94: {  	v63 =	vld [tilespmem:s31+$0x6E0];
	v12 =	vbroadcast v2, $0x6;
	[tilespmem:s31+$0x690] =	vst v62;
	v14 =	vmul.f32 v58, v48  }
0x95: {  	v61 =	vld [tilespmem:s31+$0x6D0];
	[tilespmem:s31+$0x680] =	vst v3;
	v3 =	vmul.f32 v57, v48  }
0x96: {  	v15 =	vld [tilespmem:s31+$0x700];
	v20 =	vmul.f32 v13, v12;
	[tilespmem:s31+$0x6B0] =	vst v14  }
0x97: {  	v19 =	vld [tilespmem:s31+$0x730];
	[tilespmem:s31+$0x6A0] =	vst v3;
	v3 =	vmul.f32 v60, v12  }
0x98: {  	v18 =	vld [tilespmem:s31+$0x720];
	v59 =	vmul.f32 v52, v48;
	[tilespmem:s31+$0x6F0] =	vst v20  }
0x99: {  	v22 =	vld [tilespmem:s31+$0x750];
	[tilespmem:s31+$0x6C0] =	vst v3;
	v3 =	vmul.f32 v63, v12  }
0x9a: {  	v21 =	vld [tilespmem:s31+$0x740];
	v17 =	vmul.f32 v61, v12;
	[tilespmem:s31+$0x670] =	vst v59  }
0x9b: {  	v29 =	vld [tilespmem:s31+$0x790];
	[tilespmem:s31+$0x6E0] =	vst v3;
	v3 =	vmul.f32 v15, v12  }
0x9c: {  	v24 =	vld [tilespmem:s31+$0x760];
	[tilespmem:s31+$0x6D0] =	vst v17;
	v26 =	vmul.f32 v19, v12  }
0x9d: {  	v16 =	vld [tilespmem:s31+$0x710];
	[tilespmem:s31+$0x700] =	vst v3;
	v3 =	vmul.f32 v18, v12  }
0x9e: {  	v27 =	vld [tilespmem:s31+$0x780];
	v28 =	vbroadcast v2, $0x7;
	[tilespmem:s31+$0x730] =	vst v26;
	v30 =	vmul.f32 v22, v12  }
0x9f: {  	v25 =	vld [tilespmem:s31+$0x770];
	[tilespmem:s31+$0x720] =	vst v3;
	v3 =	vmul.f32 v21, v12  }
0xa0: {  	v31 =	vld [tilespmem:s31+$0x7A0];
	v36 =	vmul.f32 v29, v28;
	[tilespmem:s31+$0x750] =	vst v30  }
0xa1: {  	v35 =	vld [tilespmem:s31+$0x7D0];
	[tilespmem:s31+$0x740] =	vst v3;
	v3 =	vmul.f32 v24, v28  }
0xa2: {  	v34 =	vld [tilespmem:s31+$0x7C0];
	v23 =	vmul.f32 v16, v12;
	[tilespmem:s31+$0x790] =	vst v36  }
0xa3: {  	v38 =	vld [tilespmem:s31+$0x7F0];
	[tilespmem:s31+$0x760] =	vst v3;
	v3 =	vmul.f32 v27, v28  }
0xa4: {  	v37 =	vld [tilespmem:s31+$0x7E0];
	v33 =	vmul.f32 v25, v28;
	[tilespmem:s31+$0x710] =	vst v23  }
0xa5: {  	v45 =	vld [tilespmem:s31+$0x830];
	[tilespmem:s31+$0x780] =	vst v3;
	v3 =	vmul.f32 v31, v28  }
0xa6: {  	v40 =	vld [tilespmem:s31+$0x800];
	[tilespmem:s31+$0x770] =	vst v33;
	v42 =	vmul.f32 v35, v28  }
0xa7: {  	v32 =	vld [tilespmem:s31+$0x7B0];
	[tilespmem:s31+$0x7A0] =	vst v3;
	v3 =	vmul.f32 v34, v28  }
0xa8: {  	v43 =	vld [tilespmem:s31+$0x820];
	v44 =	vbroadcast v2, $0x8;
	[tilespmem:s31+$0x7D0] =	vst v42;
	v46 =	vmul.f32 v38, v28  }
0xa9: {  	v41 =	vld [tilespmem:s31+$0x810];
	[tilespmem:s31+$0x7C0] =	vst v3;
	v3 =	vmul.f32 v37, v28  }
0xaa: {  	v47 =	vld [tilespmem:s31+$0x840];
	v52 =	vmul.f32 v45, v44;
	[tilespmem:s31+$0x7F0] =	vst v46  }
0xab: {  	v51 =	vld [tilespmem:s31+$0x870];
	[tilespmem:s31+$0x7E0] =	vst v3;
	v3 =	vmul.f32 v40, v44  }
0xac: {  	v50 =	vld [tilespmem:s31+$0x860];
	v39 =	vmul.f32 v32, v28;
	[tilespmem:s31+$0x830] =	vst v52  }
0xad: {  	v54 =	vld [tilespmem:s31+$0x890];
	[tilespmem:s31+$0x800] =	vst v3;
	v3 =	vmul.f32 v43, v44  }
0xae: {  	v53 =	vld [tilespmem:s31+$0x880];
	v49 =	vmul.f32 v41, v44;
	[tilespmem:s31+$0x7B0] =	vst v39  }
0xaf: {  	v61 =	vld [tilespmem:s31+$0x8D0];
	[tilespmem:s31+$0x820] =	vst v3;
	v3 =	vmul.f32 v47, v44  }
0xb0: {  	v56 =	vld [tilespmem:s31+$0x8A0];
	[tilespmem:s31+$0x810] =	vst v49;
	v58 =	vmul.f32 v51, v44  }
0xb1: {  	v48 =	vld [tilespmem:s31+$0x850];
	[tilespmem:s31+$0x840] =	vst v3;
	v3 =	vmul.f32 v50, v44  }
0xb2: {  	v59 =	vld [tilespmem:s31+$0x8C0];
	v60 =	vbroadcast v2, $0x9;
	[tilespmem:s31+$0x870] =	vst v58;
	v62 =	vmul.f32 v54, v44  }
0xb3: {  	v57 =	vld [tilespmem:s31+$0x8B0];
	[tilespmem:s31+$0x860] =	vst v3;
	v3 =	vmul.f32 v53, v44  }
0xb4: {  	v63 =	vld [tilespmem:s31+$0x8E0];
	v16 =	vmul.f32 v61, v60;
	[tilespmem:s31+$0x890] =	vst v62  }
0xb5: {  	v15 =	vld [tilespmem:s31+$0x910];
	[tilespmem:s31+$0x880] =	vst v3;
	v3 =	vmul.f32 v56, v60  }
0xb6: {  	v14 =	vld [tilespmem:s31+$0x900];
	v55 =	vmul.f32 v48, v44;
	[tilespmem:s31+$0x8D0] =	vst v16  }
0xb7: {  	v18 =	vld [tilespmem:s31+$0x930];
	[tilespmem:s31+$0x8A0] =	vst v3;
	v3 =	vmul.f32 v59, v60  }
0xb8: {  	v17 =	vld [tilespmem:s31+$0x920];
	v13 =	vmul.f32 v57, v60;
	[tilespmem:s31+$0x850] =	vst v55  }
0xb9: {  	v25 =	vld [tilespmem:s31+$0x970];
	[tilespmem:s31+$0x8C0] =	vst v3;
	v3 =	vmul.f32 v63, v60  }
0xba: {  	v20 =	vld [tilespmem:s31+$0x940];
	[tilespmem:s31+$0x8B0] =	vst v13;
	v22 =	vmul.f32 v15, v60  }
0xbb: {  	v12 =	vld [tilespmem:s31+$0x8F0];
	[tilespmem:s31+$0x8E0] =	vst v3;
	v3 =	vmul.f32 v14, v60  }
0xbc: {  	v23 =	vld [tilespmem:s31+$0x960];
	v24 =	vbroadcast v2, $0xA;
	[tilespmem:s31+$0x910] =	vst v22;
	v26 =	vmul.f32 v18, v60  }
0xbd: {  	v21 =	vld [tilespmem:s31+$0x950];
	[tilespmem:s31+$0x900] =	vst v3;
	v3 =	vmul.f32 v17, v60  }
0xbe: {  	v27 =	vld [tilespmem:s31+$0x980];
	v32 =	vmul.f32 v25, v24;
	[tilespmem:s31+$0x930] =	vst v26  }
0xbf: {  	v31 =	vld [tilespmem:s31+$0x9B0];
	[tilespmem:s31+$0x920] =	vst v3;
	v3 =	vmul.f32 v20, v24  }
0xc0: {  	v30 =	vld [tilespmem:s31+$0x9A0];
	v19 =	vmul.f32 v12, v60;
	[tilespmem:s31+$0x970] =	vst v32  }
0xc1: {  	v34 =	vld [tilespmem:s31+$0x9D0];
	[tilespmem:s31+$0x940] =	vst v3;
	v3 =	vmul.f32 v23, v24  }
0xc2: {  	v33 =	vld [tilespmem:s31+$0x9C0];
	v29 =	vmul.f32 v21, v24;
	[tilespmem:s31+$0x8F0] =	vst v19  }
0xc3: {  	v41 =	vld [tilespmem:s31+$0xA10];
	[tilespmem:s31+$0x960] =	vst v3;
	v3 =	vmul.f32 v27, v24  }
0xc4: {  	v36 =	vld [tilespmem:s31+$0x9E0];
	[tilespmem:s31+$0x950] =	vst v29;
	v38 =	vmul.f32 v31, v24  }
0xc5: {  	v28 =	vld [tilespmem:s31+$0x990];
	[tilespmem:s31+$0x980] =	vst v3;
	v3 =	vmul.f32 v30, v24  }
0xc6: {  	v39 =	vld [tilespmem:s31+$0xA00];
	v40 =	vbroadcast v2, $0xB;
	[tilespmem:s31+$0x9B0] =	vst v38;
	v42 =	vmul.f32 v34, v24  }
0xc7: {  	v37 =	vld [tilespmem:s31+$0x9F0];
	[tilespmem:s31+$0x9A0] =	vst v3;
	v3 =	vmul.f32 v33, v24  }
0xc8: {  	v43 =	vld [tilespmem:s31+$0xA20];
	v48 =	vmul.f32 v41, v40;
	[tilespmem:s31+$0x9D0] =	vst v42  }
0xc9: {  	v47 =	vld [tilespmem:s31+$0xA50];
	[tilespmem:s31+$0x9C0] =	vst v3;
	v3 =	vmul.f32 v36, v40  }
0xca: {  	v46 =	vld [tilespmem:s31+$0xA40];
	v35 =	vmul.f32 v28, v24;
	[tilespmem:s31+$0xA10] =	vst v48  }
0xcb: {  	v50 =	vld [tilespmem:s31+$0xA70];
	[tilespmem:s31+$0x9E0] =	vst v3;
	v3 =	vmul.f32 v39, v40  }
0xcc: {  	v49 =	vld [tilespmem:s31+$0xA60];
	v45 =	vmul.f32 v37, v40;
	[tilespmem:s31+$0x990] =	vst v35  }
0xcd: {  	v57 =	vld [tilespmem:s31+$0xAB0];
	[tilespmem:s31+$0xA00] =	vst v3;
	v3 =	vmul.f32 v43, v40  }
0xce: {  	v52 =	vld [tilespmem:s31+$0xA80];
	[tilespmem:s31+$0x9F0] =	vst v45;
	v54 =	vmul.f32 v47, v40  }
0xcf: {  	v44 =	vld [tilespmem:s31+$0xA30];
	[tilespmem:s31+$0xA20] =	vst v3;
	v3 =	vmul.f32 v46, v40  }
0xd0: {  	v55 =	vld [tilespmem:s31+$0xAA0];
	v56 =	vbroadcast v2, $0xC;
	[tilespmem:s31+$0xA50] =	vst v54;
	v58 =	vmul.f32 v50, v40  }
0xd1: {  	v53 =	vld [tilespmem:s31+$0xA90];
	[tilespmem:s31+$0xA40] =	vst v3;
	v3 =	vmul.f32 v49, v40  }
0xd2: {  	v59 =	vld [tilespmem:s31+$0xAC0];
	v12 =	vmul.f32 v57, v56;
	[tilespmem:s31+$0xA70] =	vst v58  }
0xd3: {  	v63 =	vld [tilespmem:s31+$0xAF0];
	[tilespmem:s31+$0xA60] =	vst v3;
	v3 =	vmul.f32 v52, v56  }
0xd4: {  	v62 =	vld [tilespmem:s31+$0xAE0];
	v51 =	vmul.f32 v44, v40;
	[tilespmem:s31+$0xAB0] =	vst v12  }
0xd5: {  	v14 =	vld [tilespmem:s31+$0xB10];
	[tilespmem:s31+$0xA80] =	vst v3;
	v3 =	vmul.f32 v55, v56  }
0xd6: {  	v13 =	vld [tilespmem:s31+$0xB00];
	v61 =	vmul.f32 v53, v56;
	[tilespmem:s31+$0xA30] =	vst v51  }
0xd7: {  	v21 =	vld [tilespmem:s31+$0xB50];
	[tilespmem:s31+$0xAA0] =	vst v3;
	v3 =	vmul.f32 v59, v56  }
0xd8: {  	v16 =	vld [tilespmem:s31+$0xB20];
	[tilespmem:s31+$0xA90] =	vst v61;
	v18 =	vmul.f32 v63, v56  }
0xd9: {  	v60 =	vld [tilespmem:s31+$0xAD0];
	[tilespmem:s31+$0xAC0] =	vst v3;
	v3 =	vmul.f32 v62, v56  }
0xda: {  	v19 =	vld [tilespmem:s31+$0xB40];
	v20 =	vbroadcast v2, $0xD;
	[tilespmem:s31+$0xAF0] =	vst v18;
	v22 =	vmul.f32 v14, v56  }
0xdb: {  	v17 =	vld [tilespmem:s31+$0xB30];
	[tilespmem:s31+$0xAE0] =	vst v3;
	v3 =	vmul.f32 v13, v56  }
0xdc: {  	v23 =	vld [tilespmem:s31+$0xB60];
	v28 =	vmul.f32 v21, v20;
	[tilespmem:s31+$0xB10] =	vst v22  }
0xdd: {  	v27 =	vld [tilespmem:s31+$0xB90];
	[tilespmem:s31+$0xB00] =	vst v3;
	v3 =	vmul.f32 v16, v20  }
0xde: {  	v26 =	vld [tilespmem:s31+$0xB80];
	v15 =	vmul.f32 v60, v56;
	[tilespmem:s31+$0xB50] =	vst v28  }
0xdf: {  	v30 =	vld [tilespmem:s31+$0xBB0];
	[tilespmem:s31+$0xB20] =	vst v3;
	v3 =	vmul.f32 v19, v20  }
0xe0: {  	v29 =	vld [tilespmem:s31+$0xBA0];
	v25 =	vmul.f32 v17, v20;
	[tilespmem:s31+$0xAD0] =	vst v15  }
0xe1: {  	v37 =	vld [tilespmem:s31+$0xBF0];
	[tilespmem:s31+$0xB40] =	vst v3;
	v3 =	vmul.f32 v23, v20  }
0xe2: {  	v32 =	vld [tilespmem:s31+$0xBC0];
	[tilespmem:s31+$0xB30] =	vst v25;
	v34 =	vmul.f32 v27, v20  }
0xe3: {  	v58 =	vld [tilespmem:s31+$0xCD0];
	[tilespmem:s31+$0xB60] =	vst v3;
	v3 =	vmul.f32 v26, v20  }
0xe4: {  	v35 =	vld [tilespmem:s31+$0xBE0];
	v36 =	vbroadcast v2, $0xE;
	[tilespmem:s31+$0xB90] =	vst v34;
	v38 =	vmul.f32 v30, v20  }
0xe5: {  	v24 =	vld [tilespmem:s31+$0xB70];
	[tilespmem:s31+$0xB80] =	vst v3;
	v3 =	vmul.f32 v29, v20  }
0xe6: {  	v2 =	vbroadcast v2, $0xF;
	v39 =	vld [tilespmem:s31+$0xC00];
	v44 =	vmul.f32 v37, v36;
	[tilespmem:s31+$0xBB0] =	vst v38  }
0xe7: {  	v33 =	vld [tilespmem:s31+$0xBD0];
	[tilespmem:s31+$0xBA0] =	vst v3;
	v3 =	vmul.f32 v32, v36  }
0xe8: {  	v42 =	vld [tilespmem:s31+$0xC20];
	v63 =	vmul.f32 v58, v2;
	[tilespmem:s31+$0xBF0] =	vst v44  }
0xe9: {  	v43 =	vld [tilespmem:s31+$0xC30];
	[tilespmem:s31+$0xBC0] =	vst v3;
	v3 =	vmul.f32 v35, v36  }
0xea: {  	v45 =	vld [tilespmem:s31+$0xC40];
	v31 =	vmul.f32 v24, v20;
	[tilespmem:s31+$0xCD0] =	vst v63  }
0xeb: {  	v46 =	vld [tilespmem:s31+$0xC50];
	[tilespmem:s31+$0xBE0] =	vst v3;
	v3 =	vmul.f32 v39, v36  }
0xec: {  	v48 =	vld [tilespmem:s31+$0xC60];
	v41 =	vmul.f32 v33, v36;
	[tilespmem:s31+$0xB70] =	vst v31  }
0xed: {  	v40 =	vld [tilespmem:s31+$0xC10];
	[tilespmem:s31+$0xC00] =	vst v3;
	v3 =	vmul.f32 v42, v36  }
0xee: {  	v51 =	vld [tilespmem:s31+$0xC80];
	[tilespmem:s31+$0xBD0] =	vst v41;
	v50 =	vmul.f32 v43, v36  }
0xef: {  	v52 =	vld [tilespmem:s31+$0xC90];
	[tilespmem:s31+$0xC20] =	vst v3;
	v3 =	vmul.f32 v45, v36  }
0xf0: {  	v54 =	vld [tilespmem:s31+$0xCA0];
	[tilespmem:s31+$0xC30] =	vst v50;
	v53 =	vmul.f32 v46, v36  }
0xf1: {  	v55 =	vld [tilespmem:s31+$0xCB0];
	[tilespmem:s31+$0xC40] =	vst v3;
	v3 =	vmul.f32 v48, v2  }
0xf2: {  	v57 =	vld [tilespmem:s31+$0xCC0];
	v47 =	vmul.f32 v40, v36;
	[tilespmem:s31+$0xC50] =	vst v53  }
0xf3: {  	v49 =	vld [tilespmem:s31+$0xC70];
	[tilespmem:s31+$0xC60] =	vst v3;
	v3 =	vmul.f32 v51, v2  }
0xf4: {  	v60 =	vld [tilespmem:s31+$0xCE0];
	[tilespmem:s31+$0xC10] =	vst v47;
	v59 =	vmul.f32 v52, v2  }
0xf5: {  	v61 =	vld [tilespmem:s31+$0xCF0];
	[tilespmem:s31+$0xC80] =	vst v3;
	v3 =	vmul.f32 v54, v2  }
0xf6: {  	[tilespmem:s31+$0xC90] =	vst v59;
	v62 =	vmul.f32 v55, v2  }
0xf7: {  	p0 =	sne.s32 s30, $0x7;
	[tilespmem:s31+$0xCA0] =	vst v3;
	v3 =	vmul.f32 v57, v2  }
.Ltmp1:
0xf8: {  	v56 =	vmul.f32 v49, v2;
	[tilespmem:s31+$0xCB0] =	vst v62;
	(pc) =	sbr.rel @p0 .LBB2_5-.Ltmp1, $4  }
0xf9: {  	[tilespmem:s31+$0xCC0] =	vst v3;
	v3 =	vmul.f32 v60, v2  }
0xfa: {  	[tilespmem:s31+$0xC70] =	vst v56;
	v2 =	vmul.f32 v61, v2  }
0xfb: {  	[tilespmem:s31+$0xCE0] =	vst v3  }
0xfc: {  	s30 =	sadd.s32 $0x1, s30;
	[tilespmem:s31+$0xCF0] =	vst v2  }
0xfd: {  	p0 =	sne.s32 s28, $0x9D  }
.Ltmp2:
0xfe: {  	_ = 	snop;
	(pc) =	sbr.rel @p0 .LBB2_4-.Ltmp2, $4  }
0xff: {  	[spmem:s1] =	stream.indirect.scatter.add.f32 [tilespmem:s21], [sflag:$0x3], $0xA0, s29, s24, $0xb8;
	[tilespmem:$0x1E300] =	vst v63  }
0x100: {  	_ =	swait.ge [sflag:s22], $0x5000  }
0x101: {  	[sflag:s22] =	ssyncset.done $0x0  }
0x102: {  	[sflag:s22] =	ssyncadd.s32 $0xFFFFB000  }
0x103: {  	s26 =	sadd.s32 $0x1, s26  }
0x104: {  	s0 =	sshll.u32 s2, $0x6;
	[bflag:$0x0] =	sbarrier.arrive $0xFFFF;
	p0 =	sne.s32 s26, s18  }
.Ltmp3:
0x105: {  	s19 =	sshrl.u32 s12, $0x3;
	s0 =	sor.u32 $0x1C03, s0;
	(pc) =	sbr.rel @p0 .LBB2_1-.Ltmp3, $4  }
0x106: {  	[hbm:s17], [sflag:s0] =	dma.local [spmem:s19], $0x3200  }
0x107: {  	_ =	swait.ge [sflag:s22], $0x3200  }
0x108: {  	[sflag:s22] =	ssyncset.done $0x0  }
0x109: {  	[sflag:s22] =	ssyncadd.s32 $0xFFFFCE00  }
0x10a: {  	_ =	sfence.sel $0x180000  }
0x10b: {  	[bflag:$0x0] =	sbarrier.arrive $0xFFFF  }
0x10c: {  	_ =	strace $0x90000047  }
0x10d: {  	[bflag:$0x2] =	sbarrier.arrive $0xFFFF  }
0x10e: {  	p0 =	sne.s32 s2, $0x0;
	s0 =	rddreg [dreg:$0x3]  }
0x10f: {  	s0 =	sadd.s32 @!p0 $0x100000, s0  }
0x110: {  	[sflag:s0] =	ssyncadd.tile.s32 @!p0 $0x1;
	_ =	shalt  }
.Lfunc_end2:
_tile_overlayer_lowered:
.L_overlay_start_2:
0x111: {  	(tag) =	ssettag $0x2  }
0x112: {  	s0 =	rddreg [dreg:$0x0];
	s2 =	stileid.u32  }
0x113: {  	s1 =	rddreg [dreg:$0x1];
	p0 =	sne.s32 s2, $0x0  }
0x114: {  	s3 =	rddreg [dreg:$0x2];
	[bflag:$0x3] =	sbarrier.arrive $0xFFFF;
	s2 =	simm.s32 @!p0 $0x1C03  }
0x115: {  	[timem:s3], [sflag:s2] =	dma.local @!p0 [hbm:s0], s1  }
0x116: {  	s0 =	simm.s32 @!p0 $0x3  }
0x117: {  	_ =	swait.ge @!p0 [sflag:s0], s1  }
0x118: {  	s1 =	ssub.s32 @!p0 $0x0, s1;
	[sflag:s0] =	ssyncset.done @!p0 $0x0  }
0x119: {  	[sflag:s0] =	ssyncadd.s32 @!p0 s1  }
0x11a: {  	[bflag:$0x3] =	sbarrier.arrive $0xFFFF  }
0x11b: {  	_ =	shalt  }

</sc_bundles>
